<compile_context>
chip_gen: v7x
topology: tpu7x:2x2x1
jax: 0.10.2.dev20260603
libtpu: 0.0.44.dev20260713+nightly
codegen_flags: <defaults>
</compile_context>

<pallas_src>
import dataclasses
import functools

import jax
import jax.numpy as jnp
from jax import lax
from jax.experimental import pallas as pl
from jax.experimental.pallas import tpu as pltpu
from jax.experimental.pallas import tpu_sc as plsc

N_NODES = 10000
N_EDGES = 320000
F = 128
H = 256

NC = 2
NS = 16
NW = NC * NS
L = 16

CHUNK = 128
EDGES_PER_TILE = 10240
E_PAD = EDGES_PER_TILE * NW
NPAD = 10112
ROWS_PER_TILE = NPAD // NS
TRASH = N_NODES

@functools.cache
def _vmesh():
    return plsc.VectorSubcoreMesh(core_axis_name="c", subcore_axis_name="s",
                                  num_cores=NC, num_subcores=NS)


def _f32(*shape):
    return jax.ShapeDtypeStruct(shape, jnp.float32)


@functools.cache
def _make_segsum(width, chunk, with_hist=False):
    nk = EDGES_PER_TILE // chunk
    out_type = [_f32(NC, NPAD, width)]
    scratch = [
        pltpu.VMEM((4, 2, chunk), jnp.int32),
        pltpu.VMEM((2, chunk, width), jnp.float32),
        pltpu.VMEM_SHARED((NPAD, width), jnp.float32),
    ] + [pltpu.SemaphoreType.DMA] * 6
    if with_hist:
        out_type.append(_f32(NW, NPAD))
        scratch.append(pltpu.VMEM((NPAD,), jnp.float32))

    def body(table_hbm, sd_hbm, zf_hbm, *rest):
        if with_hist:
            (agg_hbm, deg_hbm, ibuf, rows, acc_sh,
             g0, g1, i0, i1, i2, i3, hist) = rest
        else:
            agg_hbm, ibuf, rows, acc_sh, g0, g1, i0, i1, i2, i3 = rest
        gsems = (g0, g1)
        isems = (i0, i1, i2, i3)
        c = lax.axis_index("c")
        s = lax.axis_index("s")
        w = c * NS + s
        cg0 = w * nk
        rbase = s * ROWS_PER_TILE

        pltpu.sync_copy(zf_hbm.at[pl.ds(rbase, ROWS_PER_TILE)],
                        acc_sh.at[pl.ds(rbase, ROWS_PER_TILE)])
        if with_hist:
            @pl.loop(0, NPAD, step=L)
            def _(i):
                hist[pl.ds(i, L)] = jnp.zeros((L,), jnp.float32)
        plsc.subcore_barrier()

        def start_idx(k, q):
            pltpu.async_copy(sd_hbm.at[cg0 + k], ibuf.at[q], isems[q])

        def wait_idx(q):
            pltpu.make_async_copy(sd_hbm.at[0], ibuf.at[q], isems[q]).wait()

        def start_g(q, b):
            pltpu.async_copy(table_hbm.at[ibuf.at[q, 0]], rows.at[b],
                             gsems[b])

        ones = jnp.ones((L,), jnp.float32)

        def drain(q, b):
            pltpu.make_async_copy(table_hbm.at[ibuf.at[q, 0]], rows.at[b],
                                  gsems[b]).wait()
            pltpu.sync_copy(rows.at[b], acc_sh.at[ibuf.at[q, 1]], add=True)
            if with_hist:
                for v in range(chunk // L):
                    plsc.addupdate_scatter(
                        hist, [ibuf[q, 1, pl.ds(v * L, L)]], ones)

        for q in range(4):
            start_idx(q, q)
        wait_idx(0)
        wait_idx(1)
        start_g(0, 0)
        start_g(1, 1)

        def step(k, j, last):
            drain(j, j % 2)
            if not last or j < 2:
                wait_idx((j + 2) % 4)
                start_g((j + 2) % 4, j % 2)
            if not last:
                start_idx(k + j + 4, j)

        @pl.loop(0, nk - 4, step=4)
        def _(k):
            for j in range(4):
                step(k, j, False)

        for j in range(4):
            step(nk - 4, j, True)
        plsc.subcore_barrier()

        pltpu.sync_copy(acc_sh.at[pl.ds(rbase, ROWS_PER_TILE)],
                        agg_hbm.at[c, pl.ds(rbase, ROWS_PER_TILE)])
        if with_hist:
            pltpu.sync_copy(hist, deg_hbm.at[w])

    cp = pltpu.CompilerParams()
    if with_hist and (
            "needs_layout_passes" in pltpu.CompilerParams.__dataclass_fields__):
        cp = dataclasses.replace(cp, needs_layout_passes=False)
    out = out_type[0] if len(out_type) == 1 else tuple(out_type)
    return pl.kernel(body, out_type=out, mesh=_vmesh(),
                     scratch_types=scratch, compiler_params=cp,
                     name=f"segsum{width}{'_hist' if with_hist else ''}")


@functools.cache
def _make_deg():
    def body(dst_hbm, deg_hbm, dbuf, hist, sem):
        c = lax.axis_index("c")
        s = lax.axis_index("s")
        w = c * NS + s
        ebase = w * EDGES_PER_TILE

        pltpu.async_copy(dst_hbm.at[pl.ds(ebase, EDGES_PER_TILE)], dbuf, sem)

        @pl.loop(0, NPAD, step=L)
        def _(i):
            hist[pl.ds(i, L)] = jnp.zeros((L,), jnp.float32)

        pltpu.make_async_copy(dst_hbm.at[pl.ds(0, EDGES_PER_TILE)], dbuf,
                              sem).wait()
        ones = jnp.ones((L,), jnp.float32)

        @pl.loop(0, EDGES_PER_TILE, step=L)
        def _(i):
            plsc.addupdate_scatter(hist, [dbuf[pl.ds(i, L)]], ones)

        pltpu.sync_copy(hist, deg_hbm.at[w])

    cp = pltpu.CompilerParams()
    if "needs_layout_passes" in pltpu.CompilerParams.__dataclass_fields__:
        cp = dataclasses.replace(cp, needs_layout_passes=False)
    return pl.kernel(
        body, out_type=_f32(NW, NPAD), mesh=_vmesh(),
        scratch_types=[
            pltpu.VMEM((EDGES_PER_TILE,), jnp.int32),
            pltpu.VMEM((NPAD,), jnp.float32),
            pltpu.SemaphoreType.DMA,
        ],
        compiler_params=cp,
        name="deg_histogram")


def _predict(sv_hbm_arr, tv_hbm_arr, esrc, edst):
    epw = N_EDGES // NW

    def body(s_hbm, t_hbm, es_hbm, ed_hbm, out_hbm, s_v, t_v, es_v, ed_v,
             out_v):
        c = lax.axis_index("c")
        s = lax.axis_index("s")
        w = c * NS + s
        base = w * epw
        pltpu.sync_copy(s_hbm, s_v)
        pltpu.sync_copy(t_hbm, t_v)
        pltpu.sync_copy(es_hbm.at[pl.ds(base, epw)], es_v)
        pltpu.sync_copy(ed_hbm.at[pl.ds(base, epw)], ed_v)

        @pl.loop(0, epw, step=L)
        def _(i):
            si = es_v[pl.ds(i, L)]
            di = ed_v[pl.ds(i, L)]
            sv = plsc.load_gather(s_v, [si])
            tv = plsc.load_gather(t_v, [di])
            out_v[pl.ds(i, L)] = sv + tv

        pltpu.sync_copy(out_v, out_hbm.at[pl.ds(base, epw)])

    cp = pltpu.CompilerParams()
    if "needs_layout_passes" in pltpu.CompilerParams.__dataclass_fields__:
        cp = dataclasses.replace(cp, needs_layout_passes=False)
    return pl.kernel(
        body, out_type=_f32(N_EDGES), mesh=_vmesh(),
        scratch_types=[
            pltpu.VMEM((N_NODES,), jnp.float32),
            pltpu.VMEM((N_NODES,), jnp.float32),
            pltpu.VMEM((epw,), jnp.int32),
            pltpu.VMEM((epw,), jnp.int32),
            pltpu.VMEM((epw,), jnp.float32),
        ],
        compiler_params=cp,
        name="edge_predict")(sv_hbm_arr, tv_hbm_arr, esrc, edst)


_R = 400
_GRID = N_NODES // _R


def _recip_deg(hist):
    deg = jnp.sum(hist[...], axis=1, keepdims=True)
    return 1.0 / jnp.maximum(deg, 1.0)


def _layer_body(x, a1a, a1b, hist, ws1, wn1, b1, ws2, wn2, b2, y, z):
    mean = (a1a[0] + a1b[0]) * _recip_deg(hist)
    h = jnp.dot(x[...], ws1[...], preferred_element_type=jnp.float32)
    h += jnp.dot(mean, wn1[...], preferred_element_type=jnp.float32)
    h = jnp.maximum(h + b1[0], 0.0)
    y[...] = jnp.dot(h, wn2[...], preferred_element_type=jnp.float32)
    z[...] = (jnp.dot(h, ws2[...], preferred_element_type=jnp.float32)
              + b2[0])


def _layers(x, agg1, hist2, ws1, wn1, b1, ws2, wn2, b2):
    part = lambda core: pl.BlockSpec((1, _R, F), lambda i, c=core: (c, i, 0))
    hpart = pl.BlockSpec((_R, NW), lambda i: (i, 0))
    full = lambda *blk: pl.BlockSpec(blk, lambda i: (0,) * len(blk))
    return pl.pallas_call(
        _layer_body,
        grid=(_GRID,),
        in_specs=[
            pl.BlockSpec((_R, F), lambda i: (i, 0)),
            part(0), part(1), hpart,
            full(F, H), full(F, H), full(1, H),
            full(H, F), full(H, F), full(1, F),
        ],
        out_specs=[pl.BlockSpec((_R, F), lambda i: (i, 0))] * 2,
        out_shape=[_f32(N_NODES, F)] * 2,
    )(x, agg1, agg1, hist2, ws1, wn1, b1, ws2, wn2, b2)


def _score_body(z, a2a, a2b, hist, wp2, bp, st):
    h2 = z[...] + (a2a[0] + a2b[0]) * _recip_deg(hist)
    out = jnp.dot(h2, wp2[...].T, preferred_element_type=jnp.float32)
    is_s = (lax.broadcasted_iota(jnp.int32, (1, 2), 1) == 0)
    st[...] = out + bp[0, 0] * is_s.astype(jnp.float32)


def _scores(z, agg2, hist2, wp2, bp):
    part = lambda core: pl.BlockSpec((1, _R, F), lambda i, c=core: (c, i, 0))
    hpart = pl.BlockSpec((_R, NW), lambda i: (i, 0))
    return pl.pallas_call(
        _score_body,
        grid=(_GRID,),
        in_specs=[
            pl.BlockSpec((_R, F), lambda i: (i, 0)),
            part(0), part(1), hpart,
            pl.BlockSpec((2, F), lambda i: (0, 0)),
            pl.BlockSpec((1, 1), lambda i: (0, 0)),
        ],
        out_specs=pl.BlockSpec((_R, 2), lambda i: (i, 0)),
        out_shape=_f32(N_NODES, 2),
    )(z, agg2, agg2, hist2, wp2, bp)


def kernel(node_features, edge_index, edge_src, edge_dst,
           W_self1, W_neigh1, b1, W_self2, W_neigh2, b2, W_pred, b_pred):
    pad = E_PAD - N_EDGES
    pad_src = jnp.arange(pad, dtype=jnp.int32) % N_NODES
    pad_dst = TRASH + jnp.arange(pad, dtype=jnp.int32) % (NPAD - TRASH)
    src = jnp.concatenate([edge_index[0].astype(jnp.int32), pad_src])
    dst = jnp.concatenate([edge_index[1].astype(jnp.int32), pad_dst])
    esrc = edge_src.astype(jnp.int32)
    edst = edge_dst.astype(jnp.int32)

    zf = jnp.zeros((NPAD, F), jnp.float32)
    sd = jnp.stack([src.reshape(-1, CHUNK), dst.reshape(-1, CHUNK)], axis=1)
    agg1 = _make_segsum(F, CHUNK)(node_features, sd, zf)
    hist2 = _make_deg()(dst).T
    y, z = _layers(node_features, agg1, hist2,
                   W_self1, W_neigh1, b1.reshape(1, H),
                   W_self2, W_neigh2, b2.reshape(1, F))
    agg2 = _make_segsum(F, CHUNK)(y, sd, zf)
    st = _scores(z, agg2, hist2, W_pred.reshape(2, F), b_pred.reshape(1, 1))
    return _predict(st[:, 0], st[:, 1], esrc, edst)

# --- scband reference (transcript-rebuilt; emitter-appended) ---
"""Pipeline reference for scband-link-prediction-model-1915555414427 (READ-ONLY COPY).

The authoritative reference and input builder live on the scoring server;
editing this copy changes nothing except your own understanding.
"""

import jax, jax.numpy as jnp
import numpy as np

N_NODES = 10000
N_EDGES = 320000
IN_FEATS = 128
HIDDEN = 256
OUT_FEATS = 128


def setup_inputs(seed: int = 0) -> dict:
    key = jax.random.key(seed)
    ks = jax.random.split(key, 12)
    node_features = jax.random.normal(ks[0], (N_NODES, IN_FEATS), dtype=jnp.float32)
    edge_index = jax.random.randint(ks[1], (2, N_EDGES), 0, N_NODES, dtype=jnp.int64)
    edge_src = jax.random.randint(ks[2], (N_EDGES,), 0, N_NODES, dtype=jnp.int64)
    edge_dst = jax.random.randint(ks[3], (N_EDGES,), 0, N_NODES, dtype=jnp.int64)
    def glorot(k, shape):
        fan_in, fan_out = shape[0], shape[1]
        lim = float(np.sqrt(6.0 / (fan_in + fan_out)))
        return jax.random.uniform(k, shape, dtype=jnp.float32, minval=-lim, maxval=lim)
    W_self1 = glorot(ks[4], (IN_FEATS, HIDDEN))
    W_neigh1 = glorot(ks[5], (IN_FEATS, HIDDEN))
    b1 = jnp.zeros((HIDDEN,), dtype=jnp.float32)
    W_self2 = glorot(ks[6], (HIDDEN, OUT_FEATS))
    W_neigh2 = glorot(ks[7], (HIDDEN, OUT_FEATS))
    b2 = jnp.zeros((OUT_FEATS,), dtype=jnp.float32)
    W_pred = glorot(ks[8], (2 * OUT_FEATS, 1))
    b_pred = jnp.zeros((1,), dtype=jnp.float32)
    return {
        "node_features": node_features,
        "edge_index": edge_index,
        "edge_src": edge_src,
        "edge_dst": edge_dst,
        "W_self1": W_self1,
        "W_neigh1": W_neigh1,
        "b1": b1,
        "W_self2": W_self2,
        "W_neigh2": W_neigh2,
        "b2": b2,
        "W_pred": W_pred,
        "b_pred": b_pred,
    }


def _sage_conv(x, edge_index, W_self, W_neigh, b):
    src = edge_index[0]
    dst = edge_index[1]
    msg = jnp.take(x, src, axis=0)
    agg = jax.ops.segment_sum(msg, dst, num_segments=N_NODES)
    deg = jax.ops.segment_sum(jnp.ones((msg.shape[0],), dtype=x.dtype), dst, num_segments=N_NODES)
    mean = agg / jnp.maximum(deg, 1.0)[:, None]
    return x @ W_self + mean @ W_neigh + b


def reference(node_features, edge_index, edge_src, edge_dst,
              W_self1, W_neigh1, b1, W_self2, W_neigh2, b2, W_pred, b_pred):
    h = _sage_conv(node_features, edge_index, W_self1, W_neigh1, b1)
    h = jax.nn.relu(h)
    h = _sage_conv(h, edge_index, W_self2, W_neigh2, b2)
    src_embed = jnp.take(h, edge_src, axis=0)
    dst_embed = jnp.take(h, edge_dst, axis=0)
    pred = jnp.concatenate([src_embed, dst_embed], axis=1)
    pred = pred @ W_pred + b_pred
    return jnp.squeeze(pred, axis=-1)

if __name__ == "__main__":
    import jax
    _d = setup_inputs()
    print(jax.jit(kernel)(*tuple(_d.values())))

</pallas_src>

<mosaic_0001>
#map = affine_map<(d0, d1) -> (0)>
#map1 = affine_map<(d0, d1) -> (0, 0)>
module attributes {stable_mosaic.version = 14 : i64} {
  func.func @deg_histogram(%arg0: i32, %arg1: i32, %arg2: memref<327680xi32, #tpu.memory_space<hbm>>, %arg3: memref<32x10112xf32, #tpu.memory_space<hbm>>, %arg4: memref<10240xi32, #tpu.memory_space<vmem>>, %arg5: memref<10112xf32, #tpu.memory_space<vmem>>, %arg6: memref<!tpu.dma_semaphore, #tpu.memory_space<semaphore_mem>>) attributes {dimension_semantics = [#tpu.dimension_semantics<core_parallel>, #tpu.dimension_semantics<subcore_parallel>], iteration_bounds = array<i64: 2, 16>, scalar_prefetch = 0 : i64, scratch_operands = 3 : i64, tpu.core_type = #tpu.core_type<sc_vector_subcore>, window_params = [{transform_indices = #map}, {transform_indices = #map1}]} {
    %mul3A = arith.constant 16 : i32
    %mul3A_0 = arith.muli %arg0, %mul3A : i32
    %add3A = arith.addi %mul3A_0, %arg1 : i32
    %mul3A_1 = arith.constant 10240 : i32
    %mul3A_2 = arith.muli %add3A, %mul3A_1 : i32
    %dma_start3A = tpu.memref_slice %arg2[%mul3A_2] : memref<327680xi32, #tpu.memory_space<hbm>> -> memref<10240xi32, #tpu.memory_space<hbm>>
    %dma_start3A_3 = tpu.memref_slice %arg2[%mul3A_2] : memref<327680xi32, #tpu.memory_space<hbm>> -> memref<10240xi32, #tpu.memory_space<hbm>>
    tpu.enqueue_dma source(%dma_start3A_3 : memref<10240xi32, #tpu.memory_space<hbm>>) target(%arg4 : memref<10240xi32, #tpu.memory_space<vmem>>) target_semaphore(%arg6 : memref<!tpu.dma_semaphore, #tpu.memory_space<semaphore_mem>>)
    %scan3A = arith.constant 0 : i32
    %scan3A_4 = arith.constant 632 : i32
    %scan3A_5 = arith.addi %scan3A, %scan3A_4 : i32
    %scan3A_6 = arith.constant 1 : i32
    scf.for %scan3A_17 = %scan3A to %scan3A_5 step %scan3A_6  : i32 {
      %mul3A_18 = arith.constant 16 : i32
      %mul3A_19 = arith.muli %scan3A_17, %mul3A_18 : i32
      %add3A_20 = arith.constant 0 : i32
      %add3A_21 = arith.addi %add3A_20, %mul3A_19 : i32
      %broadcast_in_dim3A_22 = arith.constant 0.000000e+00 : f32
      %broadcast_in_dim3A_23 = vector.broadcast %broadcast_in_dim3A_22 : f32 to vector<16xf32>
      %swap3A = arith.index_cast %add3A_21 : i32 to index
      %swap3A_24 = tpu.vector_load %arg5[%swap3A] {strides = array<i32>} : memref<10112xf32, #tpu.memory_space<vmem>>, vector<16xf32>,
      tpu.vector_store %arg5[%swap3A], %broadcast_in_dim3A_23 {strides = array<i32>} : memref<10112xf32, #tpu.memory_space<vmem>>, vector<16xf32>,
    }
    %scan3A_7 = arith.constant 632 : i32
    %dma_wait3A = arith.constant 0 : i32
    %dma_wait3A_8 = tpu.memref_slice %arg2[%dma_wait3A] : memref<327680xi32, #tpu.memory_space<hbm>> -> memref<10240xi32, #tpu.memory_space<hbm>>
    %dma_wait3A_9 = arith.constant 0 : i32
    %dma_wait3A_10 = tpu.memref_slice %arg2[%dma_wait3A_9] : memref<327680xi32, #tpu.memory_space<hbm>> -> memref<10240xi32, #tpu.memory_space<hbm>>
    tpu.wait_dma2 semaphore(%arg6 : memref<!tpu.dma_semaphore, #tpu.memory_space<semaphore_mem>>) src(%dma_wait3A_10 : memref<10240xi32, #tpu.memory_space<hbm>>) dst(%arg4 : memref<10240xi32, #tpu.memory_space<vmem>>)
    %broadcast_in_dim3A = arith.constant 1.000000e+00 : f32
    %broadcast_in_dim3A_11 = vector.broadcast %broadcast_in_dim3A : f32 to vector<16xf32>
    %scan3A_12 = arith.constant 0 : i32
    %scan3A_13 = arith.constant 640 : i32
    %scan3A_14 = arith.addi %scan3A_12, %scan3A_13 : i32
    %scan3A_15 = arith.constant 1 : i32
    scf.for %scan3A_17 = %scan3A_12 to %scan3A_14 step %scan3A_15  : i32 {
      %mul3A_18 = arith.constant 16 : i32
      %mul3A_19 = arith.muli %scan3A_17, %mul3A_18 : i32
      %add3A_20 = arith.constant 0 : i32
      %add3A_21 = arith.addi %add3A_20, %mul3A_19 : i32
      %get3A = arith.index_cast %add3A_21 : i32 to index
      %get3A_22 = tpu.vector_load %arg4[%get3A] {strides = array<i32>} : memref<10240xi32, #tpu.memory_space<vmem>>, vector<16xi32>,
      tpu.vector_store_idx %arg5[%get3A_22], %broadcast_in_dim3A_11 {add = true} : memref<10112xf32, #tpu.memory_space<vmem>>[vector<16xi32>], vector<16xf32>,
    }
    %scan3A_16 = arith.constant 640 : i32
    "tpu.region"() ({
      %run_scoped3A = tpu.sem_alloc : memref<!tpu.dma_semaphore, #tpu.memory_space<semaphore_mem>>
      %dma_start3A_17 = arith.constant 0 : i32
      %dma_start3A_18 = tpu.memref_slice %arg3[%add3A, %dma_start3A_17] : memref<32x10112xf32, #tpu.memory_space<hbm>> -> memref<1x10112xf32, #tpu.memory_space<hbm>>
      %dma_start3A_19 = tpu.memref_squeeze %dma_start3A_18 : memref<1x10112xf32, #tpu.memory_space<hbm>> -> memref<10112xf32, #tpu.memory_space<hbm>>
      %dma_start3A_20 = arith.constant 0 : i32
      %dma_start3A_21 = tpu.memref_slice %arg3[%add3A, %dma_start3A_20] : memref<32x10112xf32, #tpu.memory_space<hbm>> -> memref<1x10112xf32, #tpu.memory_space<hbm>>
      %dma_start3A_22 = tpu.memref_squeeze %dma_start3A_21 : memref<1x10112xf32, #tpu.memory_space<hbm>> -> memref<10112xf32, #tpu.memory_space<hbm>>
      tpu.enqueue_dma source(%arg5 : memref<10112xf32, #tpu.memory_space<vmem>>) target(%dma_start3A_22 : memref<10112xf32, #tpu.memory_space<hbm>>) target_semaphore(%run_scoped3A : memref<!tpu.dma_semaphore, #tpu.memory_space<semaphore_mem>>)
      %dma_wait3A_23 = arith.constant 0 : i32
      %dma_wait3A_24 = tpu.memref_slice %arg3[%add3A, %dma_wait3A_23] : memref<32x10112xf32, #tpu.memory_space<hbm>> -> memref<1x10112xf32, #tpu.memory_space<hbm>>
      %dma_wait3A_25 = tpu.memref_squeeze %dma_wait3A_24 : memref<1x10112xf32, #tpu.memory_space<hbm>> -> memref<10112xf32, #tpu.memory_space<hbm>>
      %dma_wait3A_26 = arith.constant 0 : i32
      %dma_wait3A_27 = tpu.memref_slice %arg3[%add3A, %dma_wait3A_26] : memref<32x10112xf32, #tpu.memory_space<hbm>> -> memref<1x10112xf32, #tpu.memory_space<hbm>>
      %dma_wait3A_28 = tpu.memref_squeeze %dma_wait3A_27 : memref<1x10112xf32, #tpu.memory_space<hbm>> -> memref<10112xf32, #tpu.memory_space<hbm>>
      tpu.wait_dma2 semaphore(%run_scoped3A : memref<!tpu.dma_semaphore, #tpu.memory_space<semaphore_mem>>) src(%arg5 : memref<10112xf32, #tpu.memory_space<vmem>>) dst(%dma_wait3A_28 : memref<10112xf32, #tpu.memory_space<hbm>>)
      tpu.yield
    }) : () -> ()
    return
  }
}

#map = affine_map<(d0, d1) -> (0, 0)>
#map1 = affine_map<(d0, d1) -> (0, 0, 0)>
module attributes {stable_mosaic.version = 14 : i64} {
  func.func @segsum128(%arg0: i32, %arg1: i32, %arg2: memref<10000x128xf32, #tpu.memory_space<hbm>>, %arg3: memref<2560x2x128xi32, #tpu.memory_space<hbm>>, %arg4: memref<10112x128xf32, #tpu.memory_space<hbm>>, %arg5: memref<2x10112x128xf32, #tpu.memory_space<hbm>>, %arg6: memref<4x2x128xi32, #tpu.memory_space<vmem>>, %arg7: memref<2x128x128xf32, #tpu.memory_space<vmem>>, %arg8: memref<10112x128xf32, #tpu.memory_space<vmem_shared>>, %arg9: memref<!tpu.dma_semaphore, #tpu.memory_space<semaphore_mem>>, %arg10: memref<!tpu.dma_semaphore, #tpu.memory_space<semaphore_mem>>, %arg11: memref<!tpu.dma_semaphore, #tpu.memory_space<semaphore_mem>>, %arg12: memref<!tpu.dma_semaphore, #tpu.memory_space<semaphore_mem>>, %arg13: memref<!tpu.dma_semaphore, #tpu.memory_space<semaphore_mem>>, %arg14: memref<!tpu.dma_semaphore, #tpu.memory_space<semaphore_mem>>) attributes {dimension_semantics = [#tpu.dimension_semantics<core_parallel>, #tpu.dimension_semantics<subcore_parallel>], iteration_bounds = array<i64: 2, 16>, scalar_prefetch = 0 : i64, scratch_operands = 9 : i64, tpu.core_type = #tpu.core_type<sc_vector_subcore>, window_params = [{transform_indices = #map}, {transform_indices = #map1}, {transform_indices = #map}, {transform_indices = #map1}]} {
    %mul3A = arith.constant 16 : i32
    %mul3A_0 = arith.muli %arg0, %mul3A : i32
    %add3A = arith.addi %mul3A_0, %arg1 : i32
    %mul3A_1 = arith.constant 80 : i32
    %mul3A_2 = arith.muli %add3A, %mul3A_1 : i32
    %mul3A_3 = arith.constant 632 : i32
    %mul3A_4 = arith.muli %arg1, %mul3A_3 : i32
    "tpu.region"() ({
      %run_scoped3A_272 = tpu.sem_alloc : memref<!tpu.dma_semaphore, #tpu.memory_space<semaphore_mem>>
      %dma_start3A_273 = arith.constant 0 : i32
      %dma_start3A_274 = tpu.memref_slice %arg8[%mul3A_4, %dma_start3A_273] : memref<10112x128xf32, #tpu.memory_space<vmem_shared>> -> memref<632x128xf32, #tpu.memory_space<vmem_shared>>
      %dma_start3A_275 = arith.constant 0 : i32
      %dma_start3A_276 = tpu.memref_slice %arg4[%mul3A_4, %dma_start3A_275] : memref<10112x128xf32, #tpu.memory_space<hbm>> -> memref<632x128xf32, #tpu.memory_space<hbm>>
      tpu.enqueue_dma source(%dma_start3A_276 : memref<632x128xf32, #tpu.memory_space<hbm>>) target(%dma_start3A_274 : memref<632x128xf32, #tpu.memory_space<vmem_shared>>) target_semaphore(%run_scoped3A_272 : memref<!tpu.dma_semaphore, #tpu.memory_space<semaphore_mem>>)
      %dma_wait3A_277 = arith.constant 0 : i32
      %dma_wait3A_278 = tpu.memref_slice %arg8[%mul3A_4, %dma_wait3A_277] : memref<10112x128xf32, #tpu.memory_space<vmem_shared>> -> memref<632x128xf32, #tpu.memory_space<vmem_shared>>
      %dma_wait3A_279 = arith.constant 0 : i32
      %dma_wait3A_280 = tpu.memref_slice %arg4[%mul3A_4, %dma_wait3A_279] : memref<10112x128xf32, #tpu.memory_space<hbm>> -> memref<632x128xf32, #tpu.memory_space<hbm>>
      tpu.wait_dma2 semaphore(%run_scoped3A_272 : memref<!tpu.dma_semaphore, #tpu.memory_space<semaphore_mem>>) src(%dma_wait3A_280 : memref<632x128xf32, #tpu.memory_space<hbm>>) dst(%dma_wait3A_278 : memref<632x128xf32, #tpu.memory_space<vmem_shared>>)
      tpu.yield
    }) : () -> ()
    %barrier3A = arith.constant 0 : index
    tpu.barrier barrier_id(%barrier3A)
    %broadcast_in_dim3A = arith.constant 1.000000e+00 : f32
    %broadcast_in_dim3A_5 = vector.broadcast %broadcast_in_dim3A : f32 to vector<16xf32>
    %add3A_6 = arith.constant 0 : i32
    %add3A_7 = arith.addi %mul3A_2, %add3A_6 : i32
    %dma_start3A = arith.constant 0 : i32
    %dma_start3A_8 = arith.constant 0 : i32
    %dma_start3A_9 = arith.constant 0 : i32
    %dma_start3A_10 = tpu.memref_slice %arg6[%dma_start3A, %dma_start3A_8, %dma_start3A_9] : memref<4x2x128xi32, #tpu.memory_space<vmem>> -> memref<1x2x128xi32, #tpu.memory_space<vmem>>
    %dma_start3A_11 = tpu.memref_squeeze %dma_start3A_10 : memref<1x2x128xi32, #tpu.memory_space<vmem>> -> memref<2x128xi32, #tpu.memory_space<vmem>>
    %dma_start3A_12 = arith.constant 0 : i32
    %dma_start3A_13 = arith.constant 0 : i32
    %dma_start3A_14 = tpu.memref_slice %arg3[%add3A_7, %dma_start3A_12, %dma_start3A_13] : memref<2560x2x128xi32, #tpu.memory_space<hbm>> -> memref<1x2x128xi32, #tpu.memory_space<hbm>>
    %dma_start3A_15 = tpu.memref_squeeze %dma_start3A_14 : memref<1x2x128xi32, #tpu.memory_space<hbm>> -> memref<2x128xi32, #tpu.memory_space<hbm>>
    %dma_start3A_16 = arith.constant 0 : i32
    %dma_start3A_17 = arith.constant 0 : i32
    %dma_start3A_18 = tpu.memref_slice %arg6[%dma_start3A, %dma_start3A_16, %dma_start3A_17] : memref<4x2x128xi32, #tpu.memory_space<vmem>> -> memref<1x2x128xi32, #tpu.memory_space<vmem>>
    %dma_start3A_19 = tpu.memref_squeeze %dma_start3A_18 : memref<1x2x128xi32, #tpu.memory_space<vmem>> -> memref<2x128xi32, #tpu.memory_space<vmem>>
    %dma_start3A_20 = arith.constant 0 : i32
    %dma_start3A_21 = arith.constant 0 : i32
    %dma_start3A_22 = tpu.memref_slice %arg3[%add3A_7, %dma_start3A_20, %dma_start3A_21] : memref<2560x2x128xi32, #tpu.memory_space<hbm>> -> memref<1x2x128xi32, #tpu.memory_space<hbm>>
    %dma_start3A_23 = tpu.memref_squeeze %dma_start3A_22 : memref<1x2x128xi32, #tpu.memory_space<hbm>> -> memref<2x128xi32, #tpu.memory_space<hbm>>
    tpu.enqueue_dma source(%dma_start3A_23 : memref<2x128xi32, #tpu.memory_space<hbm>>) target(%dma_start3A_19 : memref<2x128xi32, #tpu.memory_space<vmem>>) target_semaphore(%arg11 : memref<!tpu.dma_semaphore, #tpu.memory_space<semaphore_mem>>)
    %add3A_24 = arith.constant 1 : i32
    %add3A_25 = arith.addi %mul3A_2, %add3A_24 : i32
    %dma_start3A_26 = arith.constant 1 : i32
    %dma_start3A_27 = arith.constant 0 : i32
    %dma_start3A_28 = arith.constant 0 : i32
    %dma_start3A_29 = tpu.memref_slice %arg6[%dma_start3A_26, %dma_start3A_27, %dma_start3A_28] : memref<4x2x128xi32, #tpu.memory_space<vmem>> -> memref<1x2x128xi32, #tpu.memory_space<vmem>>
    %dma_start3A_30 = tpu.memref_squeeze %dma_start3A_29 : memref<1x2x128xi32, #tpu.memory_space<vmem>> -> memref<2x128xi32, #tpu.memory_space<vmem>>
    %dma_start3A_31 = arith.constant 0 : i32
    %dma_start3A_32 = arith.constant 0 : i32
    %dma_start3A_33 = tpu.memref_slice %arg3[%add3A_25, %dma_start3A_31, %dma_start3A_32] : memref<2560x2x128xi32, #tpu.memory_space<hbm>> -> memref<1x2x128xi32, #tpu.memory_space<hbm>>
    %dma_start3A_34 = tpu.memref_squeeze %dma_start3A_33 : memref<1x2x128xi32, #tpu.memory_space<hbm>> -> memref<2x128xi32, #tpu.memory_space<hbm>>
    %dma_start3A_35 = arith.constant 0 : i32
    %dma_start3A_36 = arith.constant 0 : i32
    %dma_start3A_37 = tpu.memref_slice %arg6[%dma_start3A_26, %dma_start3A_35, %dma_start3A_36] : memref<4x2x128xi32, #tpu.memory_space<vmem>> -> memref<1x2x128xi32, #tpu.memory_space<vmem>>
    %dma_start3A_38 = tpu.memref_squeeze %dma_start3A_37 : memref<1x2x128xi32, #tpu.memory_space<vmem>> -> memref<2x128xi32, #tpu.memory_space<vmem>>
    %dma_start3A_39 = arith.constant 0 : i32
    %dma_start3A_40 = arith.constant 0 : i32
    %dma_start3A_41 = tpu.memref_slice %arg3[%add3A_25, %dma_start3A_39, %dma_start3A_40] : memref<2560x2x128xi32, #tpu.memory_space<hbm>> -> memref<1x2x128xi32, #tpu.memory_space<hbm>>
    %dma_start3A_42 = tpu.memref_squeeze %dma_start3A_41 : memref<1x2x128xi32, #tpu.memory_space<hbm>> -> memref<2x128xi32, #tpu.memory_space<hbm>>
    tpu.enqueue_dma source(%dma_start3A_42 : memref<2x128xi32, #tpu.memory_space<hbm>>) target(%dma_start3A_38 : memref<2x128xi32, #tpu.memory_space<vmem>>) target_semaphore(%arg12 : memref<!tpu.dma_semaphore, #tpu.memory_space<semaphore_mem>>)
    %add3A_43 = arith.constant 2 : i32
    %add3A_44 = arith.addi %mul3A_2, %add3A_43 : i32
    %dma_start3A_45 = arith.constant 2 : i32
    %dma_start3A_46 = arith.constant 0 : i32
    %dma_start3A_47 = arith.constant 0 : i32
    %dma_start3A_48 = tpu.memref_slice %arg6[%dma_start3A_45, %dma_start3A_46, %dma_start3A_47] : memref<4x2x128xi32, #tpu.memory_space<vmem>> -> memref<1x2x128xi32, #tpu.memory_space<vmem>>
    %dma_start3A_49 = tpu.memref_squeeze %dma_start3A_48 : memref<1x2x128xi32, #tpu.memory_space<vmem>> -> memref<2x128xi32, #tpu.memory_space<vmem>>
    %dma_start3A_50 = arith.constant 0 : i32
    %dma_start3A_51 = arith.constant 0 : i32
    %dma_start3A_52 = tpu.memref_slice %arg3[%add3A_44, %dma_start3A_50, %dma_start3A_51] : memref<2560x2x128xi32, #tpu.memory_space<hbm>> -> memref<1x2x128xi32, #tpu.memory_space<hbm>>
    %dma_start3A_53 = tpu.memref_squeeze %dma_start3A_52 : memref<1x2x128xi32, #tpu.memory_space<hbm>> -> memref<2x128xi32, #tpu.memory_space<hbm>>
    %dma_start3A_54 = arith.constant 0 : i32
    %dma_start3A_55 = arith.constant 0 : i32
    %dma_start3A_56 = tpu.memref_slice %arg6[%dma_start3A_45, %dma_start3A_54, %dma_start3A_55] : memref<4x2x128xi32, #tpu.memory_space<vmem>> -> memref<1x2x128xi32, #tpu.memory_space<vmem>>
    %dma_start3A_57 = tpu.memref_squeeze %dma_start3A_56 : memref<1x2x128xi32, #tpu.memory_space<vmem>> -> memref<2x128xi32, #tpu.memory_space<vmem>>
    %dma_start3A_58 = arith.constant 0 : i32
    %dma_start3A_59 = arith.constant 0 : i32
    %dma_start3A_60 = tpu.memref_slice %arg3[%add3A_44, %dma_start3A_58, %dma_start3A_59] : memref<2560x2x128xi32, #tpu.memory_space<hbm>> -> memref<1x2x128xi32, #tpu.memory_space<hbm>>
    %dma_start3A_61 = tpu.memref_squeeze %dma_start3A_60 : memref<1x2x128xi32, #tpu.memory_space<hbm>> -> memref<2x128xi32, #tpu.memory_space<hbm>>
    tpu.enqueue_dma source(%dma_start3A_61 : memref<2x128xi32, #tpu.memory_space<hbm>>) target(%dma_start3A_57 : memref<2x128xi32, #tpu.memory_space<vmem>>) target_semaphore(%arg13 : memref<!tpu.dma_semaphore, #tpu.memory_space<semaphore_mem>>)
    %add3A_62 = arith.constant 3 : i32
    %add3A_63 = arith.addi %mul3A_2, %add3A_62 : i32
    %dma_start3A_64 = arith.constant 3 : i32
    %dma_start3A_65 = arith.constant 0 : i32
    %dma_start3A_66 = arith.constant 0 : i32
    %dma_start3A_67 = tpu.memref_slice %arg6[%dma_start3A_64, %dma_start3A_65, %dma_start3A_66] : memref<4x2x128xi32, #tpu.memory_space<vmem>> -> memref<1x2x128xi32, #tpu.memory_space<vmem>>
    %dma_start3A_68 = tpu.memref_squeeze %dma_start3A_67 : memref<1x2x128xi32, #tpu.memory_space<vmem>> -> memref<2x128xi32, #tpu.memory_space<vmem>>
    %dma_start3A_69 = arith.constant 0 : i32
    %dma_start3A_70 = arith.constant 0 : i32
    %dma_start3A_71 = tpu.memref_slice %arg3[%add3A_63, %dma_start3A_69, %dma_start3A_70] : memref<2560x2x128xi32, #tpu.memory_space<hbm>> -> memref<1x2x128xi32, #tpu.memory_space<hbm>>
    %dma_start3A_72 = tpu.memref_squeeze %dma_start3A_71 : memref<1x2x128xi32, #tpu.memory_space<hbm>> -> memref<2x128xi32, #tpu.memory_space<hbm>>
    %dma_start3A_73 = arith.constant 0 : i32
    %dma_start3A_74 = arith.constant 0 : i32
    %dma_start3A_75 = tpu.memref_slice %arg6[%dma_start3A_64, %dma_start3A_73, %dma_start3A_74] : memref<4x2x128xi32, #tpu.memory_space<vmem>> -> memref<1x2x128xi32, #tpu.memory_space<vmem>>
    %dma_start3A_76 = tpu.memref_squeeze %dma_start3A_75 : memref<1x2x128xi32, #tpu.memory_space<vmem>> -> memref<2x128xi32, #tpu.memory_space<vmem>>
    %dma_start3A_77 = arith.constant 0 : i32
    %dma_start3A_78 = arith.constant 0 : i32
    %dma_start3A_79 = tpu.memref_slice %arg3[%add3A_63, %dma_start3A_77, %dma_start3A_78] : memref<2560x2x128xi32, #tpu.memory_space<hbm>> -> memref<1x2x128xi32, #tpu.memory_space<hbm>>
    %dma_start3A_80 = tpu.memref_squeeze %dma_start3A_79 : memref<1x2x128xi32, #tpu.memory_space<hbm>> -> memref<2x128xi32, #tpu.memory_space<hbm>>
    tpu.enqueue_dma source(%dma_start3A_80 : memref<2x128xi32, #tpu.memory_space<hbm>>) target(%dma_start3A_76 : memref<2x128xi32, #tpu.memory_space<vmem>>) target_semaphore(%arg14 : memref<!tpu.dma_semaphore, #tpu.memory_space<semaphore_mem>>)
    %dma_wait3A = arith.constant 0 : i32
    %dma_wait3A_81 = arith.constant 0 : i32
    %dma_wait3A_82 = arith.constant 0 : i32
    %dma_wait3A_83 = arith.constant 0 : i32
    %dma_wait3A_84 = tpu.memref_slice %arg6[%dma_wait3A_81, %dma_wait3A_82, %dma_wait3A_83] : memref<4x2x128xi32, #tpu.memory_space<vmem>> -> memref<1x2x128xi32, #tpu.memory_space<vmem>>
    %dma_wait3A_85 = tpu.memref_squeeze %dma_wait3A_84 : memref<1x2x128xi32, #tpu.memory_space<vmem>> -> memref<2x128xi32, #tpu.memory_space<vmem>>
    %dma_wait3A_86 = arith.constant 0 : i32
    %dma_wait3A_87 = arith.constant 0 : i32
    %dma_wait3A_88 = tpu.memref_slice %arg3[%dma_wait3A, %dma_wait3A_86, %dma_wait3A_87] : memref<2560x2x128xi32, #tpu.memory_space<hbm>> -> memref<1x2x128xi32, #tpu.memory_space<hbm>>
    %dma_wait3A_89 = tpu.memref_squeeze %dma_wait3A_88 : memref<1x2x128xi32, #tpu.memory_space<hbm>> -> memref<2x128xi32, #tpu.memory_space<hbm>>
    %dma_wait3A_90 = arith.constant 0 : i32
    %dma_wait3A_91 = arith.constant 0 : i32
    %dma_wait3A_92 = tpu.memref_slice %arg6[%dma_wait3A_81, %dma_wait3A_90, %dma_wait3A_91] : memref<4x2x128xi32, #tpu.memory_space<vmem>> -> memref<1x2x128xi32, #tpu.memory_space<vmem>>
    %dma_wait3A_93 = tpu.memref_squeeze %dma_wait3A_92 : memref<1x2x128xi32, #tpu.memory_space<vmem>> -> memref<2x128xi32, #tpu.memory_space<vmem>>
    %dma_wait3A_94 = arith.constant 0 : i32
    %dma_wait3A_95 = arith.constant 0 : i32
    %dma_wait3A_96 = tpu.memref_slice %arg3[%dma_wait3A, %dma_wait3A_94, %dma_wait3A_95] : memref<2560x2x128xi32, #tpu.memory_space<hbm>> -> memref<1x2x128xi32, #tpu.memory_space<hbm>>
    %dma_wait3A_97 = tpu.memref_squeeze %dma_wait3A_96 : memref<1x2x128xi32, #tpu.memory_space<hbm>> -> memref<2x128xi32, #tpu.memory_space<hbm>>
    tpu.wait_dma2 semaphore(%arg11 : memref<!tpu.dma_semaphore, #tpu.memory_space<semaphore_mem>>) src(%dma_wait3A_97 : memref<2x128xi32, #tpu.memory_space<hbm>>) dst(%dma_wait3A_93 : memref<2x128xi32, #tpu.memory_space<vmem>>)
    %dma_wait3A_98 = arith.constant 0 : i32
    %dma_wait3A_99 = arith.constant 1 : i32
    %dma_wait3A_100 = arith.constant 0 : i32
    %dma_wait3A_101 = arith.constant 0 : i32
    %dma_wait3A_102 = tpu.memref_slice %arg6[%dma_wait3A_99, %dma_wait3A_100, %dma_wait3A_101] : memref<4x2x128xi32, #tpu.memory_space<vmem>> -> memref<1x2x128xi32, #tpu.memory_space<vmem>>
    %dma_wait3A_103 = tpu.memref_squeeze %dma_wait3A_102 : memref<1x2x128xi32, #tpu.memory_space<vmem>> -> memref<2x128xi32, #tpu.memory_space<vmem>>
    %dma_wait3A_104 = arith.constant 0 : i32
    %dma_wait3A_105 = arith.constant 0 : i32
    %dma_wait3A_106 = tpu.memref_slice %arg3[%dma_wait3A_98, %dma_wait3A_104, %dma_wait3A_105] : memref<2560x2x128xi32, #tpu.memory_space<hbm>> -> memref<1x2x128xi32, #tpu.memory_space<hbm>>
    %dma_wait3A_107 = tpu.memref_squeeze %dma_wait3A_106 : memref<1x2x128xi32, #tpu.memory_space<hbm>> -> memref<2x128xi32, #tpu.memory_space<hbm>>
    %dma_wait3A_108 = arith.constant 0 : i32
    %dma_wait3A_109 = arith.constant 0 : i32
    %dma_wait3A_110 = tpu.memref_slice %arg6[%dma_wait3A_99, %dma_wait3A_108, %dma_wait3A_109] : memref<4x2x128xi32, #tpu.memory_space<vmem>> -> memref<1x2x128xi32, #tpu.memory_space<vmem>>
    %dma_wait3A_111 = tpu.memref_squeeze %dma_wait3A_110 : memref<1x2x128xi32, #tpu.memory_space<vmem>> -> memref<2x128xi32, #tpu.memory_space<vmem>>
    %dma_wait3A_112 = arith.constant 0 : i32
    %dma_wait3A_113 = arith.constant 0 : i32
    %dma_wait3A_114 = tpu.memref_slice %arg3[%dma_wait3A_98, %dma_wait3A_112, %dma_wait3A_113] : memref<2560x2x128xi32, #tpu.memory_space<hbm>> -> memref<1x2x128xi32, #tpu.memory_space<hbm>>
    %dma_wait3A_115 = tpu.memref_squeeze %dma_wait3A_114 : memref<1x2x128xi32, #tpu.memory_space<hbm>> -> memref<2x128xi32, #tpu.memory_space<hbm>>
    tpu.wait_dma2 semaphore(%arg12 : memref<!tpu.dma_semaphore, #tpu.memory_space<semaphore_mem>>) src(%dma_wait3A_115 : memref<2x128xi32, #tpu.memory_space<hbm>>) dst(%dma_wait3A_111 : memref<2x128xi32, #tpu.memory_space<vmem>>)
    %dma_start3A_116 = arith.constant 0 : i32
    %dma_start3A_117 = arith.constant 0 : i32
    %dma_start3A_118 = arith.constant 0 : i32
    %dma_start3A_119 = arith.constant 0 : i32
    %dma_start3A_120 = arith.constant 0 : i32
    %dma_start3A_121 = tpu.memref_slice %arg7[%dma_start3A_118, %dma_start3A_119, %dma_start3A_120] : memref<2x128x128xf32, #tpu.memory_space<vmem>> -> memref<1x128x128xf32, #tpu.memory_space<vmem>>
    %dma_start3A_122 = tpu.memref_squeeze %dma_start3A_121 : memref<1x128x128xf32, #tpu.memory_space<vmem>> -> memref<128x128xf32, #tpu.memory_space<vmem>>
    %dma_start3A_123 = arith.constant 0 : i32
    %dma_start3A_124 = tpu.memref_slice %arg6[%dma_start3A_116, %dma_start3A_117, %dma_start3A_123] : memref<4x2x128xi32, #tpu.memory_space<vmem>> -> memref<1x1x128xi32, #tpu.memory_space<vmem>>
    %dma_start3A_125 = tpu.memref_squeeze %dma_start3A_124 : memref<1x1x128xi32, #tpu.memory_space<vmem>> -> memref<128xi32, #tpu.memory_space<vmem>>
    %dma_start3A_126 = arith.constant 0 : i32
    %dma_start3A_127 = arith.constant 0 : i32
    %dma_start3A_128 = tpu.memref_slice %arg2[%dma_start3A_126, %dma_start3A_127] : memref<10000x128xf32, #tpu.memory_space<hbm>> -> memref<10000x128xf32, #tpu.memory_space<hbm>>
    tpu.enqueue_indirect_dma source(%dma_start3A_128 : memref<10000x128xf32, #tpu.memory_space<hbm>>) target(%dma_start3A_122 : memref<128x128xf32, #tpu.memory_space<vmem>>) offsets(%dma_start3A_125 : memref<128xi32, #tpu.memory_space<vmem>>) semaphore(%arg9 : memref<!tpu.dma_semaphore, #tpu.memory_space<semaphore_mem>>)
    %dma_start3A_129 = arith.constant 1 : i32
    %dma_start3A_130 = arith.constant 0 : i32
    %dma_start3A_131 = arith.constant 1 : i32
    %dma_start3A_132 = arith.constant 0 : i32
    %dma_start3A_133 = arith.constant 0 : i32
    %dma_start3A_134 = tpu.memref_slice %arg7[%dma_start3A_131, %dma_start3A_132, %dma_start3A_133] : memref<2x128x128xf32, #tpu.memory_space<vmem>> -> memref<1x128x128xf32, #tpu.memory_space<vmem>>
    %dma_start3A_135 = tpu.memref_squeeze %dma_start3A_134 : memref<1x128x128xf32, #tpu.memory_space<vmem>> -> memref<128x128xf32, #tpu.memory_space<vmem>>
    %dma_start3A_136 = arith.constant 0 : i32
    %dma_start3A_137 = tpu.memref_slice %arg6[%dma_start3A_129, %dma_start3A_130, %dma_start3A_136] : memref<4x2x128xi32, #tpu.memory_space<vmem>> -> memref<1x1x128xi32, #tpu.memory_space<vmem>>
    %dma_start3A_138 = tpu.memref_squeeze %dma_start3A_137 : memref<1x1x128xi32, #tpu.memory_space<vmem>> -> memref<128xi32, #tpu.memory_space<vmem>>
    %dma_start3A_139 = arith.constant 0 : i32
    %dma_start3A_140 = arith.constant 0 : i32
    %dma_start3A_141 = tpu.memref_slice %arg2[%dma_start3A_139, %dma_start3A_140] : memref<10000x128xf32, #tpu.memory_space<hbm>> -> memref<10000x128xf32, #tpu.memory_space<hbm>>
    tpu.enqueue_indirect_dma source(%dma_start3A_141 : memref<10000x128xf32, #tpu.memory_space<hbm>>) target(%dma_start3A_135 : memref<128x128xf32, #tpu.memory_space<vmem>>) offsets(%dma_start3A_138 : memref<128xi32, #tpu.memory_space<vmem>>) semaphore(%arg10 : memref<!tpu.dma_semaphore, #tpu.memory_space<semaphore_mem>>)
    %scan3A = arith.constant 0 : i32
    %scan3A_142 = arith.constant 19 : i32
    %scan3A_143 = arith.addi %scan3A, %scan3A_142 : i32
    %scan3A_144 = arith.constant 1 : i32
    scf.for %scan3A_272 = %scan3A to %scan3A_143 step %scan3A_144  : i32 {
      %mul3A_273 = arith.constant 4 : i32
      %mul3A_274 = arith.muli %scan3A_272, %mul3A_273 : i32
      %add3A_275 = arith.constant 0 : i32
      %add3A_276 = arith.addi %add3A_275, %mul3A_274 : i32
      %dma_wait3A_277 = arith.constant 0 : i32
      %dma_wait3A_278 = arith.constant 0 : i32
      %dma_wait3A_279 = arith.constant 0 : i32
      %dma_wait3A_280 = arith.constant 0 : i32
      %dma_wait3A_281 = arith.constant 0 : i32
      %dma_wait3A_282 = tpu.memref_slice %arg7[%dma_wait3A_279, %dma_wait3A_280, %dma_wait3A_281] : memref<2x128x128xf32, #tpu.memory_space<vmem>> -> memref<1x128x128xf32, #tpu.memory_space<vmem>>
      %dma_wait3A_283 = tpu.memref_squeeze %dma_wait3A_282 : memref<1x128x128xf32, #tpu.memory_space<vmem>> -> memref<128x128xf32, #tpu.memory_space<vmem>>
      %dma_wait3A_284 = arith.constant 0 : i32
      %dma_wait3A_285 = tpu.memref_slice %arg6[%dma_wait3A_277, %dma_wait3A_278, %dma_wait3A_284] : memref<4x2x128xi32, #tpu.memory_space<vmem>> -> memref<1x1x128xi32, #tpu.memory_space<vmem>>
      %dma_wait3A_286 = tpu.memref_squeeze %dma_wait3A_285 : memref<1x1x128xi32, #tpu.memory_space<vmem>> -> memref<128xi32, #tpu.memory_space<vmem>>
      %dma_wait3A_287 = arith.constant 0 : i32
      %dma_wait3A_288 = arith.constant 0 : i32
      %dma_wait3A_289 = tpu.memref_slice %arg2[%dma_wait3A_287, %dma_wait3A_288] : memref<10000x128xf32, #tpu.memory_space<hbm>> -> memref<10000x128xf32, #tpu.memory_space<hbm>>
      tpu.wait_indirect_dma semaphore(%arg9 : memref<!tpu.dma_semaphore, #tpu.memory_space<semaphore_mem>>) src(%dma_wait3A_289 : memref<10000x128xf32, #tpu.memory_space<hbm>>) dst(%dma_wait3A_283 : memref<128x128xf32, #tpu.memory_space<vmem>>)
      %run_scoped3A_290 = arith.constant 0 : i32
      %run_scoped3A_291 = arith.constant 0 : i32
      %run_scoped3A_292 = arith.constant 1 : i32
      "tpu.region"() ({
        %run_scoped3A_553 = tpu.sem_alloc : memref<!tpu.dma_semaphore, #tpu.memory_space<semaphore_mem>>
        %dma_start3A_554 = arith.constant 0 : i32
        %dma_start3A_555 = arith.constant 0 : i32
        %dma_start3A_556 = tpu.memref_slice %arg7[%run_scoped3A_290, %dma_start3A_554, %dma_start3A_555] : memref<2x128x128xf32, #tpu.memory_space<vmem>> -> memref<1x128x128xf32, #tpu.memory_space<vmem>>
        %dma_start3A_557 = tpu.memref_squeeze %dma_start3A_556 : memref<1x128x128xf32, #tpu.memory_space<vmem>> -> memref<128x128xf32, #tpu.memory_space<vmem>>
        %dma_start3A_558 = arith.constant 0 : i32
        %dma_start3A_559 = tpu.memref_slice %arg6[%run_scoped3A_291, %run_scoped3A_292, %dma_start3A_558] : memref<4x2x128xi32, #tpu.memory_space<vmem>> -> memref<1x1x128xi32, #tpu.memory_space<vmem>>
        %dma_start3A_560 = tpu.memref_squeeze %dma_start3A_559 : memref<1x1x128xi32, #tpu.memory_space<vmem>> -> memref<128xi32, #tpu.memory_space<vmem>>
        %dma_start3A_561 = arith.constant 0 : i32
        %dma_start3A_562 = arith.constant 0 : i32
        %dma_start3A_563 = tpu.memref_slice %arg8[%dma_start3A_561, %dma_start3A_562] : memref<10112x128xf32, #tpu.memory_space<vmem_shared>> -> memref<10112x128xf32, #tpu.memory_space<vmem_shared>>
        tpu.enqueue_indirect_dma source(%dma_start3A_557 : memref<128x128xf32, #tpu.memory_space<vmem>>) target(%dma_start3A_563 : memref<10112x128xf32, #tpu.memory_space<vmem_shared>>) offsets(%dma_start3A_560 : memref<128xi32, #tpu.memory_space<vmem>>) semaphore(%run_scoped3A_553 : memref<!tpu.dma_semaphore, #tpu.memory_space<semaphore_mem>>) {add = true}
        %dma_wait3A_564 = arith.constant 0 : i32
        %dma_wait3A_565 = arith.constant 0 : i32
        %dma_wait3A_566 = tpu.memref_slice %arg7[%run_scoped3A_290, %dma_wait3A_564, %dma_wait3A_565] : memref<2x128x128xf32, #tpu.memory_space<vmem>> -> memref<1x128x128xf32, #tpu.memory_space<vmem>>
        %dma_wait3A_567 = tpu.memref_squeeze %dma_wait3A_566 : memref<1x128x128xf32, #tpu.memory_space<vmem>> -> memref<128x128xf32, #tpu.memory_space<vmem>>
        %dma_wait3A_568 = arith.constant 0 : i32
        %dma_wait3A_569 = tpu.memref_slice %arg6[%run_scoped3A_291, %run_scoped3A_292, %dma_wait3A_568] : memref<4x2x128xi32, #tpu.memory_space<vmem>> -> memref<1x1x128xi32, #tpu.memory_space<vmem>>
        %dma_wait3A_570 = tpu.memref_squeeze %dma_wait3A_569 : memref<1x1x128xi32, #tpu.memory_space<vmem>> -> memref<128xi32, #tpu.memory_space<vmem>>
        %dma_wait3A_571 = arith.constant 0 : i32
        %dma_wait3A_572 = arith.constant 0 : i32
        %dma_wait3A_573 = tpu.memref_slice %arg8[%dma_wait3A_571, %dma_wait3A_572] : memref<10112x128xf32, #tpu.memory_space<vmem_shared>> -> memref<10112x128xf32, #tpu.memory_space<vmem_shared>>
        tpu.wait_indirect_dma semaphore(%run_scoped3A_553 : memref<!tpu.dma_semaphore, #tpu.memory_space<semaphore_mem>>) src(%dma_wait3A_567 : memref<128x128xf32, #tpu.memory_space<vmem>>) dst(%dma_wait3A_573 : memref<10112x128xf32, #tpu.memory_space<vmem_shared>>)
        tpu.yield
      }) : () -> ()
      %dma_wait3A_293 = arith.constant 0 : i32
      %dma_wait3A_294 = arith.constant 2 : i32
      %dma_wait3A_295 = arith.constant 0 : i32
      %dma_wait3A_296 = arith.constant 0 : i32
      %dma_wait3A_297 = tpu.memref_slice %arg6[%dma_wait3A_294, %dma_wait3A_295, %dma_wait3A_296] : memref<4x2x128xi32, #tpu.memory_space<vmem>> -> memref<1x2x128xi32, #tpu.memory_space<vmem>>
      %dma_wait3A_298 = tpu.memref_squeeze %dma_wait3A_297 : memref<1x2x128xi32, #tpu.memory_space<vmem>> -> memref<2x128xi32, #tpu.memory_space<vmem>>
      %dma_wait3A_299 = arith.constant 0 : i32
      %dma_wait3A_300 = arith.constant 0 : i32
      %dma_wait3A_301 = tpu.memref_slice %arg3[%dma_wait3A_293, %dma_wait3A_299, %dma_wait3A_300] : memref<2560x2x128xi32, #tpu.memory_space<hbm>> -> memref<1x2x128xi32, #tpu.memory_space<hbm>>
      %dma_wait3A_302 = tpu.memref_squeeze %dma_wait3A_301 : memref<1x2x128xi32, #tpu.memory_space<hbm>> -> memref<2x128xi32, #tpu.memory_space<hbm>>
      %dma_wait3A_303 = arith.constant 0 : i32
      %dma_wait3A_304 = arith.constant 0 : i32
      %dma_wait3A_305 = tpu.memref_slice %arg6[%dma_wait3A_294, %dma_wait3A_303, %dma_wait3A_304] : memref<4x2x128xi32, #tpu.memory_space<vmem>> -> memref<1x2x128xi32, #tpu.memory_space<vmem>>
      %dma_wait3A_306 = tpu.memref_squeeze %dma_wait3A_305 : memref<1x2x128xi32, #tpu.memory_space<vmem>> -> memref<2x128xi32, #tpu.memory_space<vmem>>
      %dma_wait3A_307 = arith.constant 0 : i32
      %dma_wait3A_308 = arith.constant 0 : i32
      %dma_wait3A_309 = tpu.memref_slice %arg3[%dma_wait3A_293, %dma_wait3A_307, %dma_wait3A_308] : memref<2560x2x128xi32, #tpu.memory_space<hbm>> -> memref<1x2x128xi32, #tpu.memory_space<hbm>>
      %dma_wait3A_310 = tpu.memref_squeeze %dma_wait3A_309 : memref<1x2x128xi32, #tpu.memory_space<hbm>> -> memref<2x128xi32, #tpu.memory_space<hbm>>
      tpu.wait_dma2 semaphore(%arg13 : memref<!tpu.dma_semaphore, #tpu.memory_space<semaphore_mem>>) src(%dma_wait3A_310 : memref<2x128xi32, #tpu.memory_space<hbm>>) dst(%dma_wait3A_306 : memref<2x128xi32, #tpu.memory_space<vmem>>)
      %dma_start3A_311 = arith.constant 2 : i32
      %dma_start3A_312 = arith.constant 0 : i32
      %dma_start3A_313 = arith.constant 0 : i32
      %dma_start3A_314 = arith.constant 0 : i32
      %dma_start3A_315 = arith.constant 0 : i32
      %dma_start3A_316 = tpu.memref_slice %arg7[%dma_start3A_313, %dma_start3A_314, %dma_start3A_315] : memref<2x128x128xf32, #tpu.memory_space<vmem>> -> memref<1x128x128xf32, #tpu.memory_space<vmem>>
      %dma_start3A_317 = tpu.memref_squeeze %dma_start3A_316 : memref<1x128x128xf32, #tpu.memory_space<vmem>> -> memref<128x128xf32, #tpu.memory_space<vmem>>
      %dma_start3A_318 = arith.constant 0 : i32
      %dma_start3A_319 = tpu.memref_slice %arg6[%dma_start3A_311, %dma_start3A_312, %dma_start3A_318] : memref<4x2x128xi32, #tpu.memory_space<vmem>> -> memref<1x1x128xi32, #tpu.memory_space<vmem>>
      %dma_start3A_320 = tpu.memref_squeeze %dma_start3A_319 : memref<1x1x128xi32, #tpu.memory_space<vmem>> -> memref<128xi32, #tpu.memory_space<vmem>>
      %dma_start3A_321 = arith.constant 0 : i32
      %dma_start3A_322 = arith.constant 0 : i32
      %dma_start3A_323 = tpu.memref_slice %arg2[%dma_start3A_321, %dma_start3A_322] : memref<10000x128xf32, #tpu.memory_space<hbm>> -> memref<10000x128xf32, #tpu.memory_space<hbm>>
      tpu.enqueue_indirect_dma source(%dma_start3A_323 : memref<10000x128xf32, #tpu.memory_space<hbm>>) target(%dma_start3A_317 : memref<128x128xf32, #tpu.memory_space<vmem>>) offsets(%dma_start3A_320 : memref<128xi32, #tpu.memory_space<vmem>>) semaphore(%arg9 : memref<!tpu.dma_semaphore, #tpu.memory_space<semaphore_mem>>)
      %add3A_324 = arith.constant 0 : i32
      %add3A_325 = arith.addi %add3A_276, %add3A_324 : i32
      %add3A_326 = arith.constant 4 : i32
      %add3A_327 = arith.addi %add3A_325, %add3A_326 : i32
      %add3A_328 = arith.addi %mul3A_2, %add3A_327 : i32
      %dma_start3A_329 = arith.constant 0 : i32
      %dma_start3A_330 = arith.constant 0 : i32
      %dma_start3A_331 = arith.constant 0 : i32
      %dma_start3A_332 = tpu.memref_slice %arg6[%dma_start3A_329, %dma_start3A_330, %dma_start3A_331] : memref<4x2x128xi32, #tpu.memory_space<vmem>> -> memref<1x2x128xi32, #tpu.memory_space<vmem>>
      %dma_start3A_333 = tpu.memref_squeeze %dma_start3A_332 : memref<1x2x128xi32, #tpu.memory_space<vmem>> -> memref<2x128xi32, #tpu.memory_space<vmem>>
      %dma_start3A_334 = arith.constant 0 : i32
      %dma_start3A_335 = arith.constant 0 : i32
      %dma_start3A_336 = tpu.memref_slice %arg3[%add3A_328, %dma_start3A_334, %dma_start3A_335] : memref<2560x2x128xi32, #tpu.memory_space<hbm>> -> memref<1x2x128xi32, #tpu.memory_space<hbm>>
      %dma_start3A_337 = tpu.memref_squeeze %dma_start3A_336 : memref<1x2x128xi32, #tpu.memory_space<hbm>> -> memref<2x128xi32, #tpu.memory_space<hbm>>
      %dma_start3A_338 = arith.constant 0 : i32
      %dma_start3A_339 = arith.constant 0 : i32
      %dma_start3A_340 = tpu.memref_slice %arg6[%dma_start3A_329, %dma_start3A_338, %dma_start3A_339] : memref<4x2x128xi32, #tpu.memory_space<vmem>> -> memref<1x2x128xi32, #tpu.memory_space<vmem>>
      %dma_start3A_341 = tpu.memref_squeeze %dma_start3A_340 : memref<1x2x128xi32, #tpu.memory_space<vmem>> -> memref<2x128xi32, #tpu.memory_space<vmem>>
      %dma_start3A_342 = arith.constant 0 : i32
      %dma_start3A_343 = arith.constant 0 : i32
      %dma_start3A_344 = tpu.memref_slice %arg3[%add3A_328, %dma_start3A_342, %dma_start3A_343] : memref<2560x2x128xi32, #tpu.memory_space<hbm>> -> memref<1x2x128xi32, #tpu.memory_space<hbm>>
      %dma_start3A_345 = tpu.memref_squeeze %dma_start3A_344 : memref<1x2x128xi32, #tpu.memory_space<hbm>> -> memref<2x128xi32, #tpu.memory_space<hbm>>
      tpu.enqueue_dma source(%dma_start3A_345 : memref<2x128xi32, #tpu.memory_space<hbm>>) target(%dma_start3A_341 : memref<2x128xi32, #tpu.memory_space<vmem>>) target_semaphore(%arg11 : memref<!tpu.dma_semaphore, #tpu.memory_space<semaphore_mem>>)
      %dma_wait3A_346 = arith.constant 1 : i32
      %dma_wait3A_347 = arith.constant 0 : i32
      %dma_wait3A_348 = arith.constant 1 : i32
      %dma_wait3A_349 = arith.constant 0 : i32
      %dma_wait3A_350 = arith.constant 0 : i32
      %dma_wait3A_351 = tpu.memref_slice %arg7[%dma_wait3A_348, %dma_wait3A_349, %dma_wait3A_350] : memref<2x128x128xf32, #tpu.memory_space<vmem>> -> memref<1x128x128xf32, #tpu.memory_space<vmem>>
      %dma_wait3A_352 = tpu.memref_squeeze %dma_wait3A_351 : memref<1x128x128xf32, #tpu.memory_space<vmem>> -> memref<128x128xf32, #tpu.memory_space<vmem>>
      %dma_wait3A_353 = arith.constant 0 : i32
      %dma_wait3A_354 = tpu.memref_slice %arg6[%dma_wait3A_346, %dma_wait3A_347, %dma_wait3A_353] : memref<4x2x128xi32, #tpu.memory_space<vmem>> -> memref<1x1x128xi32, #tpu.memory_space<vmem>>
      %dma_wait3A_355 = tpu.memref_squeeze %dma_wait3A_354 : memref<1x1x128xi32, #tpu.memory_space<vmem>> -> memref<128xi32, #tpu.memory_space<vmem>>
      %dma_wait3A_356 = arith.constant 0 : i32
      %dma_wait3A_357 = arith.constant 0 : i32
      %dma_wait3A_358 = tpu.memref_slice %arg2[%dma_wait3A_356, %dma_wait3A_357] : memref<10000x128xf32, #tpu.memory_space<hbm>> -> memref<10000x128xf32, #tpu.memory_space<hbm>>
      tpu.wait_indirect_dma semaphore(%arg10 : memref<!tpu.dma_semaphore, #tpu.memory_space<semaphore_mem>>) src(%dma_wait3A_358 : memref<10000x128xf32, #tpu.memory_space<hbm>>) dst(%dma_wait3A_352 : memref<128x128xf32, #tpu.memory_space<vmem>>)
      %run_scoped3A_359 = arith.constant 1 : i32
      %run_scoped3A_360 = arith.constant 1 : i32
      %run_scoped3A_361 = arith.constant 1 : i32
      "tpu.region"() ({
        %run_scoped3A_553 = tpu.sem_alloc : memref<!tpu.dma_semaphore, #tpu.memory_space<semaphore_mem>>
        %dma_start3A_554 = arith.constant 0 : i32
        %dma_start3A_555 = arith.constant 0 : i32
        %dma_start3A_556 = tpu.memref_slice %arg7[%run_scoped3A_359, %dma_start3A_554, %dma_start3A_555] : memref<2x128x128xf32, #tpu.memory_space<vmem>> -> memref<1x128x128xf32, #tpu.memory_space<vmem>>
        %dma_start3A_557 = tpu.memref_squeeze %dma_start3A_556 : memref<1x128x128xf32, #tpu.memory_space<vmem>> -> memref<128x128xf32, #tpu.memory_space<vmem>>
        %dma_start3A_558 = arith.constant 0 : i32
        %dma_start3A_559 = tpu.memref_slice %arg6[%run_scoped3A_360, %run_scoped3A_361, %dma_start3A_558] : memref<4x2x128xi32, #tpu.memory_space<vmem>> -> memref<1x1x128xi32, #tpu.memory_space<vmem>>
        %dma_start3A_560 = tpu.memref_squeeze %dma_start3A_559 : memref<1x1x128xi32, #tpu.memory_space<vmem>> -> memref<128xi32, #tpu.memory_space<vmem>>
        %dma_start3A_561 = arith.constant 0 : i32
        %dma_start3A_562 = arith.constant 0 : i32
        %dma_start3A_563 = tpu.memref_slice %arg8[%dma_start3A_561, %dma_start3A_562] : memref<10112x128xf32, #tpu.memory_space<vmem_shared>> -> memref<10112x128xf32, #tpu.memory_space<vmem_shared>>
        tpu.enqueue_indirect_dma source(%dma_start3A_557 : memref<128x128xf32, #tpu.memory_space<vmem>>) target(%dma_start3A_563 : memref<10112x128xf32, #tpu.memory_space<vmem_shared>>) offsets(%dma_start3A_560 : memref<128xi32, #tpu.memory_space<vmem>>) semaphore(%run_scoped3A_553 : memref<!tpu.dma_semaphore, #tpu.memory_space<semaphore_mem>>) {add = true}
        %dma_wait3A_564 = arith.constant 0 : i32
        %dma_wait3A_565 = arith.constant 0 : i32
        %dma_wait3A_566 = tpu.memref_slice %arg7[%run_scoped3A_359, %dma_wait3A_564, %dma_wait3A_565] : memref<2x128x128xf32, #tpu.memory_space<vmem>> -> memref<1x128x128xf32, #tpu.memory_space<vmem>>
        %dma_wait3A_567 = tpu.memref_squeeze %dma_wait3A_566 : memref<1x128x128xf32, #tpu.memory_space<vmem>> -> memref<128x128xf32, #tpu.memory_space<vmem>>
        %dma_wait3A_568 = arith.constant 0 : i32
        %dma_wait3A_569 = tpu.memref_slice %arg6[%run_scoped3A_360, %run_scoped3A_361, %dma_wait3A_568] : memref<4x2x128xi32, #tpu.memory_space<vmem>> -> memref<1x1x128xi32, #tpu.memory_space<vmem>>
        %dma_wait3A_570 = tpu.memref_squeeze %dma_wait3A_569 : memref<1x1x128xi32, #tpu.memory_space<vmem>> -> memref<128xi32, #tpu.memory_space<vmem>>
        %dma_wait3A_571 = arith.constant 0 : i32
        %dma_wait3A_572 = arith.constant 0 : i32
        %dma_wait3A_573 = tpu.memref_slice %arg8[%dma_wait3A_571, %dma_wait3A_572] : memref<10112x128xf32, #tpu.memory_space<vmem_shared>> -> memref<10112x128xf32, #tpu.memory_space<vmem_shared>>
        tpu.wait_indirect_dma semaphore(%run_scoped3A_553 : memref<!tpu.dma_semaphore, #tpu.memory_space<semaphore_mem>>) src(%dma_wait3A_567 : memref<128x128xf32, #tpu.memory_space<vmem>>) dst(%dma_wait3A_573 : memref<10112x128xf32, #tpu.memory_space<vmem_shared>>)
        tpu.yield
      }) : () -> ()
      %dma_wait3A_362 = arith.constant 0 : i32
      %dma_wait3A_363 = arith.constant 3 : i32
      %dma_wait3A_364 = arith.constant 0 : i32
      %dma_wait3A_365 = arith.constant 0 : i32
      %dma_wait3A_366 = tpu.memref_slice %arg6[%dma_wait3A_363, %dma_wait3A_364, %dma_wait3A_365] : memref<4x2x128xi32, #tpu.memory_space<vmem>> -> memref<1x2x128xi32, #tpu.memory_space<vmem>>
      %dma_wait3A_367 = tpu.memref_squeeze %dma_wait3A_366 : memref<1x2x128xi32, #tpu.memory_space<vmem>> -> memref<2x128xi32, #tpu.memory_space<vmem>>
      %dma_wait3A_368 = arith.constant 0 : i32
      %dma_wait3A_369 = arith.constant 0 : i32
      %dma_wait3A_370 = tpu.memref_slice %arg3[%dma_wait3A_362, %dma_wait3A_368, %dma_wait3A_369] : memref<2560x2x128xi32, #tpu.memory_space<hbm>> -> memref<1x2x128xi32, #tpu.memory_space<hbm>>
      %dma_wait3A_371 = tpu.memref_squeeze %dma_wait3A_370 : memref<1x2x128xi32, #tpu.memory_space<hbm>> -> memref<2x128xi32, #tpu.memory_space<hbm>>
      %dma_wait3A_372 = arith.constant 0 : i32
      %dma_wait3A_373 = arith.constant 0 : i32
      %dma_wait3A_374 = tpu.memref_slice %arg6[%dma_wait3A_363, %dma_wait3A_372, %dma_wait3A_373] : memref<4x2x128xi32, #tpu.memory_space<vmem>> -> memref<1x2x128xi32, #tpu.memory_space<vmem>>
      %dma_wait3A_375 = tpu.memref_squeeze %dma_wait3A_374 : memref<1x2x128xi32, #tpu.memory_space<vmem>> -> memref<2x128xi32, #tpu.memory_space<vmem>>
      %dma_wait3A_376 = arith.constant 0 : i32
      %dma_wait3A_377 = arith.constant 0 : i32
      %dma_wait3A_378 = tpu.memref_slice %arg3[%dma_wait3A_362, %dma_wait3A_376, %dma_wait3A_377] : memref<2560x2x128xi32, #tpu.memory_space<hbm>> -> memref<1x2x128xi32, #tpu.memory_space<hbm>>
      %dma_wait3A_379 = tpu.memref_squeeze %dma_wait3A_378 : memref<1x2x128xi32, #tpu.memory_space<hbm>> -> memref<2x128xi32, #tpu.memory_space<hbm>>
      tpu.wait_dma2 semaphore(%arg14 : memref<!tpu.dma_semaphore, #tpu.memory_space<semaphore_mem>>) src(%dma_wait3A_379 : memref<2x128xi32, #tpu.memory_space<hbm>>) dst(%dma_wait3A_375 : memref<2x128xi32, #tpu.memory_space<vmem>>)
      %dma_start3A_380 = arith.constant 3 : i32
      %dma_start3A_381 = arith.constant 0 : i32
      %dma_start3A_382 = arith.constant 1 : i32
      %dma_start3A_383 = arith.constant 0 : i32
      %dma_start3A_384 = arith.constant 0 : i32
      %dma_start3A_385 = tpu.memref_slice %arg7[%dma_start3A_382, %dma_start3A_383, %dma_start3A_384] : memref<2x128x128xf32, #tpu.memory_space<vmem>> -> memref<1x128x128xf32, #tpu.memory_space<vmem>>
      %dma_start3A_386 = tpu.memref_squeeze %dma_start3A_385 : memref<1x128x128xf32, #tpu.memory_space<vmem>> -> memref<128x128xf32, #tpu.memory_space<vmem>>
      %dma_start3A_387 = arith.constant 0 : i32
      %dma_start3A_388 = tpu.memref_slice %arg6[%dma_start3A_380, %dma_start3A_381, %dma_start3A_387] : memref<4x2x128xi32, #tpu.memory_space<vmem>> -> memref<1x1x128xi32, #tpu.memory_space<vmem>>
      %dma_start3A_389 = tpu.memref_squeeze %dma_start3A_388 : memref<1x1x128xi32, #tpu.memory_space<vmem>> -> memref<128xi32, #tpu.memory_space<vmem>>
      %dma_start3A_390 = arith.constant 0 : i32
      %dma_start3A_391 = arith.constant 0 : i32
      %dma_start3A_392 = tpu.memref_slice %arg2[%dma_start3A_390, %dma_start3A_391] : memref<10000x128xf32, #tpu.memory_space<hbm>> -> memref<10000x128xf32, #tpu.memory_space<hbm>>
      tpu.enqueue_indirect_dma source(%dma_start3A_392 : memref<10000x128xf32, #tpu.memory_space<hbm>>) target(%dma_start3A_386 : memref<128x128xf32, #tpu.memory_space<vmem>>) offsets(%dma_start3A_389 : memref<128xi32, #tpu.memory_space<vmem>>) semaphore(%arg10 : memref<!tpu.dma_semaphore, #tpu.memory_space<semaphore_mem>>)
      %add3A_393 = arith.constant 1 : i32
      %add3A_394 = arith.addi %add3A_276, %add3A_393 : i32
      %add3A_395 = arith.constant 4 : i32
      %add3A_396 = arith.addi %add3A_394, %add3A_395 : i32
      %add3A_397 = arith.addi %mul3A_2, %add3A_396 : i32
      %dma_start3A_398 = arith.constant 1 : i32
      %dma_start3A_399 = arith.constant 0 : i32
      %dma_start3A_400 = arith.constant 0 : i32
      %dma_start3A_401 = tpu.memref_slice %arg6[%dma_start3A_398, %dma_start3A_399, %dma_start3A_400] : memref<4x2x128xi32, #tpu.memory_space<vmem>> -> memref<1x2x128xi32, #tpu.memory_space<vmem>>
      %dma_start3A_402 = tpu.memref_squeeze %dma_start3A_401 : memref<1x2x128xi32, #tpu.memory_space<vmem>> -> memref<2x128xi32, #tpu.memory_space<vmem>>
      %dma_start3A_403 = arith.constant 0 : i32
      %dma_start3A_404 = arith.constant 0 : i32
      %dma_start3A_405 = tpu.memref_slice %arg3[%add3A_397, %dma_start3A_403, %dma_start3A_404] : memref<2560x2x128xi32, #tpu.memory_space<hbm>> -> memref<1x2x128xi32, #tpu.memory_space<hbm>>
      %dma_start3A_406 = tpu.memref_squeeze %dma_start3A_405 : memref<1x2x128xi32, #tpu.memory_space<hbm>> -> memref<2x128xi32, #tpu.memory_space<hbm>>
      %dma_start3A_407 = arith.constant 0 : i32
      %dma_start3A_408 = arith.constant 0 : i32
      %dma_start3A_409 = tpu.memref_slice %arg6[%dma_start3A_398, %dma_start3A_407, %dma_start3A_408] : memref<4x2x128xi32, #tpu.memory_space<vmem>> -> memref<1x2x128xi32, #tpu.memory_space<vmem>>
      %dma_start3A_410 = tpu.memref_squeeze %dma_start3A_409 : memref<1x2x128xi32, #tpu.memory_space<vmem>> -> memref<2x128xi32, #tpu.memory_space<vmem>>
      %dma_start3A_411 = arith.constant 0 : i32
      %dma_start3A_412 = arith.constant 0 : i32
      %dma_start3A_413 = tpu.memref_slice %arg3[%add3A_397, %dma_start3A_411, %dma_start3A_412] : memref<2560x2x128xi32, #tpu.memory_space<hbm>> -> memref<1x2x128xi32, #tpu.memory_space<hbm>>
      %dma_start3A_414 = tpu.memref_squeeze %dma_start3A_413 : memref<1x2x128xi32, #tpu.memory_space<hbm>> -> memref<2x128xi32, #tpu.memory_space<hbm>>
      tpu.enqueue_dma source(%dma_start3A_414 : memref<2x128xi32, #tpu.memory_space<hbm>>) target(%dma_start3A_410 : memref<2x128xi32, #tpu.memory_space<vmem>>) target_semaphore(%arg12 : memref<!tpu.dma_semaphore, #tpu.memory_space<semaphore_mem>>)
      %dma_wait3A_415 = arith.constant 2 : i32
      %dma_wait3A_416 = arith.constant 0 : i32
      %dma_wait3A_417 = arith.constant 0 : i32
      %dma_wait3A_418 = arith.constant 0 : i32
      %dma_wait3A_419 = arith.constant 0 : i32
      %dma_wait3A_420 = tpu.memref_slice %arg7[%dma_wait3A_417, %dma_wait3A_418, %dma_wait3A_419] : memref<2x128x128xf32, #tpu.memory_space<vmem>> -> memref<1x128x128xf32, #tpu.memory_space<vmem>>
      %dma_wait3A_421 = tpu.memref_squeeze %dma_wait3A_420 : memref<1x128x128xf32, #tpu.memory_space<vmem>> -> memref<128x128xf32, #tpu.memory_space<vmem>>
      %dma_wait3A_422 = arith.constant 0 : i32
      %dma_wait3A_423 = tpu.memref_slice %arg6[%dma_wait3A_415, %dma_wait3A_416, %dma_wait3A_422] : memref<4x2x128xi32, #tpu.memory_space<vmem>> -> memref<1x1x128xi32, #tpu.memory_space<vmem>>
      %dma_wait3A_424 = tpu.memref_squeeze %dma_wait3A_423 : memref<1x1x128xi32, #tpu.memory_space<vmem>> -> memref<128xi32, #tpu.memory_space<vmem>>
      %dma_wait3A_425 = arith.constant 0 : i32
      %dma_wait3A_426 = arith.constant 0 : i32
      %dma_wait3A_427 = tpu.memref_slice %arg2[%dma_wait3A_425, %dma_wait3A_426] : memref<10000x128xf32, #tpu.memory_space<hbm>> -> memref<10000x128xf32, #tpu.memory_space<hbm>>
      tpu.wait_indirect_dma semaphore(%arg9 : memref<!tpu.dma_semaphore, #tpu.memory_space<semaphore_mem>>) src(%dma_wait3A_427 : memref<10000x128xf32, #tpu.memory_space<hbm>>) dst(%dma_wait3A_421 : memref<128x128xf32, #tpu.memory_space<vmem>>)
      %run_scoped3A_428 = arith.constant 0 : i32
      %run_scoped3A_429 = arith.constant 2 : i32
      %run_scoped3A_430 = arith.constant 1 : i32
      "tpu.region"() ({
        %run_scoped3A_553 = tpu.sem_alloc : memref<!tpu.dma_semaphore, #tpu.memory_space<semaphore_mem>>
        %dma_start3A_554 = arith.constant 0 : i32
        %dma_start3A_555 = arith.constant 0 : i32
        %dma_start3A_556 = tpu.memref_slice %arg7[%run_scoped3A_428, %dma_start3A_554, %dma_start3A_555] : memref<2x128x128xf32, #tpu.memory_space<vmem>> -> memref<1x128x128xf32, #tpu.memory_space<vmem>>
        %dma_start3A_557 = tpu.memref_squeeze %dma_start3A_556 : memref<1x128x128xf32, #tpu.memory_space<vmem>> -> memref<128x128xf32, #tpu.memory_space<vmem>>
        %dma_start3A_558 = arith.constant 0 : i32
        %dma_start3A_559 = tpu.memref_slice %arg6[%run_scoped3A_429, %run_scoped3A_430, %dma_start3A_558] : memref<4x2x128xi32, #tpu.memory_space<vmem>> -> memref<1x1x128xi32, #tpu.memory_space<vmem>>
        %dma_start3A_560 = tpu.memref_squeeze %dma_start3A_559 : memref<1x1x128xi32, #tpu.memory_space<vmem>> -> memref<128xi32, #tpu.memory_space<vmem>>
        %dma_start3A_561 = arith.constant 0 : i32
        %dma_start3A_562 = arith.constant 0 : i32
        %dma_start3A_563 = tpu.memref_slice %arg8[%dma_start3A_561, %dma_start3A_562] : memref<10112x128xf32, #tpu.memory_space<vmem_shared>> -> memref<10112x128xf32, #tpu.memory_space<vmem_shared>>
        tpu.enqueue_indirect_dma source(%dma_start3A_557 : memref<128x128xf32, #tpu.memory_space<vmem>>) target(%dma_start3A_563 : memref<10112x128xf32, #tpu.memory_space<vmem_shared>>) offsets(%dma_start3A_560 : memref<128xi32, #tpu.memory_space<vmem>>) semaphore(%run_scoped3A_553 : memref<!tpu.dma_semaphore, #tpu.memory_space<semaphore_mem>>) {add = true}
        %dma_wait3A_564 = arith.constant 0 : i32
        %dma_wait3A_565 = arith.constant 0 : i32
        %dma_wait3A_566 = tpu.memref_slice %arg7[%run_scoped3A_428, %dma_wait3A_564, %dma_wait3A_565] : memref<2x128x128xf32, #tpu.memory_space<vmem>> -> memref<1x128x128xf32, #tpu.memory_space<vmem>>
        %dma_wait3A_567 = tpu.memref_squeeze %dma_wait3A_566 : memref<1x128x128xf32, #tpu.memory_space<vmem>> -> memref<128x128xf32, #tpu.memory_space<vmem>>
        %dma_wait3A_568 = arith.constant 0 : i32
        %dma_wait3A_569 = tpu.memref_slice %arg6[%run_scoped3A_429, %run_scoped3A_430, %dma_wait3A_568] : memref<4x2x128xi32, #tpu.memory_space<vmem>> -> memref<1x1x128xi32, #tpu.memory_space<vmem>>
        %dma_wait3A_570 = tpu.memref_squeeze %dma_wait3A_569 : memref<1x1x128xi32, #tpu.memory_space<vmem>> -> memref<128xi32, #tpu.memory_space<vmem>>
        %dma_wait3A_571 = arith.constant 0 : i32
        %dma_wait3A_572 = arith.constant 0 : i32
        %dma_wait3A_573 = tpu.memref_slice %arg8[%dma_wait3A_571, %dma_wait3A_572] : memref<10112x128xf32, #tpu.memory_space<vmem_shared>> -> memref<10112x128xf32, #tpu.memory_space<vmem_shared>>
        tpu.wait_indirect_dma semaphore(%run_scoped3A_553 : memref<!tpu.dma_semaphore, #tpu.memory_space<semaphore_mem>>) src(%dma_wait3A_567 : memref<128x128xf32, #tpu.memory_space<vmem>>) dst(%dma_wait3A_573 : memref<10112x128xf32, #tpu.memory_space<vmem_shared>>)
        tpu.yield
      }) : () -> ()
      %dma_wait3A_431 = arith.constant 0 : i32
      %dma_wait3A_432 = arith.constant 0 : i32
      %dma_wait3A_433 = arith.constant 0 : i32
      %dma_wait3A_434 = arith.constant 0 : i32
      %dma_wait3A_435 = tpu.memref_slice %arg6[%dma_wait3A_432, %dma_wait3A_433, %dma_wait3A_434] : memref<4x2x128xi32, #tpu.memory_space<vmem>> -> memref<1x2x128xi32, #tpu.memory_space<vmem>>
      %dma_wait3A_436 = tpu.memref_squeeze %dma_wait3A_435 : memref<1x2x128xi32, #tpu.memory_space<vmem>> -> memref<2x128xi32, #tpu.memory_space<vmem>>
      %dma_wait3A_437 = arith.constant 0 : i32
      %dma_wait3A_438 = arith.constant 0 : i32
      %dma_wait3A_439 = tpu.memref_slice %arg3[%dma_wait3A_431, %dma_wait3A_437, %dma_wait3A_438] : memref<2560x2x128xi32, #tpu.memory_space<hbm>> -> memref<1x2x128xi32, #tpu.memory_space<hbm>>
      %dma_wait3A_440 = tpu.memref_squeeze %dma_wait3A_439 : memref<1x2x128xi32, #tpu.memory_space<hbm>> -> memref<2x128xi32, #tpu.memory_space<hbm>>
      %dma_wait3A_441 = arith.constant 0 : i32
      %dma_wait3A_442 = arith.constant 0 : i32
      %dma_wait3A_443 = tpu.memref_slice %arg6[%dma_wait3A_432, %dma_wait3A_441, %dma_wait3A_442] : memref<4x2x128xi32, #tpu.memory_space<vmem>> -> memref<1x2x128xi32, #tpu.memory_space<vmem>>
      %dma_wait3A_444 = tpu.memref_squeeze %dma_wait3A_443 : memref<1x2x128xi32, #tpu.memory_space<vmem>> -> memref<2x128xi32, #tpu.memory_space<vmem>>
      %dma_wait3A_445 = arith.constant 0 : i32
      %dma_wait3A_446 = arith.constant 0 : i32
      %dma_wait3A_447 = tpu.memref_slice %arg3[%dma_wait3A_431, %dma_wait3A_445, %dma_wait3A_446] : memref<2560x2x128xi32, #tpu.memory_space<hbm>> -> memref<1x2x128xi32, #tpu.memory_space<hbm>>
      %dma_wait3A_448 = tpu.memref_squeeze %dma_wait3A_447 : memref<1x2x128xi32, #tpu.memory_space<hbm>> -> memref<2x128xi32, #tpu.memory_space<hbm>>
      tpu.wait_dma2 semaphore(%arg11 : memref<!tpu.dma_semaphore, #tpu.memory_space<semaphore_mem>>) src(%dma_wait3A_448 : memref<2x128xi32, #tpu.memory_space<hbm>>) dst(%dma_wait3A_444 : memref<2x128xi32, #tpu.memory_space<vmem>>)
      %dma_start3A_449 = arith.constant 0 : i32
      %dma_start3A_450 = arith.constant 0 : i32
      %dma_start3A_451 = arith.constant 0 : i32
      %dma_start3A_452 = arith.constant 0 : i32
      %dma_start3A_453 = arith.constant 0 : i32
      %dma_start3A_454 = tpu.memref_slice %arg7[%dma_start3A_451, %dma_start3A_452, %dma_start3A_453] : memref<2x128x128xf32, #tpu.memory_space<vmem>> -> memref<1x128x128xf32, #tpu.memory_space<vmem>>
      %dma_start3A_455 = tpu.memref_squeeze %dma_start3A_454 : memref<1x128x128xf32, #tpu.memory_space<vmem>> -> memref<128x128xf32, #tpu.memory_space<vmem>>
      %dma_start3A_456 = arith.constant 0 : i32
      %dma_start3A_457 = tpu.memref_slice %arg6[%dma_start3A_449, %dma_start3A_450, %dma_start3A_456] : memref<4x2x128xi32, #tpu.memory_space<vmem>> -> memref<1x1x128xi32, #tpu.memory_space<vmem>>
      %dma_start3A_458 = tpu.memref_squeeze %dma_start3A_457 : memref<1x1x128xi32, #tpu.memory_space<vmem>> -> memref<128xi32, #tpu.memory_space<vmem>>
      %dma_start3A_459 = arith.constant 0 : i32
      %dma_start3A_460 = arith.constant 0 : i32
      %dma_start3A_461 = tpu.memref_slice %arg2[%dma_start3A_459, %dma_start3A_460] : memref<10000x128xf32, #tpu.memory_space<hbm>> -> memref<10000x128xf32, #tpu.memory_space<hbm>>
      tpu.enqueue_indirect_dma source(%dma_start3A_461 : memref<10000x128xf32, #tpu.memory_space<hbm>>) target(%dma_start3A_455 : memref<128x128xf32, #tpu.memory_space<vmem>>) offsets(%dma_start3A_458 : memref<128xi32, #tpu.memory_space<vmem>>) semaphore(%arg9 : memref<!tpu.dma_semaphore, #tpu.memory_space<semaphore_mem>>)
      %add3A_462 = arith.constant 2 : i32
      %add3A_463 = arith.addi %add3A_276, %add3A_462 : i32
      %add3A_464 = arith.constant 4 : i32
      %add3A_465 = arith.addi %add3A_463, %add3A_464 : i32
      %add3A_466 = arith.addi %mul3A_2, %add3A_465 : i32
      %dma_start3A_467 = arith.constant 2 : i32
      %dma_start3A_468 = arith.constant 0 : i32
      %dma_start3A_469 = arith.constant 0 : i32
      %dma_start3A_470 = tpu.memref_slice %arg6[%dma_start3A_467, %dma_start3A_468, %dma_start3A_469] : memref<4x2x128xi32, #tpu.memory_space<vmem>> -> memref<1x2x128xi32, #tpu.memory_space<vmem>>
      %dma_start3A_471 = tpu.memref_squeeze %dma_start3A_470 : memref<1x2x128xi32, #tpu.memory_space<vmem>> -> memref<2x128xi32, #tpu.memory_space<vmem>>
      %dma_start3A_472 = arith.constant 0 : i32
      %dma_start3A_473 = arith.constant 0 : i32
      %dma_start3A_474 = tpu.memref_slice %arg3[%add3A_466, %dma_start3A_472, %dma_start3A_473] : memref<2560x2x128xi32, #tpu.memory_space<hbm>> -> memref<1x2x128xi32, #tpu.memory_space<hbm>>
      %dma_start3A_475 = tpu.memref_squeeze %dma_start3A_474 : memref<1x2x128xi32, #tpu.memory_space<hbm>> -> memref<2x128xi32, #tpu.memory_space<hbm>>
      %dma_start3A_476 = arith.constant 0 : i32
      %dma_start3A_477 = arith.constant 0 : i32
      %dma_start3A_478 = tpu.memref_slice %arg6[%dma_start3A_467, %dma_start3A_476, %dma_start3A_477] : memref<4x2x128xi32, #tpu.memory_space<vmem>> -> memref<1x2x128xi32, #tpu.memory_space<vmem>>
      %dma_start3A_479 = tpu.memref_squeeze %dma_start3A_478 : memref<1x2x128xi32, #tpu.memory_space<vmem>> -> memref<2x128xi32, #tpu.memory_space<vmem>>
      %dma_start3A_480 = arith.constant 0 : i32
      %dma_start3A_481 = arith.constant 0 : i32
      %dma_start3A_482 = tpu.memref_slice %arg3[%add3A_466, %dma_start3A_480, %dma_start3A_481] : memref<2560x2x128xi32, #tpu.memory_space<hbm>> -> memref<1x2x128xi32, #tpu.memory_space<hbm>>
      %dma_start3A_483 = tpu.memref_squeeze %dma_start3A_482 : memref<1x2x128xi32, #tpu.memory_space<hbm>> -> memref<2x128xi32, #tpu.memory_space<hbm>>
      tpu.enqueue_dma source(%dma_start3A_483 : memref<2x128xi32, #tpu.memory_space<hbm>>) target(%dma_start3A_479 : memref<2x128xi32, #tpu.memory_space<vmem>>) target_semaphore(%arg13 : memref<!tpu.dma_semaphore, #tpu.memory_space<semaphore_mem>>)
      %dma_wait3A_484 = arith.constant 3 : i32
      %dma_wait3A_485 = arith.constant 0 : i32
      %dma_wait3A_486 = arith.constant 1 : i32
      %dma_wait3A_487 = arith.constant 0 : i32
      %dma_wait3A_488 = arith.constant 0 : i32
      %dma_wait3A_489 = tpu.memref_slice %arg7[%dma_wait3A_486, %dma_wait3A_487, %dma_wait3A_488] : memref<2x128x128xf32, #tpu.memory_space<vmem>> -> memref<1x128x128xf32, #tpu.memory_space<vmem>>
      %dma_wait3A_490 = tpu.memref_squeeze %dma_wait3A_489 : memref<1x128x128xf32, #tpu.memory_space<vmem>> -> memref<128x128xf32, #tpu.memory_space<vmem>>
      %dma_wait3A_491 = arith.constant 0 : i32
      %dma_wait3A_492 = tpu.memref_slice %arg6[%dma_wait3A_484, %dma_wait3A_485, %dma_wait3A_491] : memref<4x2x128xi32, #tpu.memory_space<vmem>> -> memref<1x1x128xi32, #tpu.memory_space<vmem>>
      %dma_wait3A_493 = tpu.memref_squeeze %dma_wait3A_492 : memref<1x1x128xi32, #tpu.memory_space<vmem>> -> memref<128xi32, #tpu.memory_space<vmem>>
      %dma_wait3A_494 = arith.constant 0 : i32
      %dma_wait3A_495 = arith.constant 0 : i32
      %dma_wait3A_496 = tpu.memref_slice %arg2[%dma_wait3A_494, %dma_wait3A_495] : memref<10000x128xf32, #tpu.memory_space<hbm>> -> memref<10000x128xf32, #tpu.memory_space<hbm>>
      tpu.wait_indirect_dma semaphore(%arg10 : memref<!tpu.dma_semaphore, #tpu.memory_space<semaphore_mem>>) src(%dma_wait3A_496 : memref<10000x128xf32, #tpu.memory_space<hbm>>) dst(%dma_wait3A_490 : memref<128x128xf32, #tpu.memory_space<vmem>>)
      %run_scoped3A_497 = arith.constant 1 : i32
      %run_scoped3A_498 = arith.constant 3 : i32
      %run_scoped3A_499 = arith.constant 1 : i32
      "tpu.region"() ({
        %run_scoped3A_553 = tpu.sem_alloc : memref<!tpu.dma_semaphore, #tpu.memory_space<semaphore_mem>>
        %dma_start3A_554 = arith.constant 0 : i32
        %dma_start3A_555 = arith.constant 0 : i32
        %dma_start3A_556 = tpu.memref_slice %arg7[%run_scoped3A_497, %dma_start3A_554, %dma_start3A_555] : memref<2x128x128xf32, #tpu.memory_space<vmem>> -> memref<1x128x128xf32, #tpu.memory_space<vmem>>
        %dma_start3A_557 = tpu.memref_squeeze %dma_start3A_556 : memref<1x128x128xf32, #tpu.memory_space<vmem>> -> memref<128x128xf32, #tpu.memory_space<vmem>>
        %dma_start3A_558 = arith.constant 0 : i32
        %dma_start3A_559 = tpu.memref_slice %arg6[%run_scoped3A_498, %run_scoped3A_499, %dma_start3A_558] : memref<4x2x128xi32, #tpu.memory_space<vmem>> -> memref<1x1x128xi32, #tpu.memory_space<vmem>>
        %dma_start3A_560 = tpu.memref_squeeze %dma_start3A_559 : memref<1x1x128xi32, #tpu.memory_space<vmem>> -> memref<128xi32, #tpu.memory_space<vmem>>
        %dma_start3A_561 = arith.constant 0 : i32
        %dma_start3A_562 = arith.constant 0 : i32
        %dma_start3A_563 = tpu.memref_slice %arg8[%dma_start3A_561, %dma_start3A_562] : memref<10112x128xf32, #tpu.memory_space<vmem_shared>> -> memref<10112x128xf32, #tpu.memory_space<vmem_shared>>
        tpu.enqueue_indirect_dma source(%dma_start3A_557 : memref<128x128xf32, #tpu.memory_space<vmem>>) target(%dma_start3A_563 : memref<10112x128xf32, #tpu.memory_space<vmem_shared>>) offsets(%dma_start3A_560 : memref<128xi32, #tpu.memory_space<vmem>>) semaphore(%run_scoped3A_553 : memref<!tpu.dma_semaphore, #tpu.memory_space<semaphore_mem>>) {add = true}
        %dma_wait3A_564 = arith.constant 0 : i32
        %dma_wait3A_565 = arith.constant 0 : i32
        %dma_wait3A_566 = tpu.memref_slice %arg7[%run_scoped3A_497, %dma_wait3A_564, %dma_wait3A_565] : memref<2x128x128xf32, #tpu.memory_space<vmem>> -> memref<1x128x128xf32, #tpu.memory_space<vmem>>
        %dma_wait3A_567 = tpu.memref_squeeze %dma_wait3A_566 : memref<1x128x128xf32, #tpu.memory_space<vmem>> -> memref<128x128xf32, #tpu.memory_space<vmem>>
        %dma_wait3A_568 = arith.constant 0 : i32
        %dma_wait3A_569 = tpu.memref_slice %arg6[%run_scoped3A_498, %run_scoped3A_499, %dma_wait3A_568] : memref<4x2x128xi32, #tpu.memory_space<vmem>> -> memref<1x1x128xi32, #tpu.memory_space<vmem>>
        %dma_wait3A_570 = tpu.memref_squeeze %dma_wait3A_569 : memref<1x1x128xi32, #tpu.memory_space<vmem>> -> memref<128xi32, #tpu.memory_space<vmem>>
        %dma_wait3A_571 = arith.constant 0 : i32
        %dma_wait3A_572 = arith.constant 0 : i32
        %dma_wait3A_573 = tpu.memref_slice %arg8[%dma_wait3A_571, %dma_wait3A_572] : memref<10112x128xf32, #tpu.memory_space<vmem_shared>> -> memref<10112x128xf32, #tpu.memory_space<vmem_shared>>
        tpu.wait_indirect_dma semaphore(%run_scoped3A_553 : memref<!tpu.dma_semaphore, #tpu.memory_space<semaphore_mem>>) src(%dma_wait3A_567 : memref<128x128xf32, #tpu.memory_space<vmem>>) dst(%dma_wait3A_573 : memref<10112x128xf32, #tpu.memory_space<vmem_shared>>)
        tpu.yield
      }) : () -> ()
      %dma_wait3A_500 = arith.constant 0 : i32
      %dma_wait3A_501 = arith.constant 1 : i32
      %dma_wait3A_502 = arith.constant 0 : i32
      %dma_wait3A_503 = arith.constant 0 : i32
      %dma_wait3A_504 = tpu.memref_slice %arg6[%dma_wait3A_501, %dma_wait3A_502, %dma_wait3A_503] : memref<4x2x128xi32, #tpu.memory_space<vmem>> -> memref<1x2x128xi32, #tpu.memory_space<vmem>>
      %dma_wait3A_505 = tpu.memref_squeeze %dma_wait3A_504 : memref<1x2x128xi32, #tpu.memory_space<vmem>> -> memref<2x128xi32, #tpu.memory_space<vmem>>
      %dma_wait3A_506 = arith.constant 0 : i32
      %dma_wait3A_507 = arith.constant 0 : i32
      %dma_wait3A_508 = tpu.memref_slice %arg3[%dma_wait3A_500, %dma_wait3A_506, %dma_wait3A_507] : memref<2560x2x128xi32, #tpu.memory_space<hbm>> -> memref<1x2x128xi32, #tpu.memory_space<hbm>>
      %dma_wait3A_509 = tpu.memref_squeeze %dma_wait3A_508 : memref<1x2x128xi32, #tpu.memory_space<hbm>> -> memref<2x128xi32, #tpu.memory_space<hbm>>
      %dma_wait3A_510 = arith.constant 0 : i32
      %dma_wait3A_511 = arith.constant 0 : i32
      %dma_wait3A_512 = tpu.memref_slice %arg6[%dma_wait3A_501, %dma_wait3A_510, %dma_wait3A_511] : memref<4x2x128xi32, #tpu.memory_space<vmem>> -> memref<1x2x128xi32, #tpu.memory_space<vmem>>
      %dma_wait3A_513 = tpu.memref_squeeze %dma_wait3A_512 : memref<1x2x128xi32, #tpu.memory_space<vmem>> -> memref<2x128xi32, #tpu.memory_space<vmem>>
      %dma_wait3A_514 = arith.constant 0 : i32
      %dma_wait3A_515 = arith.constant 0 : i32
      %dma_wait3A_516 = tpu.memref_slice %arg3[%dma_wait3A_500, %dma_wait3A_514, %dma_wait3A_515] : memref<2560x2x128xi32, #tpu.memory_space<hbm>> -> memref<1x2x128xi32, #tpu.memory_space<hbm>>
      %dma_wait3A_517 = tpu.memref_squeeze %dma_wait3A_516 : memref<1x2x128xi32, #tpu.memory_space<hbm>> -> memref<2x128xi32, #tpu.memory_space<hbm>>
      tpu.wait_dma2 semaphore(%arg12 : memref<!tpu.dma_semaphore, #tpu.memory_space<semaphore_mem>>) src(%dma_wait3A_517 : memref<2x128xi32, #tpu.memory_space<hbm>>) dst(%dma_wait3A_513 : memref<2x128xi32, #tpu.memory_space<vmem>>)
      %dma_start3A_518 = arith.constant 1 : i32
      %dma_start3A_519 = arith.constant 0 : i32
      %dma_start3A_520 = arith.constant 1 : i32
      %dma_start3A_521 = arith.constant 0 : i32
      %dma_start3A_522 = arith.constant 0 : i32
      %dma_start3A_523 = tpu.memref_slice %arg7[%dma_start3A_520, %dma_start3A_521, %dma_start3A_522] : memref<2x128x128xf32, #tpu.memory_space<vmem>> -> memref<1x128x128xf32, #tpu.memory_space<vmem>>
      %dma_start3A_524 = tpu.memref_squeeze %dma_start3A_523 : memref<1x128x128xf32, #tpu.memory_space<vmem>> -> memref<128x128xf32, #tpu.memory_space<vmem>>
      %dma_start3A_525 = arith.constant 0 : i32
      %dma_start3A_526 = tpu.memref_slice %arg6[%dma_start3A_518, %dma_start3A_519, %dma_start3A_525] : memref<4x2x128xi32, #tpu.memory_space<vmem>> -> memref<1x1x128xi32, #tpu.memory_space<vmem>>
      %dma_start3A_527 = tpu.memref_squeeze %dma_start3A_526 : memref<1x1x128xi32, #tpu.memory_space<vmem>> -> memref<128xi32, #tpu.memory_space<vmem>>
      %dma_start3A_528 = arith.constant 0 : i32
      %dma_start3A_529 = arith.constant 0 : i32
      %dma_start3A_530 = tpu.memref_slice %arg2[%dma_start3A_528, %dma_start3A_529] : memref<10000x128xf32, #tpu.memory_space<hbm>> -> memref<10000x128xf32, #tpu.memory_space<hbm>>
      tpu.enqueue_indirect_dma source(%dma_start3A_530 : memref<10000x128xf32, #tpu.memory_space<hbm>>) target(%dma_start3A_524 : memref<128x128xf32, #tpu.memory_space<vmem>>) offsets(%dma_start3A_527 : memref<128xi32, #tpu.memory_space<vmem>>) semaphore(%arg10 : memref<!tpu.dma_semaphore, #tpu.memory_space<semaphore_mem>>)
      %add3A_531 = arith.constant 3 : i32
      %add3A_532 = arith.addi %add3A_276, %add3A_531 : i32
      %add3A_533 = arith.constant 4 : i32
      %add3A_534 = arith.addi %add3A_532, %add3A_533 : i32
      %add3A_535 = arith.addi %mul3A_2, %add3A_534 : i32
      %dma_start3A_536 = arith.constant 3 : i32
      %dma_start3A_537 = arith.constant 0 : i32
      %dma_start3A_538 = arith.constant 0 : i32
      %dma_start3A_539 = tpu.memref_slice %arg6[%dma_start3A_536, %dma_start3A_537, %dma_start3A_538] : memref<4x2x128xi32, #tpu.memory_space<vmem>> -> memref<1x2x128xi32, #tpu.memory_space<vmem>>
      %dma_start3A_540 = tpu.memref_squeeze %dma_start3A_539 : memref<1x2x128xi32, #tpu.memory_space<vmem>> -> memref<2x128xi32, #tpu.memory_space<vmem>>
      %dma_start3A_541 = arith.constant 0 : i32
      %dma_start3A_542 = arith.constant 0 : i32
      %dma_start3A_543 = tpu.memref_slice %arg3[%add3A_535, %dma_start3A_541, %dma_start3A_542] : memref<2560x2x128xi32, #tpu.memory_space<hbm>> -> memref<1x2x128xi32, #tpu.memory_space<hbm>>
      %dma_start3A_544 = tpu.memref_squeeze %dma_start3A_543 : memref<1x2x128xi32, #tpu.memory_space<hbm>> -> memref<2x128xi32, #tpu.memory_space<hbm>>
      %dma_start3A_545 = arith.constant 0 : i32
      %dma_start3A_546 = arith.constant 0 : i32
      %dma_start3A_547 = tpu.memref_slice %arg6[%dma_start3A_536, %dma_start3A_545, %dma_start3A_546] : memref<4x2x128xi32, #tpu.memory_space<vmem>> -> memref<1x2x128xi32, #tpu.memory_space<vmem>>
      %dma_start3A_548 = tpu.memref_squeeze %dma_start3A_547 : memref<1x2x128xi32, #tpu.memory_space<vmem>> -> memref<2x128xi32, #tpu.memory_space<vmem>>
      %dma_start3A_549 = arith.constant 0 : i32
      %dma_start3A_550 = arith.constant 0 : i32
      %dma_start3A_551 = tpu.memref_slice %arg3[%add3A_535, %dma_start3A_549, %dma_start3A_550] : memref<2560x2x128xi32, #tpu.memory_space<hbm>> -> memref<1x2x128xi32, #tpu.memory_space<hbm>>
      %dma_start3A_552 = tpu.memref_squeeze %dma_start3A_551 : memref<1x2x128xi32, #tpu.memory_space<hbm>> -> memref<2x128xi32, #tpu.memory_space<hbm>>
      tpu.enqueue_dma source(%dma_start3A_552 : memref<2x128xi32, #tpu.memory_space<hbm>>) target(%dma_start3A_548 : memref<2x128xi32, #tpu.memory_space<vmem>>) target_semaphore(%arg14 : memref<!tpu.dma_semaphore, #tpu.memory_space<semaphore_mem>>)
    }
    %scan3A_145 = arith.constant 19 : i32
    %dma_wait3A_146 = arith.constant 0 : i32
    %dma_wait3A_147 = arith.constant 0 : i32
    %dma_wait3A_148 = arith.constant 0 : i32
    %dma_wait3A_149 = arith.constant 0 : i32
    %dma_wait3A_150 = arith.constant 0 : i32
    %dma_wait3A_151 = tpu.memref_slice %arg7[%dma_wait3A_148, %dma_wait3A_149, %dma_wait3A_150] : memref<2x128x128xf32, #tpu.memory_space<vmem>> -> memref<1x128x128xf32, #tpu.memory_space<vmem>>
    %dma_wait3A_152 = tpu.memref_squeeze %dma_wait3A_151 : memref<1x128x128xf32, #tpu.memory_space<vmem>> -> memref<128x128xf32, #tpu.memory_space<vmem>>
    %dma_wait3A_153 = arith.constant 0 : i32
    %dma_wait3A_154 = tpu.memref_slice %arg6[%dma_wait3A_146, %dma_wait3A_147, %dma_wait3A_153] : memref<4x2x128xi32, #tpu.memory_space<vmem>> -> memref<1x1x128xi32, #tpu.memory_space<vmem>>
    %dma_wait3A_155 = tpu.memref_squeeze %dma_wait3A_154 : memref<1x1x128xi32, #tpu.memory_space<vmem>> -> memref<128xi32, #tpu.memory_space<vmem>>
    %dma_wait3A_156 = arith.constant 0 : i32
    %dma_wait3A_157 = arith.constant 0 : i32
    %dma_wait3A_158 = tpu.memref_slice %arg2[%dma_wait3A_156, %dma_wait3A_157] : memref<10000x128xf32, #tpu.memory_space<hbm>> -> memref<10000x128xf32, #tpu.memory_space<hbm>>
    tpu.wait_indirect_dma semaphore(%arg9 : memref<!tpu.dma_semaphore, #tpu.memory_space<semaphore_mem>>) src(%dma_wait3A_158 : memref<10000x128xf32, #tpu.memory_space<hbm>>) dst(%dma_wait3A_152 : memref<128x128xf32, #tpu.memory_space<vmem>>)
    %run_scoped3A = arith.constant 0 : i32
    %run_scoped3A_159 = arith.constant 0 : i32
    %run_scoped3A_160 = arith.constant 1 : i32
    "tpu.region"() ({
      %run_scoped3A_272 = tpu.sem_alloc : memref<!tpu.dma_semaphore, #tpu.memory_space<semaphore_mem>>
      %dma_start3A_273 = arith.constant 0 : i32
      %dma_start3A_274 = arith.constant 0 : i32
      %dma_start3A_275 = tpu.memref_slice %arg7[%run_scoped3A, %dma_start3A_273, %dma_start3A_274] : memref<2x128x128xf32, #tpu.memory_space<vmem>> -> memref<1x128x128xf32, #tpu.memory_space<vmem>>
      %dma_start3A_276 = tpu.memref_squeeze %dma_start3A_275 : memref<1x128x128xf32, #tpu.memory_space<vmem>> -> memref<128x128xf32, #tpu.memory_space<vmem>>
      %dma_start3A_277 = arith.constant 0 : i32
      %dma_start3A_278 = tpu.memref_slice %arg6[%run_scoped3A_159, %run_scoped3A_160, %dma_start3A_277] : memref<4x2x128xi32, #tpu.memory_space<vmem>> -> memref<1x1x128xi32, #tpu.memory_space<vmem>>
      %dma_start3A_279 = tpu.memref_squeeze %dma_start3A_278 : memref<1x1x128xi32, #tpu.memory_space<vmem>> -> memref<128xi32, #tpu.memory_space<vmem>>
      %dma_start3A_280 = arith.constant 0 : i32
      %dma_start3A_281 = arith.constant 0 : i32
      %dma_start3A_282 = tpu.memref_slice %arg8[%dma_start3A_280, %dma_start3A_281] : memref<10112x128xf32, #tpu.memory_space<vmem_shared>> -> memref<10112x128xf32, #tpu.memory_space<vmem_shared>>
      tpu.enqueue_indirect_dma source(%dma_start3A_276 : memref<128x128xf32, #tpu.memory_space<vmem>>) target(%dma_start3A_282 : memref<10112x128xf32, #tpu.memory_space<vmem_shared>>) offsets(%dma_start3A_279 : memref<128xi32, #tpu.memory_space<vmem>>) semaphore(%run_scoped3A_272 : memref<!tpu.dma_semaphore, #tpu.memory_space<semaphore_mem>>) {add = true}
      %dma_wait3A_283 = arith.constant 0 : i32
      %dma_wait3A_284 = arith.constant 0 : i32
      %dma_wait3A_285 = tpu.memref_slice %arg7[%run_scoped3A, %dma_wait3A_283, %dma_wait3A_284] : memref<2x128x128xf32, #tpu.memory_space<vmem>> -> memref<1x128x128xf32, #tpu.memory_space<vmem>>
      %dma_wait3A_286 = tpu.memref_squeeze %dma_wait3A_285 : memref<1x128x128xf32, #tpu.memory_space<vmem>> -> memref<128x128xf32, #tpu.memory_space<vmem>>
      %dma_wait3A_287 = arith.constant 0 : i32
      %dma_wait3A_288 = tpu.memref_slice %arg6[%run_scoped3A_159, %run_scoped3A_160, %dma_wait3A_287] : memref<4x2x128xi32, #tpu.memory_space<vmem>> -> memref<1x1x128xi32, #tpu.memory_space<vmem>>
      %dma_wait3A_289 = tpu.memref_squeeze %dma_wait3A_288 : memref<1x1x128xi32, #tpu.memory_space<vmem>> -> memref<128xi32, #tpu.memory_space<vmem>>
      %dma_wait3A_290 = arith.constant 0 : i32
      %dma_wait3A_291 = arith.constant 0 : i32
      %dma_wait3A_292 = tpu.memref_slice %arg8[%dma_wait3A_290, %dma_wait3A_291] : memref<10112x128xf32, #tpu.memory_space<vmem_shared>> -> memref<10112x128xf32, #tpu.memory_space<vmem_shared>>
      tpu.wait_indirect_dma semaphore(%run_scoped3A_272 : memref<!tpu.dma_semaphore, #tpu.memory_space<semaphore_mem>>) src(%dma_wait3A_286 : memref<128x128xf32, #tpu.memory_space<vmem>>) dst(%dma_wait3A_292 : memref<10112x128xf32, #tpu.memory_space<vmem_shared>>)
      tpu.yield
    }) : () -> ()
    %dma_wait3A_161 = arith.constant 0 : i32
    %dma_wait3A_162 = arith.constant 2 : i32
    %dma_wait3A_163 = arith.constant 0 : i32
    %dma_wait3A_164 = arith.constant 0 : i32
    %dma_wait3A_165 = tpu.memref_slice %arg6[%dma_wait3A_162, %dma_wait3A_163, %dma_wait3A_164] : memref<4x2x128xi32, #tpu.memory_space<vmem>> -> memref<1x2x128xi32, #tpu.memory_space<vmem>>
    %dma_wait3A_166 = tpu.memref_squeeze %dma_wait3A_165 : memref<1x2x128xi32, #tpu.memory_space<vmem>> -> memref<2x128xi32, #tpu.memory_space<vmem>>
    %dma_wait3A_167 = arith.constant 0 : i32
    %dma_wait3A_168 = arith.constant 0 : i32
    %dma_wait3A_169 = tpu.memref_slice %arg3[%dma_wait3A_161, %dma_wait3A_167, %dma_wait3A_168] : memref<2560x2x128xi32, #tpu.memory_space<hbm>> -> memref<1x2x128xi32, #tpu.memory_space<hbm>>
    %dma_wait3A_170 = tpu.memref_squeeze %dma_wait3A_169 : memref<1x2x128xi32, #tpu.memory_space<hbm>> -> memref<2x128xi32, #tpu.memory_space<hbm>>
    %dma_wait3A_171 = arith.constant 0 : i32
    %dma_wait3A_172 = arith.constant 0 : i32
    %dma_wait3A_173 = tpu.memref_slice %arg6[%dma_wait3A_162, %dma_wait3A_171, %dma_wait3A_172] : memref<4x2x128xi32, #tpu.memory_space<vmem>> -> memref<1x2x128xi32, #tpu.memory_space<vmem>>
    %dma_wait3A_174 = tpu.memref_squeeze %dma_wait3A_173 : memref<1x2x128xi32, #tpu.memory_space<vmem>> -> memref<2x128xi32, #tpu.memory_space<vmem>>
    %dma_wait3A_175 = arith.constant 0 : i32
    %dma_wait3A_176 = arith.constant 0 : i32
    %dma_wait3A_177 = tpu.memref_slice %arg3[%dma_wait3A_161, %dma_wait3A_175, %dma_wait3A_176] : memref<2560x2x128xi32, #tpu.memory_space<hbm>> -> memref<1x2x128xi32, #tpu.memory_space<hbm>>
    %dma_wait3A_178 = tpu.memref_squeeze %dma_wait3A_177 : memref<1x2x128xi32, #tpu.memory_space<hbm>> -> memref<2x128xi32, #tpu.memory_space<hbm>>
    tpu.wait_dma2 semaphore(%arg13 : memref<!tpu.dma_semaphore, #tpu.memory_space<semaphore_mem>>) src(%dma_wait3A_178 : memref<2x128xi32, #tpu.memory_space<hbm>>) dst(%dma_wait3A_174 : memref<2x128xi32, #tpu.memory_space<vmem>>)
    %dma_start3A_179 = arith.constant 2 : i32
    %dma_start3A_180 = arith.constant 0 : i32
    %dma_start3A_181 = arith.constant 0 : i32
    %dma_start3A_182 = arith.constant 0 : i32
    %dma_start3A_183 = arith.constant 0 : i32
    %dma_start3A_184 = tpu.memref_slice %arg7[%dma_start3A_181, %dma_start3A_182, %dma_start3A_183] : memref<2x128x128xf32, #tpu.memory_space<vmem>> -> memref<1x128x128xf32, #tpu.memory_space<vmem>>
    %dma_start3A_185 = tpu.memref_squeeze %dma_start3A_184 : memref<1x128x128xf32, #tpu.memory_space<vmem>> -> memref<128x128xf32, #tpu.memory_space<vmem>>
    %dma_start3A_186 = arith.constant 0 : i32
    %dma_start3A_187 = tpu.memref_slice %arg6[%dma_start3A_179, %dma_start3A_180, %dma_start3A_186] : memref<4x2x128xi32, #tpu.memory_space<vmem>> -> memref<1x1x128xi32, #tpu.memory_space<vmem>>
    %dma_start3A_188 = tpu.memref_squeeze %dma_start3A_187 : memref<1x1x128xi32, #tpu.memory_space<vmem>> -> memref<128xi32, #tpu.memory_space<vmem>>
    %dma_start3A_189 = arith.constant 0 : i32
    %dma_start3A_190 = arith.constant 0 : i32
    %dma_start3A_191 = tpu.memref_slice %arg2[%dma_start3A_189, %dma_start3A_190] : memref<10000x128xf32, #tpu.memory_space<hbm>> -> memref<10000x128xf32, #tpu.memory_space<hbm>>
    tpu.enqueue_indirect_dma source(%dma_start3A_191 : memref<10000x128xf32, #tpu.memory_space<hbm>>) target(%dma_start3A_185 : memref<128x128xf32, #tpu.memory_space<vmem>>) offsets(%dma_start3A_188 : memref<128xi32, #tpu.memory_space<vmem>>) semaphore(%arg9 : memref<!tpu.dma_semaphore, #tpu.memory_space<semaphore_mem>>)
    %dma_wait3A_192 = arith.constant 1 : i32
    %dma_wait3A_193 = arith.constant 0 : i32
    %dma_wait3A_194 = arith.constant 1 : i32
    %dma_wait3A_195 = arith.constant 0 : i32
    %dma_wait3A_196 = arith.constant 0 : i32
    %dma_wait3A_197 = tpu.memref_slice %arg7[%dma_wait3A_194, %dma_wait3A_195, %dma_wait3A_196] : memref<2x128x128xf32, #tpu.memory_space<vmem>> -> memref<1x128x128xf32, #tpu.memory_space<vmem>>
    %dma_wait3A_198 = tpu.memref_squeeze %dma_wait3A_197 : memref<1x128x128xf32, #tpu.memory_space<vmem>> -> memref<128x128xf32, #tpu.memory_space<vmem>>
    %dma_wait3A_199 = arith.constant 0 : i32
    %dma_wait3A_200 = tpu.memref_slice %arg6[%dma_wait3A_192, %dma_wait3A_193, %dma_wait3A_199] : memref<4x2x128xi32, #tpu.memory_space<vmem>> -> memref<1x1x128xi32, #tpu.memory_space<vmem>>
    %dma_wait3A_201 = tpu.memref_squeeze %dma_wait3A_200 : memref<1x1x128xi32, #tpu.memory_space<vmem>> -> memref<128xi32, #tpu.memory_space<vmem>>
    %dma_wait3A_202 = arith.constant 0 : i32
    %dma_wait3A_203 = arith.constant 0 : i32
    %dma_wait3A_204 = tpu.memref_slice %arg2[%dma_wait3A_202, %dma_wait3A_203] : memref<10000x128xf32, #tpu.memory_space<hbm>> -> memref<10000x128xf32, #tpu.memory_space<hbm>>
    tpu.wait_indirect_dma semaphore(%arg10 : memref<!tpu.dma_semaphore, #tpu.memory_space<semaphore_mem>>) src(%dma_wait3A_204 : memref<10000x128xf32, #tpu.memory_space<hbm>>) dst(%dma_wait3A_198 : memref<128x128xf32, #tpu.memory_space<vmem>>)
    %run_scoped3A_205 = arith.constant 1 : i32
    %run_scoped3A_206 = arith.constant 1 : i32
    %run_scoped3A_207 = arith.constant 1 : i32
    "tpu.region"() ({
      %run_scoped3A_272 = tpu.sem_alloc : memref<!tpu.dma_semaphore, #tpu.memory_space<semaphore_mem>>
      %dma_start3A_273 = arith.constant 0 : i32
      %dma_start3A_274 = arith.constant 0 : i32
      %dma_start3A_275 = tpu.memref_slice %arg7[%run_scoped3A_205, %dma_start3A_273, %dma_start3A_274] : memref<2x128x128xf32, #tpu.memory_space<vmem>> -> memref<1x128x128xf32, #tpu.memory_space<vmem>>
      %dma_start3A_276 = tpu.memref_squeeze %dma_start3A_275 : memref<1x128x128xf32, #tpu.memory_space<vmem>> -> memref<128x128xf32, #tpu.memory_space<vmem>>
      %dma_start3A_277 = arith.constant 0 : i32
      %dma_start3A_278 = tpu.memref_slice %arg6[%run_scoped3A_206, %run_scoped3A_207, %dma_start3A_277] : memref<4x2x128xi32, #tpu.memory_space<vmem>> -> memref<1x1x128xi32, #tpu.memory_space<vmem>>
      %dma_start3A_279 = tpu.memref_squeeze %dma_start3A_278 : memref<1x1x128xi32, #tpu.memory_space<vmem>> -> memref<128xi32, #tpu.memory_space<vmem>>
      %dma_start3A_280 = arith.constant 0 : i32
      %dma_start3A_281 = arith.constant 0 : i32
      %dma_start3A_282 = tpu.memref_slice %arg8[%dma_start3A_280, %dma_start3A_281] : memref<10112x128xf32, #tpu.memory_space<vmem_shared>> -> memref<10112x128xf32, #tpu.memory_space<vmem_shared>>
      tpu.enqueue_indirect_dma source(%dma_start3A_276 : memref<128x128xf32, #tpu.memory_space<vmem>>) target(%dma_start3A_282 : memref<10112x128xf32, #tpu.memory_space<vmem_shared>>) offsets(%dma_start3A_279 : memref<128xi32, #tpu.memory_space<vmem>>) semaphore(%run_scoped3A_272 : memref<!tpu.dma_semaphore, #tpu.memory_space<semaphore_mem>>) {add = true}
      %dma_wait3A_283 = arith.constant 0 : i32
      %dma_wait3A_284 = arith.constant 0 : i32
      %dma_wait3A_285 = tpu.memref_slice %arg7[%run_scoped3A_205, %dma_wait3A_283, %dma_wait3A_284] : memref<2x128x128xf32, #tpu.memory_space<vmem>> -> memref<1x128x128xf32, #tpu.memory_space<vmem>>
      %dma_wait3A_286 = tpu.memref_squeeze %dma_wait3A_285 : memref<1x128x128xf32, #tpu.memory_space<vmem>> -> memref<128x128xf32, #tpu.memory_space<vmem>>
      %dma_wait3A_287 = arith.constant 0 : i32
      %dma_wait3A_288 = tpu.memref_slice %arg6[%run_scoped3A_206, %run_scoped3A_207, %dma_wait3A_287] : memref<4x2x128xi32, #tpu.memory_space<vmem>> -> memref<1x1x128xi32, #tpu.memory_space<vmem>>
      %dma_wait3A_289 = tpu.memref_squeeze %dma_wait3A_288 : memref<1x1x128xi32, #tpu.memory_space<vmem>> -> memref<128xi32, #tpu.memory_space<vmem>>
      %dma_wait3A_290 = arith.constant 0 : i32
      %dma_wait3A_291 = arith.constant 0 : i32
      %dma_wait3A_292 = tpu.memref_slice %arg8[%dma_wait3A_290, %dma_wait3A_291] : memref<10112x128xf32, #tpu.memory_space<vmem_shared>> -> memref<10112x128xf32, #tpu.memory_space<vmem_shared>>
      tpu.wait_indirect_dma semaphore(%run_scoped3A_272 : memref<!tpu.dma_semaphore, #tpu.memory_space<semaphore_mem>>) src(%dma_wait3A_286 : memref<128x128xf32, #tpu.memory_space<vmem>>) dst(%dma_wait3A_292 : memref<10112x128xf32, #tpu.memory_space<vmem_shared>>)
      tpu.yield
    }) : () -> ()
    %dma_wait3A_208 = arith.constant 0 : i32
    %dma_wait3A_209 = arith.constant 3 : i32
    %dma_wait3A_210 = arith.constant 0 : i32
    %dma_wait3A_211 = arith.constant 0 : i32
    %dma_wait3A_212 = tpu.memref_slice %arg6[%dma_wait3A_209, %dma_wait3A_210, %dma_wait3A_211] : memref<4x2x128xi32, #tpu.memory_space<vmem>> -> memref<1x2x128xi32, #tpu.memory_space<vmem>>
    %dma_wait3A_213 = tpu.memref_squeeze %dma_wait3A_212 : memref<1x2x128xi32, #tpu.memory_space<vmem>> -> memref<2x128xi32, #tpu.memory_space<vmem>>
    %dma_wait3A_214 = arith.constant 0 : i32
    %dma_wait3A_215 = arith.constant 0 : i32
    %dma_wait3A_216 = tpu.memref_slice %arg3[%dma_wait3A_208, %dma_wait3A_214, %dma_wait3A_215] : memref<2560x2x128xi32, #tpu.memory_space<hbm>> -> memref<1x2x128xi32, #tpu.memory_space<hbm>>
    %dma_wait3A_217 = tpu.memref_squeeze %dma_wait3A_216 : memref<1x2x128xi32, #tpu.memory_space<hbm>> -> memref<2x128xi32, #tpu.memory_space<hbm>>
    %dma_wait3A_218 = arith.constant 0 : i32
    %dma_wait3A_219 = arith.constant 0 : i32
    %dma_wait3A_220 = tpu.memref_slice %arg6[%dma_wait3A_209, %dma_wait3A_218, %dma_wait3A_219] : memref<4x2x128xi32, #tpu.memory_space<vmem>> -> memref<1x2x128xi32, #tpu.memory_space<vmem>>
    %dma_wait3A_221 = tpu.memref_squeeze %dma_wait3A_220 : memref<1x2x128xi32, #tpu.memory_space<vmem>> -> memref<2x128xi32, #tpu.memory_space<vmem>>
    %dma_wait3A_222 = arith.constant 0 : i32
    %dma_wait3A_223 = arith.constant 0 : i32
    %dma_wait3A_224 = tpu.memref_slice %arg3[%dma_wait3A_208, %dma_wait3A_222, %dma_wait3A_223] : memref<2560x2x128xi32, #tpu.memory_space<hbm>> -> memref<1x2x128xi32, #tpu.memory_space<hbm>>
    %dma_wait3A_225 = tpu.memref_squeeze %dma_wait3A_224 : memref<1x2x128xi32, #tpu.memory_space<hbm>> -> memref<2x128xi32, #tpu.memory_space<hbm>>
    tpu.wait_dma2 semaphore(%arg14 : memref<!tpu.dma_semaphore, #tpu.memory_space<semaphore_mem>>) src(%dma_wait3A_225 : memref<2x128xi32, #tpu.memory_space<hbm>>) dst(%dma_wait3A_221 : memref<2x128xi32, #tpu.memory_space<vmem>>)
    %dma_start3A_226 = arith.constant 3 : i32
    %dma_start3A_227 = arith.constant 0 : i32
    %dma_start3A_228 = arith.constant 1 : i32
    %dma_start3A_229 = arith.constant 0 : i32
    %dma_start3A_230 = arith.constant 0 : i32
    %dma_start3A_231 = tpu.memref_slice %arg7[%dma_start3A_228, %dma_start3A_229, %dma_start3A_230] : memref<2x128x128xf32, #tpu.memory_space<vmem>> -> memref<1x128x128xf32, #tpu.memory_space<vmem>>
    %dma_start3A_232 = tpu.memref_squeeze %dma_start3A_231 : memref<1x128x128xf32, #tpu.memory_space<vmem>> -> memref<128x128xf32, #tpu.memory_space<vmem>>
    %dma_start3A_233 = arith.constant 0 : i32
    %dma_start3A_234 = tpu.memref_slice %arg6[%dma_start3A_226, %dma_start3A_227, %dma_start3A_233] : memref<4x2x128xi32, #tpu.memory_space<vmem>> -> memref<1x1x128xi32, #tpu.memory_space<vmem>>
    %dma_start3A_235 = tpu.memref_squeeze %dma_start3A_234 : memref<1x1x128xi32, #tpu.memory_space<vmem>> -> memref<128xi32, #tpu.memory_space<vmem>>
    %dma_start3A_236 = arith.constant 0 : i32
    %dma_start3A_237 = arith.constant 0 : i32
    %dma_start3A_238 = tpu.memref_slice %arg2[%dma_start3A_236, %dma_start3A_237] : memref<10000x128xf32, #tpu.memory_space<hbm>> -> memref<10000x128xf32, #tpu.memory_space<hbm>>
    tpu.enqueue_indirect_dma source(%dma_start3A_238 : memref<10000x128xf32, #tpu.memory_space<hbm>>) target(%dma_start3A_232 : memref<128x128xf32, #tpu.memory_space<vmem>>) offsets(%dma_start3A_235 : memref<128xi32, #tpu.memory_space<vmem>>) semaphore(%arg10 : memref<!tpu.dma_semaphore, #tpu.memory_space<semaphore_mem>>)
    %dma_wait3A_239 = arith.constant 2 : i32
    %dma_wait3A_240 = arith.constant 0 : i32
    %dma_wait3A_241 = arith.constant 0 : i32
    %dma_wait3A_242 = arith.constant 0 : i32
    %dma_wait3A_243 = arith.constant 0 : i32
    %dma_wait3A_244 = tpu.memref_slice %arg7[%dma_wait3A_241, %dma_wait3A_242, %dma_wait3A_243] : memref<2x128x128xf32, #tpu.memory_space<vmem>> -> memref<1x128x128xf32, #tpu.memory_space<vmem>>
    %dma_wait3A_245 = tpu.memref_squeeze %dma_wait3A_244 : memref<1x128x128xf32, #tpu.memory_space<vmem>> -> memref<128x128xf32, #tpu.memory_space<vmem>>
    %dma_wait3A_246 = arith.constant 0 : i32
    %dma_wait3A_247 = tpu.memref_slice %arg6[%dma_wait3A_239, %dma_wait3A_240, %dma_wait3A_246] : memref<4x2x128xi32, #tpu.memory_space<vmem>> -> memref<1x1x128xi32, #tpu.memory_space<vmem>>
    %dma_wait3A_248 = tpu.memref_squeeze %dma_wait3A_247 : memref<1x1x128xi32, #tpu.memory_space<vmem>> -> memref<128xi32, #tpu.memory_space<vmem>>
    %dma_wait3A_249 = arith.constant 0 : i32
    %dma_wait3A_250 = arith.constant 0 : i32
    %dma_wait3A_251 = tpu.memref_slice %arg2[%dma_wait3A_249, %dma_wait3A_250] : memref<10000x128xf32, #tpu.memory_space<hbm>> -> memref<10000x128xf32, #tpu.memory_space<hbm>>
    tpu.wait_indirect_dma semaphore(%arg9 : memref<!tpu.dma_semaphore, #tpu.memory_space<semaphore_mem>>) src(%dma_wait3A_251 : memref<10000x128xf32, #tpu.memory_space<hbm>>) dst(%dma_wait3A_245 : memref<128x128xf32, #tpu.memory_space<vmem>>)
    %run_scoped3A_252 = arith.constant 0 : i32
    %run_scoped3A_253 = arith.constant 2 : i32
    %run_scoped3A_254 = arith.constant 1 : i32
    "tpu.region"() ({
      %run_scoped3A_272 = tpu.sem_alloc : memref<!tpu.dma_semaphore, #tpu.memory_space<semaphore_mem>>
      %dma_start3A_273 = arith.constant 0 : i32
      %dma_start3A_274 = arith.constant 0 : i32
      %dma_start3A_275 = tpu.memref_slice %arg7[%run_scoped3A_252, %dma_start3A_273, %dma_start3A_274] : memref<2x128x128xf32, #tpu.memory_space<vmem>> -> memref<1x128x128xf32, #tpu.memory_space<vmem>>
      %dma_start3A_276 = tpu.memref_squeeze %dma_start3A_275 : memref<1x128x128xf32, #tpu.memory_space<vmem>> -> memref<128x128xf32, #tpu.memory_space<vmem>>
      %dma_start3A_277 = arith.constant 0 : i32
      %dma_start3A_278 = tpu.memref_slice %arg6[%run_scoped3A_253, %run_scoped3A_254, %dma_start3A_277] : memref<4x2x128xi32, #tpu.memory_space<vmem>> -> memref<1x1x128xi32, #tpu.memory_space<vmem>>
      %dma_start3A_279 = tpu.memref_squeeze %dma_start3A_278 : memref<1x1x128xi32, #tpu.memory_space<vmem>> -> memref<128xi32, #tpu.memory_space<vmem>>
      %dma_start3A_280 = arith.constant 0 : i32
      %dma_start3A_281 = arith.constant 0 : i32
      %dma_start3A_282 = tpu.memref_slice %arg8[%dma_start3A_280, %dma_start3A_281] : memref<10112x128xf32, #tpu.memory_space<vmem_shared>> -> memref<10112x128xf32, #tpu.memory_space<vmem_shared>>
      tpu.enqueue_indirect_dma source(%dma_start3A_276 : memref<128x128xf32, #tpu.memory_space<vmem>>) target(%dma_start3A_282 : memref<10112x128xf32, #tpu.memory_space<vmem_shared>>) offsets(%dma_start3A_279 : memref<128xi32, #tpu.memory_space<vmem>>) semaphore(%run_scoped3A_272 : memref<!tpu.dma_semaphore, #tpu.memory_space<semaphore_mem>>) {add = true}
      %dma_wait3A_283 = arith.constant 0 : i32
      %dma_wait3A_284 = arith.constant 0 : i32
      %dma_wait3A_285 = tpu.memref_slice %arg7[%run_scoped3A_252, %dma_wait3A_283, %dma_wait3A_284] : memref<2x128x128xf32, #tpu.memory_space<vmem>> -> memref<1x128x128xf32, #tpu.memory_space<vmem>>
      %dma_wait3A_286 = tpu.memref_squeeze %dma_wait3A_285 : memref<1x128x128xf32, #tpu.memory_space<vmem>> -> memref<128x128xf32, #tpu.memory_space<vmem>>
      %dma_wait3A_287 = arith.constant 0 : i32
      %dma_wait3A_288 = tpu.memref_slice %arg6[%run_scoped3A_253, %run_scoped3A_254, %dma_wait3A_287] : memref<4x2x128xi32, #tpu.memory_space<vmem>> -> memref<1x1x128xi32, #tpu.memory_space<vmem>>
      %dma_wait3A_289 = tpu.memref_squeeze %dma_wait3A_288 : memref<1x1x128xi32, #tpu.memory_space<vmem>> -> memref<128xi32, #tpu.memory_space<vmem>>
      %dma_wait3A_290 = arith.constant 0 : i32
      %dma_wait3A_291 = arith.constant 0 : i32
      %dma_wait3A_292 = tpu.memref_slice %arg8[%dma_wait3A_290, %dma_wait3A_291] : memref<10112x128xf32, #tpu.memory_space<vmem_shared>> -> memref<10112x128xf32, #tpu.memory_space<vmem_shared>>
      tpu.wait_indirect_dma semaphore(%run_scoped3A_272 : memref<!tpu.dma_semaphore, #tpu.memory_space<semaphore_mem>>) src(%dma_wait3A_286 : memref<128x128xf32, #tpu.memory_space<vmem>>) dst(%dma_wait3A_292 : memref<10112x128xf32, #tpu.memory_space<vmem_shared>>)
      tpu.yield
    }) : () -> ()
    %dma_wait3A_255 = arith.constant 3 : i32
    %dma_wait3A_256 = arith.constant 0 : i32
    %dma_wait3A_257 = arith.constant 1 : i32
    %dma_wait3A_258 = arith.constant 0 : i32
    %dma_wait3A_259 = arith.constant 0 : i32
    %dma_wait3A_260 = tpu.memref_slice %arg7[%dma_wait3A_257, %dma_wait3A_258, %dma_wait3A_259] : memref<2x128x128xf32, #tpu.memory_space<vmem>> -> memref<1x128x128xf32, #tpu.memory_space<vmem>>
    %dma_wait3A_261 = tpu.memref_squeeze %dma_wait3A_260 : memref<1x128x128xf32, #tpu.memory_space<vmem>> -> memref<128x128xf32, #tpu.memory_space<vmem>>
    %dma_wait3A_262 = arith.constant 0 : i32
    %dma_wait3A_263 = tpu.memref_slice %arg6[%dma_wait3A_255, %dma_wait3A_256, %dma_wait3A_262] : memref<4x2x128xi32, #tpu.memory_space<vmem>> -> memref<1x1x128xi32, #tpu.memory_space<vmem>>
    %dma_wait3A_264 = tpu.memref_squeeze %dma_wait3A_263 : memref<1x1x128xi32, #tpu.memory_space<vmem>> -> memref<128xi32, #tpu.memory_space<vmem>>
    %dma_wait3A_265 = arith.constant 0 : i32
    %dma_wait3A_266 = arith.constant 0 : i32
    %dma_wait3A_267 = tpu.memref_slice %arg2[%dma_wait3A_265, %dma_wait3A_266] : memref<10000x128xf32, #tpu.memory_space<hbm>> -> memref<10000x128xf32, #tpu.memory_space<hbm>>
    tpu.wait_indirect_dma semaphore(%arg10 : memref<!tpu.dma_semaphore, #tpu.memory_space<semaphore_mem>>) src(%dma_wait3A_267 : memref<10000x128xf32, #tpu.memory_space<hbm>>) dst(%dma_wait3A_261 : memref<128x128xf32, #tpu.memory_space<vmem>>)
    %run_scoped3A_268 = arith.constant 1 : i32
    %run_scoped3A_269 = arith.constant 3 : i32
    %run_scoped3A_270 = arith.constant 1 : i32
    "tpu.region"() ({
      %run_scoped3A_272 = tpu.sem_alloc : memref<!tpu.dma_semaphore, #tpu.memory_space<semaphore_mem>>
      %dma_start3A_273 = arith.constant 0 : i32
      %dma_start3A_274 = arith.constant 0 : i32
      %dma_start3A_275 = tpu.memref_slice %arg7[%run_scoped3A_268, %dma_start3A_273, %dma_start3A_274] : memref<2x128x128xf32, #tpu.memory_space<vmem>> -> memref<1x128x128xf32, #tpu.memory_space<vmem>>
      %dma_start3A_276 = tpu.memref_squeeze %dma_start3A_275 : memref<1x128x128xf32, #tpu.memory_space<vmem>> -> memref<128x128xf32, #tpu.memory_space<vmem>>
      %dma_start3A_277 = arith.constant 0 : i32
      %dma_start3A_278 = tpu.memref_slice %arg6[%run_scoped3A_269, %run_scoped3A_270, %dma_start3A_277] : memref<4x2x128xi32, #tpu.memory_space<vmem>> -> memref<1x1x128xi32, #tpu.memory_space<vmem>>
      %dma_start3A_279 = tpu.memref_squeeze %dma_start3A_278 : memref<1x1x128xi32, #tpu.memory_space<vmem>> -> memref<128xi32, #tpu.memory_space<vmem>>
      %dma_start3A_280 = arith.constant 0 : i32
      %dma_start3A_281 = arith.constant 0 : i32
      %dma_start3A_282 = tpu.memref_slice %arg8[%dma_start3A_280, %dma_start3A_281] : memref<10112x128xf32, #tpu.memory_space<vmem_shared>> -> memref<10112x128xf32, #tpu.memory_space<vmem_shared>>
      tpu.enqueue_indirect_dma source(%dma_start3A_276 : memref<128x128xf32, #tpu.memory_space<vmem>>) target(%dma_start3A_282 : memref<10112x128xf32, #tpu.memory_space<vmem_shared>>) offsets(%dma_start3A_279 : memref<128xi32, #tpu.memory_space<vmem>>) semaphore(%run_scoped3A_272 : memref<!tpu.dma_semaphore, #tpu.memory_space<semaphore_mem>>) {add = true}
      %dma_wait3A_283 = arith.constant 0 : i32
      %dma_wait3A_284 = arith.constant 0 : i32
      %dma_wait3A_285 = tpu.memref_slice %arg7[%run_scoped3A_268, %dma_wait3A_283, %dma_wait3A_284] : memref<2x128x128xf32, #tpu.memory_space<vmem>> -> memref<1x128x128xf32, #tpu.memory_space<vmem>>
      %dma_wait3A_286 = tpu.memref_squeeze %dma_wait3A_285 : memref<1x128x128xf32, #tpu.memory_space<vmem>> -> memref<128x128xf32, #tpu.memory_space<vmem>>
      %dma_wait3A_287 = arith.constant 0 : i32
      %dma_wait3A_288 = tpu.memref_slice %arg6[%run_scoped3A_269, %run_scoped3A_270, %dma_wait3A_287] : memref<4x2x128xi32, #tpu.memory_space<vmem>> -> memref<1x1x128xi32, #tpu.memory_space<vmem>>
      %dma_wait3A_289 = tpu.memref_squeeze %dma_wait3A_288 : memref<1x1x128xi32, #tpu.memory_space<vmem>> -> memref<128xi32, #tpu.memory_space<vmem>>
      %dma_wait3A_290 = arith.constant 0 : i32
      %dma_wait3A_291 = arith.constant 0 : i32
      %dma_wait3A_292 = tpu.memref_slice %arg8[%dma_wait3A_290, %dma_wait3A_291] : memref<10112x128xf32, #tpu.memory_space<vmem_shared>> -> memref<10112x128xf32, #tpu.memory_space<vmem_shared>>
      tpu.wait_indirect_dma semaphore(%run_scoped3A_272 : memref<!tpu.dma_semaphore, #tpu.memory_space<semaphore_mem>>) src(%dma_wait3A_286 : memref<128x128xf32, #tpu.memory_space<vmem>>) dst(%dma_wait3A_292 : memref<10112x128xf32, #tpu.memory_space<vmem_shared>>)
      tpu.yield
    }) : () -> ()
    %barrier3A_271 = arith.constant 0 : index
    tpu.barrier barrier_id(%barrier3A_271)
    "tpu.region"() ({
      %run_scoped3A_272 = tpu.sem_alloc : memref<!tpu.dma_semaphore, #tpu.memory_space<semaphore_mem>>
      %dma_start3A_273 = arith.constant 0 : i32
      %dma_start3A_274 = tpu.memref_slice %arg5[%arg0, %mul3A_4, %dma_start3A_273] : memref<2x10112x128xf32, #tpu.memory_space<hbm>> -> memref<1x632x128xf32, #tpu.memory_space<hbm>>
      %dma_start3A_275 = tpu.memref_squeeze %dma_start3A_274 : memref<1x632x128xf32, #tpu.memory_space<hbm>> -> memref<632x128xf32, #tpu.memory_space<hbm>>
      %dma_start3A_276 = arith.constant 0 : i32
      %dma_start3A_277 = tpu.memref_slice %arg8[%mul3A_4, %dma_start3A_276] : memref<10112x128xf32, #tpu.memory_space<vmem_shared>> -> memref<632x128xf32, #tpu.memory_space<vmem_shared>>
      tpu.enqueue_dma source(%dma_start3A_277 : memref<632x128xf32, #tpu.memory_space<vmem_shared>>) target(%dma_start3A_275 : memref<632x128xf32, #tpu.memory_space<hbm>>) target_semaphore(%run_scoped3A_272 : memref<!tpu.dma_semaphore, #tpu.memory_space<semaphore_mem>>)
      %dma_wait3A_278 = arith.constant 0 : i32
      %dma_wait3A_279 = tpu.memref_slice %arg5[%arg0, %mul3A_4, %dma_wait3A_278] : memref<2x10112x128xf32, #tpu.memory_space<hbm>> -> memref<1x632x128xf32, #tpu.memory_space<hbm>>
      %dma_wait3A_280 = tpu.memref_squeeze %dma_wait3A_279 : memref<1x632x128xf32, #tpu.memory_space<hbm>> -> memref<632x128xf32, #tpu.memory_space<hbm>>
      %dma_wait3A_281 = arith.constant 0 : i32
      %dma_wait3A_282 = tpu.memref_slice %arg8[%mul3A_4, %dma_wait3A_281] : memref<10112x128xf32, #tpu.memory_space<vmem_shared>> -> memref<632x128xf32, #tpu.memory_space<vmem_shared>>
      tpu.wait_dma2 semaphore(%run_scoped3A_272 : memref<!tpu.dma_semaphore, #tpu.memory_space<semaphore_mem>>) src(%dma_wait3A_282 : memref<632x128xf32, #tpu.memory_space<vmem_shared>>) dst(%dma_wait3A_280 : memref<632x128xf32, #tpu.memory_space<hbm>>)
      tpu.yield
    }) : () -> ()
    return
  }
}

#map = affine_map<(d0, d1) -> (0, 0)>
#map1 = affine_map<(d0, d1) -> (0, 0, 0)>
module attributes {stable_mosaic.version = 14 : i64} {
  func.func @segsum128(%arg0: i32, %arg1: i32, %arg2: memref<10000x128xf32, #tpu.memory_space<hbm>>, %arg3: memref<2560x2x128xi32, #tpu.memory_space<hbm>>, %arg4: memref<10112x128xf32, #tpu.memory_space<hbm>>, %arg5: memref<2x10112x128xf32, #tpu.memory_space<hbm>>, %arg6: memref<4x2x128xi32, #tpu.memory_space<vmem>>, %arg7: memref<2x128x128xf32, #tpu.memory_space<vmem>>, %arg8: memref<10112x128xf32, #tpu.memory_space<vmem_shared>>, %arg9: memref<!tpu.dma_semaphore, #tpu.memory_space<semaphore_mem>>, %arg10: memref<!tpu.dma_semaphore, #tpu.memory_space<semaphore_mem>>, %arg11: memref<!tpu.dma_semaphore, #tpu.memory_space<semaphore_mem>>, %arg12: memref<!tpu.dma_semaphore, #tpu.memory_space<semaphore_mem>>, %arg13: memref<!tpu.dma_semaphore, #tpu.memory_space<semaphore_mem>>, %arg14: memref<!tpu.dma_semaphore, #tpu.memory_space<semaphore_mem>>) attributes {dimension_semantics = [#tpu.dimension_semantics<core_parallel>, #tpu.dimension_semantics<subcore_parallel>], iteration_bounds = array<i64: 2, 16>, scalar_prefetch = 0 : i64, scratch_operands = 9 : i64, tpu.core_type = #tpu.core_type<sc_vector_subcore>, window_params = [{transform_indices = #map}, {transform_indices = #map1}, {transform_indices = #map}, {transform_indices = #map1}]} {
    %mul3A = arith.constant 16 : i32
    %mul3A_0 = arith.muli %arg0, %mul3A : i32
    %add3A = arith.addi %mul3A_0, %arg1 : i32
    %mul3A_1 = arith.constant 80 : i32
    %mul3A_2 = arith.muli %add3A, %mul3A_1 : i32
    %mul3A_3 = arith.constant 632 : i32
    %mul3A_4 = arith.muli %arg1, %mul3A_3 : i32
    "tpu.region"() ({
      %run_scoped3A_272 = tpu.sem_alloc : memref<!tpu.dma_semaphore, #tpu.memory_space<semaphore_mem>>
      %dma_start3A_273 = arith.constant 0 : i32
      %dma_start3A_274 = tpu.memref_slice %arg8[%mul3A_4, %dma_start3A_273] : memref<10112x128xf32, #tpu.memory_space<vmem_shared>> -> memref<632x128xf32, #tpu.memory_space<vmem_shared>>
      %dma_start3A_275 = arith.constant 0 : i32
      %dma_start3A_276 = tpu.memref_slice %arg4[%mul3A_4, %dma_start3A_275] : memref<10112x128xf32, #tpu.memory_space<hbm>> -> memref<632x128xf32, #tpu.memory_space<hbm>>
      tpu.enqueue_dma source(%dma_start3A_276 : memref<632x128xf32, #tpu.memory_space<hbm>>) target(%dma_start3A_274 : memref<632x128xf32, #tpu.memory_space<vmem_shared>>) target_semaphore(%run_scoped3A_272 : memref<!tpu.dma_semaphore, #tpu.memory_space<semaphore_mem>>)
      %dma_wait3A_277 = arith.constant 0 : i32
      %dma_wait3A_278 = tpu.memref_slice %arg8[%mul3A_4, %dma_wait3A_277] : memref<10112x128xf32, #tpu.memory_space<vmem_shared>> -> memref<632x128xf32, #tpu.memory_space<vmem_shared>>
      %dma_wait3A_279 = arith.constant 0 : i32
      %dma_wait3A_280 = tpu.memref_slice %arg4[%mul3A_4, %dma_wait3A_279] : memref<10112x128xf32, #tpu.memory_space<hbm>> -> memref<632x128xf32, #tpu.memory_space<hbm>>
      tpu.wait_dma2 semaphore(%run_scoped3A_272 : memref<!tpu.dma_semaphore, #tpu.memory_space<semaphore_mem>>) src(%dma_wait3A_280 : memref<632x128xf32, #tpu.memory_space<hbm>>) dst(%dma_wait3A_278 : memref<632x128xf32, #tpu.memory_space<vmem_shared>>)
      tpu.yield
    }) : () -> ()
    %barrier3A = arith.constant 0 : index
    tpu.barrier barrier_id(%barrier3A)
    %broadcast_in_dim3A = arith.constant 1.000000e+00 : f32
    %broadcast_in_dim3A_5 = vector.broadcast %broadcast_in_dim3A : f32 to vector<16xf32>
    %add3A_6 = arith.constant 0 : i32
    %add3A_7 = arith.addi %mul3A_2, %add3A_6 : i32
    %dma_start3A = arith.constant 0 : i32
    %dma_start3A_8 = arith.constant 0 : i32
    %dma_start3A_9 = arith.constant 0 : i32
    %dma_start3A_10 = tpu.memref_slice %arg6[%dma_start3A, %dma_start3A_8, %dma_start3A_9] : memref<4x2x128xi32, #tpu.memory_space<vmem>> -> memref<1x2x128xi32, #tpu.memory_space<vmem>>
    %dma_start3A_11 = tpu.memref_squeeze %dma_start3A_10 : memref<1x2x128xi32, #tpu.memory_space<vmem>> -> memref<2x128xi32, #tpu.memory_space<vmem>>
    %dma_start3A_12 = arith.constant 0 : i32
    %dma_start3A_13 = arith.constant 0 : i32
    %dma_start3A_14 = tpu.memref_slice %arg3[%add3A_7, %dma_start3A_12, %dma_start3A_13] : memref<2560x2x128xi32, #tpu.memory_space<hbm>> -> memref<1x2x128xi32, #tpu.memory_space<hbm>>
    %dma_start3A_15 = tpu.memref_squeeze %dma_start3A_14 : memref<1x2x128xi32, #tpu.memory_space<hbm>> -> memref<2x128xi32, #tpu.memory_space<hbm>>
    %dma_start3A_16 = arith.constant 0 : i32
    %dma_start3A_17 = arith.constant 0 : i32
    %dma_start3A_18 = tpu.memref_slice %arg6[%dma_start3A, %dma_start3A_16, %dma_start3A_17] : memref<4x2x128xi32, #tpu.memory_space<vmem>> -> memref<1x2x128xi32, #tpu.memory_space<vmem>>
    %dma_start3A_19 = tpu.memref_squeeze %dma_start3A_18 : memref<1x2x128xi32, #tpu.memory_space<vmem>> -> memref<2x128xi32, #tpu.memory_space<vmem>>
    %dma_start3A_20 = arith.constant 0 : i32
    %dma_start3A_21 = arith.constant 0 : i32
    %dma_start3A_22 = tpu.memref_slice %arg3[%add3A_7, %dma_start3A_20, %dma_start3A_21] : memref<2560x2x128xi32, #tpu.memory_space<hbm>> -> memref<1x2x128xi32, #tpu.memory_space<hbm>>
    %dma_start3A_23 = tpu.memref_squeeze %dma_start3A_22 : memref<1x2x128xi32, #tpu.memory_space<hbm>> -> memref<2x128xi32, #tpu.memory_space<hbm>>
    tpu.enqueue_dma source(%dma_start3A_23 : memref<2x128xi32, #tpu.memory_space<hbm>>) target(%dma_start3A_19 : memref<2x128xi32, #tpu.memory_space<vmem>>) target_semaphore(%arg11 : memref<!tpu.dma_semaphore, #tpu.memory_space<semaphore_mem>>)
    %add3A_24 = arith.constant 1 : i32
    %add3A_25 = arith.addi %mul3A_2, %add3A_24 : i32
    %dma_start3A_26 = arith.constant 1 : i32
    %dma_start3A_27 = arith.constant 0 : i32
    %dma_start3A_28 = arith.constant 0 : i32
    %dma_start3A_29 = tpu.memref_slice %arg6[%dma_start3A_26, %dma_start3A_27, %dma_start3A_28] : memref<4x2x128xi32, #tpu.memory_space<vmem>> -> memref<1x2x128xi32, #tpu.memory_space<vmem>>
    %dma_start3A_30 = tpu.memref_squeeze %dma_start3A_29 : memref<1x2x128xi32, #tpu.memory_space<vmem>> -> memref<2x128xi32, #tpu.memory_space<vmem>>
    %dma_start3A_31 = arith.constant 0 : i32
    %dma_start3A_32 = arith.constant 0 : i32
    %dma_start3A_33 = tpu.memref_slice %arg3[%add3A_25, %dma_start3A_31, %dma_start3A_32] : memref<2560x2x128xi32, #tpu.memory_space<hbm>> -> memref<1x2x128xi32, #tpu.memory_space<hbm>>
    %dma_start3A_34 = tpu.memref_squeeze %dma_start3A_33 : memref<1x2x128xi32, #tpu.memory_space<hbm>> -> memref<2x128xi32, #tpu.memory_space<hbm>>
    %dma_start3A_35 = arith.constant 0 : i32
    %dma_start3A_36 = arith.constant 0 : i32
    %dma_start3A_37 = tpu.memref_slice %arg6[%dma_start3A_26, %dma_start3A_35, %dma_start3A_36] : memref<4x2x128xi32, #tpu.memory_space<vmem>> -> memref<1x2x128xi32, #tpu.memory_space<vmem>>
    %dma_start3A_38 = tpu.memref_squeeze %dma_start3A_37 : memref<1x2x128xi32, #tpu.memory_space<vmem>> -> memref<2x128xi32, #tpu.memory_space<vmem>>
    %dma_start3A_39 = arith.constant 0 : i32
    %dma_start3A_40 = arith.constant 0 : i32
    %dma_start3A_41 = tpu.memref_slice %arg3[%add3A_25, %dma_start3A_39, %dma_start3A_40] : memref<2560x2x128xi32, #tpu.memory_space<hbm>> -> memref<1x2x128xi32, #tpu.memory_space<hbm>>
    %dma_start3A_42 = tpu.memref_squeeze %dma_start3A_41 : memref<1x2x128xi32, #tpu.memory_space<hbm>> -> memref<2x128xi32, #tpu.memory_space<hbm>>
    tpu.enqueue_dma source(%dma_start3A_42 : memref<2x128xi32, #tpu.memory_space<hbm>>) target(%dma_start3A_38 : memref<2x128xi32, #tpu.memory_space<vmem>>) target_semaphore(%arg12 : memref<!tpu.dma_semaphore, #tpu.memory_space<semaphore_mem>>)
    %add3A_43 = arith.constant 2 : i32
    %add3A_44 = arith.addi %mul3A_2, %add3A_43 : i32
    %dma_start3A_45 = arith.constant 2 : i32
    %dma_start3A_46 = arith.constant 0 : i32
    %dma_start3A_47 = arith.constant 0 : i32
    %dma_start3A_48 = tpu.memref_slice %arg6[%dma_start3A_45, %dma_start3A_46, %dma_start3A_47] : memref<4x2x128xi32, #tpu.memory_space<vmem>> -> memref<1x2x128xi32, #tpu.memory_space<vmem>>
    %dma_start3A_49 = tpu.memref_squeeze %dma_start3A_48 : memref<1x2x128xi32, #tpu.memory_space<vmem>> -> memref<2x128xi32, #tpu.memory_space<vmem>>
    %dma_start3A_50 = arith.constant 0 : i32
    %dma_start3A_51 = arith.constant 0 : i32
    %dma_start3A_52 = tpu.memref_slice %arg3[%add3A_44, %dma_start3A_50, %dma_start3A_51] : memref<2560x2x128xi32, #tpu.memory_space<hbm>> -> memref<1x2x128xi32, #tpu.memory_space<hbm>>
    %dma_start3A_53 = tpu.memref_squeeze %dma_start3A_52 : memref<1x2x128xi32, #tpu.memory_space<hbm>> -> memref<2x128xi32, #tpu.memory_space<hbm>>
    %dma_start3A_54 = arith.constant 0 : i32
    %dma_start3A_55 = arith.constant 0 : i32
    %dma_start3A_56 = tpu.memref_slice %arg6[%dma_start3A_45, %dma_start3A_54, %dma_start3A_55] : memref<4x2x128xi32, #tpu.memory_space<vmem>> -> memref<1x2x128xi32, #tpu.memory_space<vmem>>
    %dma_start3A_57 = tpu.memref_squeeze %dma_start3A_56 : memref<1x2x128xi32, #tpu.memory_space<vmem>> -> memref<2x128xi32, #tpu.memory_space<vmem>>
    %dma_start3A_58 = arith.constant 0 : i32
    %dma_start3A_59 = arith.constant 0 : i32
    %dma_start3A_60 = tpu.memref_slice %arg3[%add3A_44, %dma_start3A_58, %dma_start3A_59] : memref<2560x2x128xi32, #tpu.memory_space<hbm>> -> memref<1x2x128xi32, #tpu.memory_space<hbm>>
    %dma_start3A_61 = tpu.memref_squeeze %dma_start3A_60 : memref<1x2x128xi32, #tpu.memory_space<hbm>> -> memref<2x128xi32, #tpu.memory_space<hbm>>
    tpu.enqueue_dma source(%dma_start3A_61 : memref<2x128xi32, #tpu.memory_space<hbm>>) target(%dma_start3A_57 : memref<2x128xi32, #tpu.memory_space<vmem>>) target_semaphore(%arg13 : memref<!tpu.dma_semaphore, #tpu.memory_space<semaphore_mem>>)
    %add3A_62 = arith.constant 3 : i32
    %add3A_63 = arith.addi %mul3A_2, %add3A_62 : i32
    %dma_start3A_64 = arith.constant 3 : i32
    %dma_start3A_65 = arith.constant 0 : i32
    %dma_start3A_66 = arith.constant 0 : i32
    %dma_start3A_67 = tpu.memref_slice %arg6[%dma_start3A_64, %dma_start3A_65, %dma_start3A_66] : memref<4x2x128xi32, #tpu.memory_space<vmem>> -> memref<1x2x128xi32, #tpu.memory_space<vmem>>
    %dma_start3A_68 = tpu.memref_squeeze %dma_start3A_67 : memref<1x2x128xi32, #tpu.memory_space<vmem>> -> memref<2x128xi32, #tpu.memory_space<vmem>>
    %dma_start3A_69 = arith.constant 0 : i32
    %dma_start3A_70 = arith.constant 0 : i32
    %dma_start3A_71 = tpu.memref_slice %arg3[%add3A_63, %dma_start3A_69, %dma_start3A_70] : memref<2560x2x128xi32, #tpu.memory_space<hbm>> -> memref<1x2x128xi32, #tpu.memory_space<hbm>>
    %dma_start3A_72 = tpu.memref_squeeze %dma_start3A_71 : memref<1x2x128xi32, #tpu.memory_space<hbm>> -> memref<2x128xi32, #tpu.memory_space<hbm>>
    %dma_start3A_73 = arith.constant 0 : i32
    %dma_start3A_74 = arith.constant 0 : i32
    %dma_start3A_75 = tpu.memref_slice %arg6[%dma_start3A_64, %dma_start3A_73, %dma_start3A_74] : memref<4x2x128xi32, #tpu.memory_space<vmem>> -> memref<1x2x128xi32, #tpu.memory_space<vmem>>
    %dma_start3A_76 = tpu.memref_squeeze %dma_start3A_75 : memref<1x2x128xi32, #tpu.memory_space<vmem>> -> memref<2x128xi32, #tpu.memory_space<vmem>>
    %dma_start3A_77 = arith.constant 0 : i32
    %dma_start3A_78 = arith.constant 0 : i32
    %dma_start3A_79 = tpu.memref_slice %arg3[%add3A_63, %dma_start3A_77, %dma_start3A_78] : memref<2560x2x128xi32, #tpu.memory_space<hbm>> -> memref<1x2x128xi32, #tpu.memory_space<hbm>>
    %dma_start3A_80 = tpu.memref_squeeze %dma_start3A_79 : memref<1x2x128xi32, #tpu.memory_space<hbm>> -> memref<2x128xi32, #tpu.memory_space<hbm>>
    tpu.enqueue_dma source(%dma_start3A_80 : memref<2x128xi32, #tpu.memory_space<hbm>>) target(%dma_start3A_76 : memref<2x128xi32, #tpu.memory_space<vmem>>) target_semaphore(%arg14 : memref<!tpu.dma_semaphore, #tpu.memory_space<semaphore_mem>>)
    %dma_wait3A = arith.constant 0 : i32
    %dma_wait3A_81 = arith.constant 0 : i32
    %dma_wait3A_82 = arith.constant 0 : i32
    %dma_wait3A_83 = arith.constant 0 : i32
    %dma_wait3A_84 = tpu.memref_slice %arg6[%dma_wait3A_81, %dma_wait3A_82, %dma_wait3A_83] : memref<4x2x128xi32, #tpu.memory_space<vmem>> -> memref<1x2x128xi32, #tpu.memory_space<vmem>>
    %dma_wait3A_85 = tpu.memref_squeeze %dma_wait3A_84 : memref<1x2x128xi32, #tpu.memory_space<vmem>> -> memref<2x128xi32, #tpu.memory_space<vmem>>
    %dma_wait3A_86 = arith.constant 0 : i32
    %dma_wait3A_87 = arith.constant 0 : i32
    %dma_wait3A_88 = tpu.memref_slice %arg3[%dma_wait3A, %dma_wait3A_86, %dma_wait3A_87] : memref<2560x2x128xi32, #tpu.memory_space<hbm>> -> memref<1x2x128xi32, #tpu.memory_space<hbm>>
    %dma_wait3A_89 = tpu.memref_squeeze %dma_wait3A_88 : memref<1x2x128xi32, #tpu.memory_space<hbm>> -> memref<2x128xi32, #tpu.memory_space<hbm>>
    %dma_wait3A_90 = arith.constant 0 : i32
    %dma_wait3A_91 = arith.constant 0 : i32
    %dma_wait3A_92 = tpu.memref_slice %arg6[%dma_wait3A_81, %dma_wait3A_90, %dma_wait3A_91] : memref<4x2x128xi32, #tpu.memory_space<vmem>> -> memref<1x2x128xi32, #tpu.memory_space<vmem>>
    %dma_wait3A_93 = tpu.memref_squeeze %dma_wait3A_92 : memref<1x2x128xi32, #tpu.memory_space<vmem>> -> memref<2x128xi32, #tpu.memory_space<vmem>>
    %dma_wait3A_94 = arith.constant 0 : i32
    %dma_wait3A_95 = arith.constant 0 : i32
    %dma_wait3A_96 = tpu.memref_slice %arg3[%dma_wait3A, %dma_wait3A_94, %dma_wait3A_95] : memref<2560x2x128xi32, #tpu.memory_space<hbm>> -> memref<1x2x128xi32, #tpu.memory_space<hbm>>
    %dma_wait3A_97 = tpu.memref_squeeze %dma_wait3A_96 : memref<1x2x128xi32, #tpu.memory_space<hbm>> -> memref<2x128xi32, #tpu.memory_space<hbm>>
    tpu.wait_dma2 semaphore(%arg11 : memref<!tpu.dma_semaphore, #tpu.memory_space<semaphore_mem>>) src(%dma_wait3A_97 : memref<2x128xi32, #tpu.memory_space<hbm>>) dst(%dma_wait3A_93 : memref<2x128xi32, #tpu.memory_space<vmem>>)
    %dma_wait3A_98 = arith.constant 0 : i32
    %dma_wait3A_99 = arith.constant 1 : i32
    %dma_wait3A_100 = arith.constant 0 : i32
    %dma_wait3A_101 = arith.constant 0 : i32
    %dma_wait3A_102 = tpu.memref_slice %arg6[%dma_wait3A_99, %dma_wait3A_100, %dma_wait3A_101] : memref<4x2x128xi32, #tpu.memory_space<vmem>> -> memref<1x2x128xi32, #tpu.memory_space<vmem>>
    %dma_wait3A_103 = tpu.memref_squeeze %dma_wait3A_102 : memref<1x2x128xi32, #tpu.memory_space<vmem>> -> memref<2x128xi32, #tpu.memory_space<vmem>>
    %dma_wait3A_104 = arith.constant 0 : i32
    %dma_wait3A_105 = arith.constant 0 : i32
    %dma_wait3A_106 = tpu.memref_slice %arg3[%dma_wait3A_98, %dma_wait3A_104, %dma_wait3A_105] : memref<2560x2x128xi32, #tpu.memory_space<hbm>> -> memref<1x2x128xi32, #tpu.memory_space<hbm>>
    %dma_wait3A_107 = tpu.memref_squeeze %dma_wait3A_106 : memref<1x2x128xi32, #tpu.memory_space<hbm>> -> memref<2x128xi32, #tpu.memory_space<hbm>>
    %dma_wait3A_108 = arith.constant 0 : i32
    %dma_wait3A_109 = arith.constant 0 : i32
    %dma_wait3A_110 = tpu.memref_slice %arg6[%dma_wait3A_99, %dma_wait3A_108, %dma_wait3A_109] : memref<4x2x128xi32, #tpu.memory_space<vmem>> -> memref<1x2x128xi32, #tpu.memory_space<vmem>>
    %dma_wait3A_111 = tpu.memref_squeeze %dma_wait3A_110 : memref<1x2x128xi32, #tpu.memory_space<vmem>> -> memref<2x128xi32, #tpu.memory_space<vmem>>
    %dma_wait3A_112 = arith.constant 0 : i32
    %dma_wait3A_113 = arith.constant 0 : i32
    %dma_wait3A_114 = tpu.memref_slice %arg3[%dma_wait3A_98, %dma_wait3A_112, %dma_wait3A_113] : memref<2560x2x128xi32, #tpu.memory_space<hbm>> -> memref<1x2x128xi32, #tpu.memory_space<hbm>>
    %dma_wait3A_115 = tpu.memref_squeeze %dma_wait3A_114 : memref<1x2x128xi32, #tpu.memory_space<hbm>> -> memref<2x128xi32, #tpu.memory_space<hbm>>
    tpu.wait_dma2 semaphore(%arg12 : memref<!tpu.dma_semaphore, #tpu.memory_space<semaphore_mem>>) src(%dma_wait3A_115 : memref<2x128xi32, #tpu.memory_space<hbm>>) dst(%dma_wait3A_111 : memref<2x128xi32, #tpu.memory_space<vmem>>)
    %dma_start3A_116 = arith.constant 0 : i32
    %dma_start3A_117 = arith.constant 0 : i32
    %dma_start3A_118 = arith.constant 0 : i32
    %dma_start3A_119 = arith.constant 0 : i32
    %dma_start3A_120 = arith.constant 0 : i32
    %dma_start3A_121 = tpu.memref_slice %arg7[%dma_start3A_118, %dma_start3A_119, %dma_start3A_120] : memref<2x128x128xf32, #tpu.memory_space<vmem>> -> memref<1x128x128xf32, #tpu.memory_space<vmem>>
    %dma_start3A_122 = tpu.memref_squeeze %dma_start3A_121 : memref<1x128x128xf32, #tpu.memory_space<vmem>> -> memref<128x128xf32, #tpu.memory_space<vmem>>
    %dma_start3A_123 = arith.constant 0 : i32
    %dma_start3A_124 = tpu.memref_slice %arg6[%dma_start3A_116, %dma_start3A_117, %dma_start3A_123] : memref<4x2x128xi32, #tpu.memory_space<vmem>> -> memref<1x1x128xi32, #tpu.memory_space<vmem>>
    %dma_start3A_125 = tpu.memref_squeeze %dma_start3A_124 : memref<1x1x128xi32, #tpu.memory_space<vmem>> -> memref<128xi32, #tpu.memory_space<vmem>>
    %dma_start3A_126 = arith.constant 0 : i32
    %dma_start3A_127 = arith.constant 0 : i32
    %dma_start3A_128 = tpu.memref_slice %arg2[%dma_start3A_126, %dma_start3A_127] : memref<10000x128xf32, #tpu.memory_space<hbm>> -> memref<10000x128xf32, #tpu.memory_space<hbm>>
    tpu.enqueue_indirect_dma source(%dma_start3A_128 : memref<10000x128xf32, #tpu.memory_space<hbm>>) target(%dma_start3A_122 : memref<128x128xf32, #tpu.memory_space<vmem>>) offsets(%dma_start3A_125 : memref<128xi32, #tpu.memory_space<vmem>>) semaphore(%arg9 : memref<!tpu.dma_semaphore, #tpu.memory_space<semaphore_mem>>)
    %dma_start3A_129 = arith.constant 1 : i32
    %dma_start3A_130 = arith.constant 0 : i32
    %dma_start3A_131 = arith.constant 1 : i32
    %dma_start3A_132 = arith.constant 0 : i32
    %dma_start3A_133 = arith.constant 0 : i32
    %dma_start3A_134 = tpu.memref_slice %arg7[%dma_start3A_131, %dma_start3A_132, %dma_start3A_133] : memref<2x128x128xf32, #tpu.memory_space<vmem>> -> memref<1x128x128xf32, #tpu.memory_space<vmem>>
    %dma_start3A_135 = tpu.memref_squeeze %dma_start3A_134 : memref<1x128x128xf32, #tpu.memory_space<vmem>> -> memref<128x128xf32, #tpu.memory_space<vmem>>
    %dma_start3A_136 = arith.constant 0 : i32
    %dma_start3A_137 = tpu.memref_slice %arg6[%dma_start3A_129, %dma_start3A_130, %dma_start3A_136] : memref<4x2x128xi32, #tpu.memory_space<vmem>> -> memref<1x1x128xi32, #tpu.memory_space<vmem>>
    %dma_start3A_138 = tpu.memref_squeeze %dma_start3A_137 : memref<1x1x128xi32, #tpu.memory_space<vmem>> -> memref<128xi32, #tpu.memory_space<vmem>>
    %dma_start3A_139 = arith.constant 0 : i32
    %dma_start3A_140 = arith.constant 0 : i32
    %dma_start3A_141 = tpu.memref_slice %arg2[%dma_start3A_139, %dma_start3A_140] : memref<10000x128xf32, #tpu.memory_space<hbm>> -> memref<10000x128xf32, #tpu.memory_space<hbm>>
    tpu.enqueue_indirect_dma source(%dma_start3A_141 : memref<10000x128xf32, #tpu.memory_space<hbm>>) target(%dma_start3A_135 : memref<128x128xf32, #tpu.memory_space<vmem>>) offsets(%dma_start3A_138 : memref<128xi32, #tpu.memory_space<vmem>>) semaphore(%arg10 : memref<!tpu.dma_semaphore, #tpu.memory_space<semaphore_mem>>)
    %scan3A = arith.constant 0 : i32
    %scan3A_142 = arith.constant 19 : i32
    %scan3A_143 = arith.addi %scan3A, %scan3A_142 : i32
    %scan3A_144 = arith.constant 1 : i32
    scf.for %scan3A_272 = %scan3A to %scan3A_143 step %scan3A_144  : i32 {
      %mul3A_273 = arith.constant 4 : i32
      %mul3A_274 = arith.muli %scan3A_272, %mul3A_273 : i32
      %add3A_275 = arith.constant 0 : i32
      %add3A_276 = arith.addi %add3A_275, %mul3A_274 : i32
      %dma_wait3A_277 = arith.constant 0 : i32
      %dma_wait3A_278 = arith.constant 0 : i32
      %dma_wait3A_279 = arith.constant 0 : i32
      %dma_wait3A_280 = arith.constant 0 : i32
      %dma_wait3A_281 = arith.constant 0 : i32
      %dma_wait3A_282 = tpu.memref_slice %arg7[%dma_wait3A_279, %dma_wait3A_280, %dma_wait3A_281] : memref<2x128x128xf32, #tpu.memory_space<vmem>> -> memref<1x128x128xf32, #tpu.memory_space<vmem>>
      %dma_wait3A_283 = tpu.memref_squeeze %dma_wait3A_282 : memref<1x128x128xf32, #tpu.memory_space<vmem>> -> memref<128x128xf32, #tpu.memory_space<vmem>>
      %dma_wait3A_284 = arith.constant 0 : i32
      %dma_wait3A_285 = tpu.memref_slice %arg6[%dma_wait3A_277, %dma_wait3A_278, %dma_wait3A_284] : memref<4x2x128xi32, #tpu.memory_space<vmem>> -> memref<1x1x128xi32, #tpu.memory_space<vmem>>
      %dma_wait3A_286 = tpu.memref_squeeze %dma_wait3A_285 : memref<1x1x128xi32, #tpu.memory_space<vmem>> -> memref<128xi32, #tpu.memory_space<vmem>>
      %dma_wait3A_287 = arith.constant 0 : i32
      %dma_wait3A_288 = arith.constant 0 : i32
      %dma_wait3A_289 = tpu.memref_slice %arg2[%dma_wait3A_287, %dma_wait3A_288] : memref<10000x128xf32, #tpu.memory_space<hbm>> -> memref<10000x128xf32, #tpu.memory_space<hbm>>
      tpu.wait_indirect_dma semaphore(%arg9 : memref<!tpu.dma_semaphore, #tpu.memory_space<semaphore_mem>>) src(%dma_wait3A_289 : memref<10000x128xf32, #tpu.memory_space<hbm>>) dst(%dma_wait3A_283 : memref<128x128xf32, #tpu.memory_space<vmem>>)
      %run_scoped3A_290 = arith.constant 0 : i32
      %run_scoped3A_291 = arith.constant 0 : i32
      %run_scoped3A_292 = arith.constant 1 : i32
      "tpu.region"() ({
        %run_scoped3A_553 = tpu.sem_alloc : memref<!tpu.dma_semaphore, #tpu.memory_space<semaphore_mem>>
        %dma_start3A_554 = arith.constant 0 : i32
        %dma_start3A_555 = arith.constant 0 : i32
        %dma_start3A_556 = tpu.memref_slice %arg7[%run_scoped3A_290, %dma_start3A_554, %dma_start3A_555] : memref<2x128x128xf32, #tpu.memory_space<vmem>> -> memref<1x128x128xf32, #tpu.memory_space<vmem>>
        %dma_start3A_557 = tpu.memref_squeeze %dma_start3A_556 : memref<1x128x128xf32, #tpu.memory_space<vmem>> -> memref<128x128xf32, #tpu.memory_space<vmem>>
        %dma_start3A_558 = arith.constant 0 : i32
        %dma_start3A_559 = tpu.memref_slice %arg6[%run_scoped3A_291, %run_scoped3A_292, %dma_start3A_558] : memref<4x2x128xi32, #tpu.memory_space<vmem>> -> memref<1x1x128xi32, #tpu.memory_space<vmem>>
        %dma_start3A_560 = tpu.memref_squeeze %dma_start3A_559 : memref<1x1x128xi32, #tpu.memory_space<vmem>> -> memref<128xi32, #tpu.memory_space<vmem>>
        %dma_start3A_561 = arith.constant 0 : i32
        %dma_start3A_562 = arith.constant 0 : i32
        %dma_start3A_563 = tpu.memref_slice %arg8[%dma_start3A_561, %dma_start3A_562] : memref<10112x128xf32, #tpu.memory_space<vmem_shared>> -> memref<10112x128xf32, #tpu.memory_space<vmem_shared>>
        tpu.enqueue_indirect_dma source(%dma_start3A_557 : memref<128x128xf32, #tpu.memory_space<vmem>>) target(%dma_start3A_563 : memref<10112x128xf32, #tpu.memory_space<vmem_shared>>) offsets(%dma_start3A_560 : memref<128xi32, #tpu.memory_space<vmem>>) semaphore(%run_scoped3A_553 : memref<!tpu.dma_semaphore, #tpu.memory_space<semaphore_mem>>) {add = true}
        %dma_wait3A_564 = arith.constant 0 : i32
        %dma_wait3A_565 = arith.constant 0 : i32
        %dma_wait3A_566 = tpu.memref_slice %arg7[%run_scoped3A_290, %dma_wait3A_564, %dma_wait3A_565] : memref<2x128x128xf32, #tpu.memory_space<vmem>> -> memref<1x128x128xf32, #tpu.memory_space<vmem>>
        %dma_wait3A_567 = tpu.memref_squeeze %dma_wait3A_566 : memref<1x128x128xf32, #tpu.memory_space<vmem>> -> memref<128x128xf32, #tpu.memory_space<vmem>>
        %dma_wait3A_568 = arith.constant 0 : i32
        %dma_wait3A_569 = tpu.memref_slice %arg6[%run_scoped3A_291, %run_scoped3A_292, %dma_wait3A_568] : memref<4x2x128xi32, #tpu.memory_space<vmem>> -> memref<1x1x128xi32, #tpu.memory_space<vmem>>
        %dma_wait3A_570 = tpu.memref_squeeze %dma_wait3A_569 : memref<1x1x128xi32, #tpu.memory_space<vmem>> -> memref<128xi32, #tpu.memory_space<vmem>>
        %dma_wait3A_571 = arith.constant 0 : i32
        %dma_wait3A_572 = arith.constant 0 : i32
        %dma_wait3A_573 = tpu.memref_slice %arg8[%dma_wait3A_571, %dma_wait3A_572] : memref<10112x128xf32, #tpu.memory_space<vmem_shared>> -> memref<10112x128xf32, #tpu.memory_space<vmem_shared>>
        tpu.wait_indirect_dma semaphore(%run_scoped3A_553 : memref<!tpu.dma_semaphore, #tpu.memory_space<semaphore_mem>>) src(%dma_wait3A_567 : memref<128x128xf32, #tpu.memory_space<vmem>>) dst(%dma_wait3A_573 : memref<10112x128xf32, #tpu.memory_space<vmem_shared>>)
        tpu.yield
      }) : () -> ()
      %dma_wait3A_293 = arith.constant 0 : i32
      %dma_wait3A_294 = arith.constant 2 : i32
      %dma_wait3A_295 = arith.constant 0 : i32
      %dma_wait3A_296 = arith.constant 0 : i32
      %dma_wait3A_297 = tpu.memref_slice %arg6[%dma_wait3A_294, %dma_wait3A_295, %dma_wait3A_296] : memref<4x2x128xi32, #tpu.memory_space<vmem>> -> memref<1x2x128xi32, #tpu.memory_space<vmem>>
      %dma_wait3A_298 = tpu.memref_squeeze %dma_wait3A_297 : memref<1x2x128xi32, #tpu.memory_space<vmem>> -> memref<2x128xi32, #tpu.memory_space<vmem>>
      %dma_wait3A_299 = arith.constant 0 : i32
      %dma_wait3A_300 = arith.constant 0 : i32
      %dma_wait3A_301 = tpu.memref_slice %arg3[%dma_wait3A_293, %dma_wait3A_299, %dma_wait3A_300] : memref<2560x2x128xi32, #tpu.memory_space<hbm>> -> memref<1x2x128xi32, #tpu.memory_space<hbm>>
      %dma_wait3A_302 = tpu.memref_squeeze %dma_wait3A_301 : memref<1x2x128xi32, #tpu.memory_space<hbm>> -> memref<2x128xi32, #tpu.memory_space<hbm>>
      %dma_wait3A_303 = arith.constant 0 : i32
      %dma_wait3A_304 = arith.constant 0 : i32
      %dma_wait3A_305 = tpu.memref_slice %arg6[%dma_wait3A_294, %dma_wait3A_303, %dma_wait3A_304] : memref<4x2x128xi32, #tpu.memory_space<vmem>> -> memref<1x2x128xi32, #tpu.memory_space<vmem>>
      %dma_wait3A_306 = tpu.memref_squeeze %dma_wait3A_305 : memref<1x2x128xi32, #tpu.memory_space<vmem>> -> memref<2x128xi32, #tpu.memory_space<vmem>>
      %dma_wait3A_307 = arith.constant 0 : i32
      %dma_wait3A_308 = arith.constant 0 : i32
      %dma_wait3A_309 = tpu.memref_slice %arg3[%dma_wait3A_293, %dma_wait3A_307, %dma_wait3A_308] : memref<2560x2x128xi32, #tpu.memory_space<hbm>> -> memref<1x2x128xi32, #tpu.memory_space<hbm>>
      %dma_wait3A_310 = tpu.memref_squeeze %dma_wait3A_309 : memref<1x2x128xi32, #tpu.memory_space<hbm>> -> memref<2x128xi32, #tpu.memory_space<hbm>>
      tpu.wait_dma2 semaphore(%arg13 : memref<!tpu.dma_semaphore, #tpu.memory_space<semaphore_mem>>) src(%dma_wait3A_310 : memref<2x128xi32, #tpu.memory_space<hbm>>) dst(%dma_wait3A_306 : memref<2x128xi32, #tpu.memory_space<vmem>>)
      %dma_start3A_311 = arith.constant 2 : i32
      %dma_start3A_312 = arith.constant 0 : i32
      %dma_start3A_313 = arith.constant 0 : i32
      %dma_start3A_314 = arith.constant 0 : i32
      %dma_start3A_315 = arith.constant 0 : i32
      %dma_start3A_316 = tpu.memref_slice %arg7[%dma_start3A_313, %dma_start3A_314, %dma_start3A_315] : memref<2x128x128xf32, #tpu.memory_space<vmem>> -> memref<1x128x128xf32, #tpu.memory_space<vmem>>
      %dma_start3A_317 = tpu.memref_squeeze %dma_start3A_316 : memref<1x128x128xf32, #tpu.memory_space<vmem>> -> memref<128x128xf32, #tpu.memory_space<vmem>>
      %dma_start3A_318 = arith.constant 0 : i32
      %dma_start3A_319 = tpu.memref_slice %arg6[%dma_start3A_311, %dma_start3A_312, %dma_start3A_318] : memref<4x2x128xi32, #tpu.memory_space<vmem>> -> memref<1x1x128xi32, #tpu.memory_space<vmem>>
      %dma_start3A_320 = tpu.memref_squeeze %dma_start3A_319 : memref<1x1x128xi32, #tpu.memory_space<vmem>> -> memref<128xi32, #tpu.memory_space<vmem>>
      %dma_start3A_321 = arith.constant 0 : i32
      %dma_start3A_322 = arith.constant 0 : i32
      %dma_start3A_323 = tpu.memref_slice %arg2[%dma_start3A_321, %dma_start3A_322] : memref<10000x128xf32, #tpu.memory_space<hbm>> -> memref<10000x128xf32, #tpu.memory_space<hbm>>
      tpu.enqueue_indirect_dma source(%dma_start3A_323 : memref<10000x128xf32, #tpu.memory_space<hbm>>) target(%dma_start3A_317 : memref<128x128xf32, #tpu.memory_space<vmem>>) offsets(%dma_start3A_320 : memref<128xi32, #tpu.memory_space<vmem>>) semaphore(%arg9 : memref<!tpu.dma_semaphore, #tpu.memory_space<semaphore_mem>>)
      %add3A_324 = arith.constant 0 : i32
      %add3A_325 = arith.addi %add3A_276, %add3A_324 : i32
      %add3A_326 = arith.constant 4 : i32
      %add3A_327 = arith.addi %add3A_325, %add3A_326 : i32
      %add3A_328 = arith.addi %mul3A_2, %add3A_327 : i32
      %dma_start3A_329 = arith.constant 0 : i32
      %dma_start3A_330 = arith.constant 0 : i32
      %dma_start3A_331 = arith.constant 0 : i32
      %dma_start3A_332 = tpu.memref_slice %arg6[%dma_start3A_329, %dma_start3A_330, %dma_start3A_331] : memref<4x2x128xi32, #tpu.memory_space<vmem>> -> memref<1x2x128xi32, #tpu.memory_space<vmem>>
      %dma_start3A_333 = tpu.memref_squeeze %dma_start3A_332 : memref<1x2x128xi32, #tpu.memory_space<vmem>> -> memref<2x128xi32, #tpu.memory_space<vmem>>
      %dma_start3A_334 = arith.constant 0 : i32
      %dma_start3A_335 = arith.constant 0 : i32
      %dma_start3A_336 = tpu.memref_slice %arg3[%add3A_328, %dma_start3A_334, %dma_start3A_335] : memref<2560x2x128xi32, #tpu.memory_space<hbm>> -> memref<1x2x128xi32, #tpu.memory_space<hbm>>
      %dma_start3A_337 = tpu.memref_squeeze %dma_start3A_336 : memref<1x2x128xi32, #tpu.memory_space<hbm>> -> memref<2x128xi32, #tpu.memory_space<hbm>>
      %dma_start3A_338 = arith.constant 0 : i32
      %dma_start3A_339 = arith.constant 0 : i32
      %dma_start3A_340 = tpu.memref_slice %arg6[%dma_start3A_329, %dma_start3A_338, %dma_start3A_339] : memref<4x2x128xi32, #tpu.memory_space<vmem>> -> memref<1x2x128xi32, #tpu.memory_space<vmem>>
      %dma_start3A_341 = tpu.memref_squeeze %dma_start3A_340 : memref<1x2x128xi32, #tpu.memory_space<vmem>> -> memref<2x128xi32, #tpu.memory_space<vmem>>
      %dma_start3A_342 = arith.constant 0 : i32
      %dma_start3A_343 = arith.constant 0 : i32
      %dma_start3A_344 = tpu.memref_slice %arg3[%add3A_328, %dma_start3A_342, %dma_start3A_343] : memref<2560x2x128xi32, #tpu.memory_space<hbm>> -> memref<1x2x128xi32, #tpu.memory_space<hbm>>
      %dma_start3A_345 = tpu.memref_squeeze %dma_start3A_344 : memref<1x2x128xi32, #tpu.memory_space<hbm>> -> memref<2x128xi32, #tpu.memory_space<hbm>>
      tpu.enqueue_dma source(%dma_start3A_345 : memref<2x128xi32, #tpu.memory_space<hbm>>) target(%dma_start3A_341 : memref<2x128xi32, #tpu.memory_space<vmem>>) target_semaphore(%arg11 : memref<!tpu.dma_semaphore, #tpu.memory_space<semaphore_mem>>)
      %dma_wait3A_346 = arith.constant 1 : i32
      %dma_wait3A_347 = arith.constant 0 : i32
      %dma_wait3A_348 = arith.constant 1 : i32
      %dma_wait3A_349 = arith.constant 0 : i32
      %dma_wait3A_350 = arith.constant 0 : i32
      %dma_wait3A_351 = tpu.memref_slice %arg7[%dma_wait3A_348, %dma_wait3A_349, %dma_wait3A_350] : memref<2x128x128xf32, #tpu.memory_space<vmem>> -> memref<1x128x128xf32, #tpu.memory_space<vmem>>
      %dma_wait3A_352 = tpu.memref_squeeze %dma_wait3A_351 : memref<1x128x128xf32, #tpu.memory_space<vmem>> -> memref<128x128xf32, #tpu.memory_space<vmem>>
      %dma_wait3A_353 = arith.constant 0 : i32
      %dma_wait3A_354 = tpu.memref_slice %arg6[%dma_wait3A_346, %dma_wait3A_347, %dma_wait3A_353] : memref<4x2x128xi32, #tpu.memory_space<vmem>> -> memref<1x1x128xi32, #tpu.memory_space<vmem>>
      %dma_wait3A_355 = tpu.memref_squeeze %dma_wait3A_354 : memref<1x1x128xi32, #tpu.memory_space<vmem>> -> memref<128xi32, #tpu.memory_space<vmem>>
      %dma_wait3A_356 = arith.constant 0 : i32
      %dma_wait3A_357 = arith.constant 0 : i32
      %dma_wait3A_358 = tpu.memref_slice %arg2[%dma_wait3A_356, %dma_wait3A_357] : memref<10000x128xf32, #tpu.memory_space<hbm>> -> memref<10000x128xf32, #tpu.memory_space<hbm>>
      tpu.wait_indirect_dma semaphore(%arg10 : memref<!tpu.dma_semaphore, #tpu.memory_space<semaphore_mem>>) src(%dma_wait3A_358 : memref<10000x128xf32, #tpu.memory_space<hbm>>) dst(%dma_wait3A_352 : memref<128x128xf32, #tpu.memory_space<vmem>>)
      %run_scoped3A_359 = arith.constant 1 : i32
      %run_scoped3A_360 = arith.constant 1 : i32
      %run_scoped3A_361 = arith.constant 1 : i32
      "tpu.region"() ({
        %run_scoped3A_553 = tpu.sem_alloc : memref<!tpu.dma_semaphore, #tpu.memory_space<semaphore_mem>>
        %dma_start3A_554 = arith.constant 0 : i32
        %dma_start3A_555 = arith.constant 0 : i32
        %dma_start3A_556 = tpu.memref_slice %arg7[%run_scoped3A_359, %dma_start3A_554, %dma_start3A_555] : memref<2x128x128xf32, #tpu.memory_space<vmem>> -> memref<1x128x128xf32, #tpu.memory_space<vmem>>
        %dma_start3A_557 = tpu.memref_squeeze %dma_start3A_556 : memref<1x128x128xf32, #tpu.memory_space<vmem>> -> memref<128x128xf32, #tpu.memory_space<vmem>>
        %dma_start3A_558 = arith.constant 0 : i32
        %dma_start3A_559 = tpu.memref_slice %arg6[%run_scoped3A_360, %run_scoped3A_361, %dma_start3A_558] : memref<4x2x128xi32, #tpu.memory_space<vmem>> -> memref<1x1x128xi32, #tpu.memory_space<vmem>>
        %dma_start3A_560 = tpu.memref_squeeze %dma_start3A_559 : memref<1x1x128xi32, #tpu.memory_space<vmem>> -> memref<128xi32, #tpu.memory_space<vmem>>
        %dma_start3A_561 = arith.constant 0 : i32
        %dma_start3A_562 = arith.constant 0 : i32
        %dma_start3A_563 = tpu.memref_slice %arg8[%dma_start3A_561, %dma_start3A_562] : memref<10112x128xf32, #tpu.memory_space<vmem_shared>> -> memref<10112x128xf32, #tpu.memory_space<vmem_shared>>
        tpu.enqueue_indirect_dma source(%dma_start3A_557 : memref<128x128xf32, #tpu.memory_space<vmem>>) target(%dma_start3A_563 : memref<10112x128xf32, #tpu.memory_space<vmem_shared>>) offsets(%dma_start3A_560 : memref<128xi32, #tpu.memory_space<vmem>>) semaphore(%run_scoped3A_553 : memref<!tpu.dma_semaphore, #tpu.memory_space<semaphore_mem>>) {add = true}
        %dma_wait3A_564 = arith.constant 0 : i32
        %dma_wait3A_565 = arith.constant 0 : i32
        %dma_wait3A_566 = tpu.memref_slice %arg7[%run_scoped3A_359, %dma_wait3A_564, %dma_wait3A_565] : memref<2x128x128xf32, #tpu.memory_space<vmem>> -> memref<1x128x128xf32, #tpu.memory_space<vmem>>
        %dma_wait3A_567 = tpu.memref_squeeze %dma_wait3A_566 : memref<1x128x128xf32, #tpu.memory_space<vmem>> -> memref<128x128xf32, #tpu.memory_space<vmem>>
        %dma_wait3A_568 = arith.constant 0 : i32
        %dma_wait3A_569 = tpu.memref_slice %arg6[%run_scoped3A_360, %run_scoped3A_361, %dma_wait3A_568] : memref<4x2x128xi32, #tpu.memory_space<vmem>> -> memref<1x1x128xi32, #tpu.memory_space<vmem>>
        %dma_wait3A_570 = tpu.memref_squeeze %dma_wait3A_569 : memref<1x1x128xi32, #tpu.memory_space<vmem>> -> memref<128xi32, #tpu.memory_space<vmem>>
        %dma_wait3A_571 = arith.constant 0 : i32
        %dma_wait3A_572 = arith.constant 0 : i32
        %dma_wait3A_573 = tpu.memref_slice %arg8[%dma_wait3A_571, %dma_wait3A_572] : memref<10112x128xf32, #tpu.memory_space<vmem_shared>> -> memref<10112x128xf32, #tpu.memory_space<vmem_shared>>
        tpu.wait_indirect_dma semaphore(%run_scoped3A_553 : memref<!tpu.dma_semaphore, #tpu.memory_space<semaphore_mem>>) src(%dma_wait3A_567 : memref<128x128xf32, #tpu.memory_space<vmem>>) dst(%dma_wait3A_573 : memref<10112x128xf32, #tpu.memory_space<vmem_shared>>)
        tpu.yield
      }) : () -> ()
      %dma_wait3A_362 = arith.constant 0 : i32
      %dma_wait3A_363 = arith.constant 3 : i32
      %dma_wait3A_364 = arith.constant 0 : i32
      %dma_wait3A_365 = arith.constant 0 : i32
      %dma_wait3A_366 = tpu.memref_slice %arg6[%dma_wait3A_363, %dma_wait3A_364, %dma_wait3A_365] : memref<4x2x128xi32, #tpu.memory_space<vmem>> -> memref<1x2x128xi32, #tpu.memory_space<vmem>>
      %dma_wait3A_367 = tpu.memref_squeeze %dma_wait3A_366 : memref<1x2x128xi32, #tpu.memory_space<vmem>> -> memref<2x128xi32, #tpu.memory_space<vmem>>
      %dma_wait3A_368 = arith.constant 0 : i32
      %dma_wait3A_369 = arith.constant 0 : i32
      %dma_wait3A_370 = tpu.memref_slice %arg3[%dma_wait3A_362, %dma_wait3A_368, %dma_wait3A_369] : memref<2560x2x128xi32, #tpu.memory_space<hbm>> -> memref<1x2x128xi32, #tpu.memory_space<hbm>>
      %dma_wait3A_371 = tpu.memref_squeeze %dma_wait3A_370 : memref<1x2x128xi32, #tpu.memory_space<hbm>> -> memref<2x128xi32, #tpu.memory_space<hbm>>
      %dma_wait3A_372 = arith.constant 0 : i32
      %dma_wait3A_373 = arith.constant 0 : i32
      %dma_wait3A_374 = tpu.memref_slice %arg6[%dma_wait3A_363, %dma_wait3A_372, %dma_wait3A_373] : memref<4x2x128xi32, #tpu.memory_space<vmem>> -> memref<1x2x128xi32, #tpu.memory_space<vmem>>
      %dma_wait3A_375 = tpu.memref_squeeze %dma_wait3A_374 : memref<1x2x128xi32, #tpu.memory_space<vmem>> -> memref<2x128xi32, #tpu.memory_space<vmem>>
      %dma_wait3A_376 = arith.constant 0 : i32
      %dma_wait3A_377 = arith.constant 0 : i32
      %dma_wait3A_378 = tpu.memref_slice %arg3[%dma_wait3A_362, %dma_wait3A_376, %dma_wait3A_377] : memref<2560x2x128xi32, #tpu.memory_space<hbm>> -> memref<1x2x128xi32, #tpu.memory_space<hbm>>
      %dma_wait3A_379 = tpu.memref_squeeze %dma_wait3A_378 : memref<1x2x128xi32, #tpu.memory_space<hbm>> -> memref<2x128xi32, #tpu.memory_space<hbm>>
      tpu.wait_dma2 semaphore(%arg14 : memref<!tpu.dma_semaphore, #tpu.memory_space<semaphore_mem>>) src(%dma_wait3A_379 : memref<2x128xi32, #tpu.memory_space<hbm>>) dst(%dma_wait3A_375 : memref<2x128xi32, #tpu.memory_space<vmem>>)
      %dma_start3A_380 = arith.constant 3 : i32
      %dma_start3A_381 = arith.constant 0 : i32
      %dma_start3A_382 = arith.constant 1 : i32
      %dma_start3A_383 = arith.constant 0 : i32
      %dma_start3A_384 = arith.constant 0 : i32
      %dma_start3A_385 = tpu.memref_slice %arg7[%dma_start3A_382, %dma_start3A_383, %dma_start3A_384] : memref<2x128x128xf32, #tpu.memory_space<vmem>> -> memref<1x128x128xf32, #tpu.memory_space<vmem>>
      %dma_start3A_386 = tpu.memref_squeeze %dma_start3A_385 : memref<1x128x128xf32, #tpu.memory_space<vmem>> -> memref<128x128xf32, #tpu.memory_space<vmem>>
      %dma_start3A_387 = arith.constant 0 : i32
      %dma_start3A_388 = tpu.memref_slice %arg6[%dma_start3A_380, %dma_start3A_381, %dma_start3A_387] : memref<4x2x128xi32, #tpu.memory_space<vmem>> -> memref<1x1x128xi32, #tpu.memory_space<vmem>>
      %dma_start3A_389 = tpu.memref_squeeze %dma_start3A_388 : memref<1x1x128xi32, #tpu.memory_space<vmem>> -> memref<128xi32, #tpu.memory_space<vmem>>
      %dma_start3A_390 = arith.constant 0 : i32
      %dma_start3A_391 = arith.constant 0 : i32
      %dma_start3A_392 = tpu.memref_slice %arg2[%dma_start3A_390, %dma_start3A_391] : memref<10000x128xf32, #tpu.memory_space<hbm>> -> memref<10000x128xf32, #tpu.memory_space<hbm>>
      tpu.enqueue_indirect_dma source(%dma_start3A_392 : memref<10000x128xf32, #tpu.memory_space<hbm>>) target(%dma_start3A_386 : memref<128x128xf32, #tpu.memory_space<vmem>>) offsets(%dma_start3A_389 : memref<128xi32, #tpu.memory_space<vmem>>) semaphore(%arg10 : memref<!tpu.dma_semaphore, #tpu.memory_space<semaphore_mem>>)
      %add3A_393 = arith.constant 1 : i32
      %add3A_394 = arith.addi %add3A_276, %add3A_393 : i32
      %add3A_395 = arith.constant 4 : i32
      %add3A_396 = arith.addi %add3A_394, %add3A_395 : i32
      %add3A_397 = arith.addi %mul3A_2, %add3A_396 : i32
      %dma_start3A_398 = arith.constant 1 : i32
      %dma_start3A_399 = arith.constant 0 : i32
      %dma_start3A_400 = arith.constant 0 : i32
      %dma_start3A_401 = tpu.memref_slice %arg6[%dma_start3A_398, %dma_start3A_399, %dma_start3A_400] : memref<4x2x128xi32, #tpu.memory_space<vmem>> -> memref<1x2x128xi32, #tpu.memory_space<vmem>>
      %dma_start3A_402 = tpu.memref_squeeze %dma_start3A_401 : memref<1x2x128xi32, #tpu.memory_space<vmem>> -> memref<2x128xi32, #tpu.memory_space<vmem>>
      %dma_start3A_403 = arith.constant 0 : i32
      %dma_start3A_404 = arith.constant 0 : i32
      %dma_start3A_405 = tpu.memref_slice %arg3[%add3A_397, %dma_start3A_403, %dma_start3A_404] : memref<2560x2x128xi32, #tpu.memory_space<hbm>> -> memref<1x2x128xi32, #tpu.memory_space<hbm>>
      %dma_start3A_406 = tpu.memref_squeeze %dma_start3A_405 : memref<1x2x128xi32, #tpu.memory_space<hbm>> -> memref<2x128xi32, #tpu.memory_space<hbm>>
      %dma_start3A_407 = arith.constant 0 : i32
      %dma_start3A_408 = arith.constant 0 : i32
      %dma_start3A_409 = tpu.memref_slice %arg6[%dma_start3A_398, %dma_start3A_407, %dma_start3A_408] : memref<4x2x128xi32, #tpu.memory_space<vmem>> -> memref<1x2x128xi32, #tpu.memory_space<vmem>>
      %dma_start3A_410 = tpu.memref_squeeze %dma_start3A_409 : memref<1x2x128xi32, #tpu.memory_space<vmem>> -> memref<2x128xi32, #tpu.memory_space<vmem>>
      %dma_start3A_411 = arith.constant 0 : i32
      %dma_start3A_412 = arith.constant 0 : i32
      %dma_start3A_413 = tpu.memref_slice %arg3[%add3A_397, %dma_start3A_411, %dma_start3A_412] : memref<2560x2x128xi32, #tpu.memory_space<hbm>> -> memref<1x2x128xi32, #tpu.memory_space<hbm>>
      %dma_start3A_414 = tpu.memref_squeeze %dma_start3A_413 : memref<1x2x128xi32, #tpu.memory_space<hbm>> -> memref<2x128xi32, #tpu.memory_space<hbm>>
      tpu.enqueue_dma source(%dma_start3A_414 : memref<2x128xi32, #tpu.memory_space<hbm>>) target(%dma_start3A_410 : memref<2x128xi32, #tpu.memory_space<vmem>>) target_semaphore(%arg12 : memref<!tpu.dma_semaphore, #tpu.memory_space<semaphore_mem>>)
      %dma_wait3A_415 = arith.constant 2 : i32
      %dma_wait3A_416 = arith.constant 0 : i32
      %dma_wait3A_417 = arith.constant 0 : i32
      %dma_wait3A_418 = arith.constant 0 : i32
      %dma_wait3A_419 = arith.constant 0 : i32
      %dma_wait3A_420 = tpu.memref_slice %arg7[%dma_wait3A_417, %dma_wait3A_418, %dma_wait3A_419] : memref<2x128x128xf32, #tpu.memory_space<vmem>> -> memref<1x128x128xf32, #tpu.memory_space<vmem>>
      %dma_wait3A_421 = tpu.memref_squeeze %dma_wait3A_420 : memref<1x128x128xf32, #tpu.memory_space<vmem>> -> memref<128x128xf32, #tpu.memory_space<vmem>>
      %dma_wait3A_422 = arith.constant 0 : i32
      %dma_wait3A_423 = tpu.memref_slice %arg6[%dma_wait3A_415, %dma_wait3A_416, %dma_wait3A_422] : memref<4x2x128xi32, #tpu.memory_space<vmem>> -> memref<1x1x128xi32, #tpu.memory_space<vmem>>
      %dma_wait3A_424 = tpu.memref_squeeze %dma_wait3A_423 : memref<1x1x128xi32, #tpu.memory_space<vmem>> -> memref<128xi32, #tpu.memory_space<vmem>>
      %dma_wait3A_425 = arith.constant 0 : i32
      %dma_wait3A_426 = arith.constant 0 : i32
      %dma_wait3A_427 = tpu.memref_slice %arg2[%dma_wait3A_425, %dma_wait3A_426] : memref<10000x128xf32, #tpu.memory_space<hbm>> -> memref<10000x128xf32, #tpu.memory_space<hbm>>
      tpu.wait_indirect_dma semaphore(%arg9 : memref<!tpu.dma_semaphore, #tpu.memory_space<semaphore_mem>>) src(%dma_wait3A_427 : memref<10000x128xf32, #tpu.memory_space<hbm>>) dst(%dma_wait3A_421 : memref<128x128xf32, #tpu.memory_space<vmem>>)
      %run_scoped3A_428 = arith.constant 0 : i32
      %run_scoped3A_429 = arith.constant 2 : i32
      %run_scoped3A_430 = arith.constant 1 : i32
      "tpu.region"() ({
        %run_scoped3A_553 = tpu.sem_alloc : memref<!tpu.dma_semaphore, #tpu.memory_space<semaphore_mem>>
        %dma_start3A_554 = arith.constant 0 : i32
        %dma_start3A_555 = arith.constant 0 : i32
        %dma_start3A_556 = tpu.memref_slice %arg7[%run_scoped3A_428, %dma_start3A_554, %dma_start3A_555] : memref<2x128x128xf32, #tpu.memory_space<vmem>> -> memref<1x128x128xf32, #tpu.memory_space<vmem>>
        %dma_start3A_557 = tpu.memref_squeeze %dma_start3A_556 : memref<1x128x128xf32, #tpu.memory_space<vmem>> -> memref<128x128xf32, #tpu.memory_space<vmem>>
        %dma_start3A_558 = arith.constant 0 : i32
        %dma_start3A_559 = tpu.memref_slice %arg6[%run_scoped3A_429, %run_scoped3A_430, %dma_start3A_558] : memref<4x2x128xi32, #tpu.memory_space<vmem>> -> memref<1x1x128xi32, #tpu.memory_space<vmem>>
        %dma_start3A_560 = tpu.memref_squeeze %dma_start3A_559 : memref<1x1x128xi32, #tpu.memory_space<vmem>> -> memref<128xi32, #tpu.memory_space<vmem>>
        %dma_start3A_561 = arith.constant 0 : i32
        %dma_start3A_562 = arith.constant 0 : i32
        %dma_start3A_563 = tpu.memref_slice %arg8[%dma_start3A_561, %dma_start3A_562] : memref<10112x128xf32, #tpu.memory_space<vmem_shared>> -> memref<10112x128xf32, #tpu.memory_space<vmem_shared>>
        tpu.enqueue_indirect_dma source(%dma_start3A_557 : memref<128x128xf32, #tpu.memory_space<vmem>>) target(%dma_start3A_563 : memref<10112x128xf32, #tpu.memory_space<vmem_shared>>) offsets(%dma_start3A_560 : memref<128xi32, #tpu.memory_space<vmem>>) semaphore(%run_scoped3A_553 : memref<!tpu.dma_semaphore, #tpu.memory_space<semaphore_mem>>) {add = true}
        %dma_wait3A_564 = arith.constant 0 : i32
        %dma_wait3A_565 = arith.constant 0 : i32
        %dma_wait3A_566 = tpu.memref_slice %arg7[%run_scoped3A_428, %dma_wait3A_564, %dma_wait3A_565] : memref<2x128x128xf32, #tpu.memory_space<vmem>> -> memref<1x128x128xf32, #tpu.memory_space<vmem>>
        %dma_wait3A_567 = tpu.memref_squeeze %dma_wait3A_566 : memref<1x128x128xf32, #tpu.memory_space<vmem>> -> memref<128x128xf32, #tpu.memory_space<vmem>>
        %dma_wait3A_568 = arith.constant 0 : i32
        %dma_wait3A_569 = tpu.memref_slice %arg6[%run_scoped3A_429, %run_scoped3A_430, %dma_wait3A_568] : memref<4x2x128xi32, #tpu.memory_space<vmem>> -> memref<1x1x128xi32, #tpu.memory_space<vmem>>
        %dma_wait3A_570 = tpu.memref_squeeze %dma_wait3A_569 : memref<1x1x128xi32, #tpu.memory_space<vmem>> -> memref<128xi32, #tpu.memory_space<vmem>>
        %dma_wait3A_571 = arith.constant 0 : i32
        %dma_wait3A_572 = arith.constant 0 : i32
        %dma_wait3A_573 = tpu.memref_slice %arg8[%dma_wait3A_571, %dma_wait3A_572] : memref<10112x128xf32, #tpu.memory_space<vmem_shared>> -> memref<10112x128xf32, #tpu.memory_space<vmem_shared>>
        tpu.wait_indirect_dma semaphore(%run_scoped3A_553 : memref<!tpu.dma_semaphore, #tpu.memory_space<semaphore_mem>>) src(%dma_wait3A_567 : memref<128x128xf32, #tpu.memory_space<vmem>>) dst(%dma_wait3A_573 : memref<10112x128xf32, #tpu.memory_space<vmem_shared>>)
        tpu.yield
      }) : () -> ()
      %dma_wait3A_431 = arith.constant 0 : i32
      %dma_wait3A_432 = arith.constant 0 : i32
      %dma_wait3A_433 = arith.constant 0 : i32
      %dma_wait3A_434 = arith.constant 0 : i32
      %dma_wait3A_435 = tpu.memref_slice %arg6[%dma_wait3A_432, %dma_wait3A_433, %dma_wait3A_434] : memref<4x2x128xi32, #tpu.memory_space<vmem>> -> memref<1x2x128xi32, #tpu.memory_space<vmem>>
      %dma_wait3A_436 = tpu.memref_squeeze %dma_wait3A_435 : memref<1x2x128xi32, #tpu.memory_space<vmem>> -> memref<2x128xi32, #tpu.memory_space<vmem>>
      %dma_wait3A_437 = arith.constant 0 : i32
      %dma_wait3A_438 = arith.constant 0 : i32
      %dma_wait3A_439 = tpu.memref_slice %arg3[%dma_wait3A_431, %dma_wait3A_437, %dma_wait3A_438] : memref<2560x2x128xi32, #tpu.memory_space<hbm>> -> memref<1x2x128xi32, #tpu.memory_space<hbm>>
      %dma_wait3A_440 = tpu.memref_squeeze %dma_wait3A_439 : memref<1x2x128xi32, #tpu.memory_space<hbm>> -> memref<2x128xi32, #tpu.memory_space<hbm>>
      %dma_wait3A_441 = arith.constant 0 : i32
      %dma_wait3A_442 = arith.constant 0 : i32
      %dma_wait3A_443 = tpu.memref_slice %arg6[%dma_wait3A_432, %dma_wait3A_441, %dma_wait3A_442] : memref<4x2x128xi32, #tpu.memory_space<vmem>> -> memref<1x2x128xi32, #tpu.memory_space<vmem>>
      %dma_wait3A_444 = tpu.memref_squeeze %dma_wait3A_443 : memref<1x2x128xi32, #tpu.memory_space<vmem>> -> memref<2x128xi32, #tpu.memory_space<vmem>>
      %dma_wait3A_445 = arith.constant 0 : i32
      %dma_wait3A_446 = arith.constant 0 : i32
      %dma_wait3A_447 = tpu.memref_slice %arg3[%dma_wait3A_431, %dma_wait3A_445, %dma_wait3A_446] : memref<2560x2x128xi32, #tpu.memory_space<hbm>> -> memref<1x2x128xi32, #tpu.memory_space<hbm>>
      %dma_wait3A_448 = tpu.memref_squeeze %dma_wait3A_447 : memref<1x2x128xi32, #tpu.memory_space<hbm>> -> memref<2x128xi32, #tpu.memory_space<hbm>>
      tpu.wait_dma2 semaphore(%arg11 : memref<!tpu.dma_semaphore, #tpu.memory_space<semaphore_mem>>) src(%dma_wait3A_448 : memref<2x128xi32, #tpu.memory_space<hbm>>) dst(%dma_wait3A_444 : memref<2x128xi32, #tpu.memory_space<vmem>>)
      %dma_start3A_449 = arith.constant 0 : i32
      %dma_start3A_450 = arith.constant 0 : i32
      %dma_start3A_451 = arith.constant 0 : i32
      %dma_start3A_452 = arith.constant 0 : i32
      %dma_start3A_453 = arith.constant 0 : i32
      %dma_start3A_454 = tpu.memref_slice %arg7[%dma_start3A_451, %dma_start3A_452, %dma_start3A_453] : memref<2x128x128xf32, #tpu.memory_space<vmem>> -> memref<1x128x128xf32, #tpu.memory_space<vmem>>
      %dma_start3A_455 = tpu.memref_squeeze %dma_start3A_454 : memref<1x128x128xf32, #tpu.memory_space<vmem>> -> memref<128x128xf32, #tpu.memory_space<vmem>>
      %dma_start3A_456 = arith.constant 0 : i32
      %dma_start3A_457 = tpu.memref_slice %arg6[%dma_start3A_449, %dma_start3A_450, %dma_start3A_456] : memref<4x2x128xi32, #tpu.memory_space<vmem>> -> memref<1x1x128xi32, #tpu.memory_space<vmem>>
      %dma_start3A_458 = tpu.memref_squeeze %dma_start3A_457 : memref<1x1x128xi32, #tpu.memory_space<vmem>> -> memref<128xi32, #tpu.memory_space<vmem>>
      %dma_start3A_459 = arith.constant 0 : i32
      %dma_start3A_460 = arith.constant 0 : i32
      %dma_start3A_461 = tpu.memref_slice %arg2[%dma_start3A_459, %dma_start3A_460] : memref<10000x128xf32, #tpu.memory_space<hbm>> -> memref<10000x128xf32, #tpu.memory_space<hbm>>
      tpu.enqueue_indirect_dma source(%dma_start3A_461 : memref<10000x128xf32, #tpu.memory_space<hbm>>) target(%dma_start3A_455 : memref<128x128xf32, #tpu.memory_space<vmem>>) offsets(%dma_start3A_458 : memref<128xi32, #tpu.memory_space<vmem>>) semaphore(%arg9 : memref<!tpu.dma_semaphore, #tpu.memory_space<semaphore_mem>>)
      %add3A_462 = arith.constant 2 : i32
      %add3A_463 = arith.addi %add3A_276, %add3A_462 : i32
      %add3A_464 = arith.constant 4 : i32
      %add3A_465 = arith.addi %add3A_463, %add3A_464 : i32
      %add3A_466 = arith.addi %mul3A_2, %add3A_465 : i32
      %dma_start3A_467 = arith.constant 2 : i32
      %dma_start3A_468 = arith.constant 0 : i32
      %dma_start3A_469 = arith.constant 0 : i32
      %dma_start3A_470 = tpu.memref_slice %arg6[%dma_start3A_467, %dma_start3A_468, %dma_start3A_469] : memref<4x2x128xi32, #tpu.memory_space<vmem>> -> memref<1x2x128xi32, #tpu.memory_space<vmem>>
      %dma_start3A_471 = tpu.memref_squeeze %dma_start3A_470 : memref<1x2x128xi32, #tpu.memory_space<vmem>> -> memref<2x128xi32, #tpu.memory_space<vmem>>
      %dma_start3A_472 = arith.constant 0 : i32
      %dma_start3A_473 = arith.constant 0 : i32
      %dma_start3A_474 = tpu.memref_slice %arg3[%add3A_466, %dma_start3A_472, %dma_start3A_473] : memref<2560x2x128xi32, #tpu.memory_space<hbm>> -> memref<1x2x128xi32, #tpu.memory_space<hbm>>
      %dma_start3A_475 = tpu.memref_squeeze %dma_start3A_474 : memref<1x2x128xi32, #tpu.memory_space<hbm>> -> memref<2x128xi32, #tpu.memory_space<hbm>>
      %dma_start3A_476 = arith.constant 0 : i32
      %dma_start3A_477 = arith.constant 0 : i32
      %dma_start3A_478 = tpu.memref_slice %arg6[%dma_start3A_467, %dma_start3A_476, %dma_start3A_477] : memref<4x2x128xi32, #tpu.memory_space<vmem>> -> memref<1x2x128xi32, #tpu.memory_space<vmem>>
      %dma_start3A_479 = tpu.memref_squeeze %dma_start3A_478 : memref<1x2x128xi32, #tpu.memory_space<vmem>> -> memref<2x128xi32, #tpu.memory_space<vmem>>
      %dma_start3A_480 = arith.constant 0 : i32
      %dma_start3A_481 = arith.constant 0 : i32
      %dma_start3A_482 = tpu.memref_slice %arg3[%add3A_466, %dma_start3A_480, %dma_start3A_481] : memref<2560x2x128xi32, #tpu.memory_space<hbm>> -> memref<1x2x128xi32, #tpu.memory_space<hbm>>
      %dma_start3A_483 = tpu.memref_squeeze %dma_start3A_482 : memref<1x2x128xi32, #tpu.memory_space<hbm>> -> memref<2x128xi32, #tpu.memory_space<hbm>>
      tpu.enqueue_dma source(%dma_start3A_483 : memref<2x128xi32, #tpu.memory_space<hbm>>) target(%dma_start3A_479 : memref<2x128xi32, #tpu.memory_space<vmem>>) target_semaphore(%arg13 : memref<!tpu.dma_semaphore, #tpu.memory_space<semaphore_mem>>)
      %dma_wait3A_484 = arith.constant 3 : i32
      %dma_wait3A_485 = arith.constant 0 : i32
      %dma_wait3A_486 = arith.constant 1 : i32
      %dma_wait3A_487 = arith.constant 0 : i32
      %dma_wait3A_488 = arith.constant 0 : i32
      %dma_wait3A_489 = tpu.memref_slice %arg7[%dma_wait3A_486, %dma_wait3A_487, %dma_wait3A_488] : memref<2x128x128xf32, #tpu.memory_space<vmem>> -> memref<1x128x128xf32, #tpu.memory_space<vmem>>
      %dma_wait3A_490 = tpu.memref_squeeze %dma_wait3A_489 : memref<1x128x128xf32, #tpu.memory_space<vmem>> -> memref<128x128xf32, #tpu.memory_space<vmem>>
      %dma_wait3A_491 = arith.constant 0 : i32
      %dma_wait3A_492 = tpu.memref_slice %arg6[%dma_wait3A_484, %dma_wait3A_485, %dma_wait3A_491] : memref<4x2x128xi32, #tpu.memory_space<vmem>> -> memref<1x1x128xi32, #tpu.memory_space<vmem>>
      %dma_wait3A_493 = tpu.memref_squeeze %dma_wait3A_492 : memref<1x1x128xi32, #tpu.memory_space<vmem>> -> memref<128xi32, #tpu.memory_space<vmem>>
      %dma_wait3A_494 = arith.constant 0 : i32
      %dma_wait3A_495 = arith.constant 0 : i32
      %dma_wait3A_496 = tpu.memref_slice %arg2[%dma_wait3A_494, %dma_wait3A_495] : memref<10000x128xf32, #tpu.memory_space<hbm>> -> memref<10000x128xf32, #tpu.memory_space<hbm>>
      tpu.wait_indirect_dma semaphore(%arg10 : memref<!tpu.dma_semaphore, #tpu.memory_space<semaphore_mem>>) src(%dma_wait3A_496 : memref<10000x128xf32, #tpu.memory_space<hbm>>) dst(%dma_wait3A_490 : memref<128x128xf32, #tpu.memory_space<vmem>>)
      %run_scoped3A_497 = arith.constant 1 : i32
      %run_scoped3A_498 = arith.constant 3 : i32
      %run_scoped3A_499 = arith.constant 1 : i32
      "tpu.region"() ({
        %run_scoped3A_553 = tpu.sem_alloc : memref<!tpu.dma_semaphore, #tpu.memory_space<semaphore_mem>>
        %dma_start3A_554 = arith.constant 0 : i32
        %dma_start3A_555 = arith.constant 0 : i32
        %dma_start3A_556 = tpu.memref_slice %arg7[%run_scoped3A_497, %dma_start3A_554, %dma_start3A_555] : memref<2x128x128xf32, #tpu.memory_space<vmem>> -> memref<1x128x128xf32, #tpu.memory_space<vmem>>
        %dma_start3A_557 = tpu.memref_squeeze %dma_start3A_556 : memref<1x128x128xf32, #tpu.memory_space<vmem>> -> memref<128x128xf32, #tpu.memory_space<vmem>>
        %dma_start3A_558 = arith.constant 0 : i32
        %dma_start3A_559 = tpu.memref_slice %arg6[%run_scoped3A_498, %run_scoped3A_499, %dma_start3A_558] : memref<4x2x128xi32, #tpu.memory_space<vmem>> -> memref<1x1x128xi32, #tpu.memory_space<vmem>>
        %dma_start3A_560 = tpu.memref_squeeze %dma_start3A_559 : memref<1x1x128xi32, #tpu.memory_space<vmem>> -> memref<128xi32, #tpu.memory_space<vmem>>
        %dma_start3A_561 = arith.constant 0 : i32
        %dma_start3A_562 = arith.constant 0 : i32
        %dma_start3A_563 = tpu.memref_slice %arg8[%dma_start3A_561, %dma_start3A_562] : memref<10112x128xf32, #tpu.memory_space<vmem_shared>> -> memref<10112x128xf32, #tpu.memory_space<vmem_shared>>
        tpu.enqueue_indirect_dma source(%dma_start3A_557 : memref<128x128xf32, #tpu.memory_space<vmem>>) target(%dma_start3A_563 : memref<10112x128xf32, #tpu.memory_space<vmem_shared>>) offsets(%dma_start3A_560 : memref<128xi32, #tpu.memory_space<vmem>>) semaphore(%run_scoped3A_553 : memref<!tpu.dma_semaphore, #tpu.memory_space<semaphore_mem>>) {add = true}
        %dma_wait3A_564 = arith.constant 0 : i32
        %dma_wait3A_565 = arith.constant 0 : i32
        %dma_wait3A_566 = tpu.memref_slice %arg7[%run_scoped3A_497, %dma_wait3A_564, %dma_wait3A_565] : memref<2x128x128xf32, #tpu.memory_space<vmem>> -> memref<1x128x128xf32, #tpu.memory_space<vmem>>
        %dma_wait3A_567 = tpu.memref_squeeze %dma_wait3A_566 : memref<1x128x128xf32, #tpu.memory_space<vmem>> -> memref<128x128xf32, #tpu.memory_space<vmem>>
        %dma_wait3A_568 = arith.constant 0 : i32
        %dma_wait3A_569 = tpu.memref_slice %arg6[%run_scoped3A_498, %run_scoped3A_499, %dma_wait3A_568] : memref<4x2x128xi32, #tpu.memory_space<vmem>> -> memref<1x1x128xi32, #tpu.memory_space<vmem>>
        %dma_wait3A_570 = tpu.memref_squeeze %dma_wait3A_569 : memref<1x1x128xi32, #tpu.memory_space<vmem>> -> memref<128xi32, #tpu.memory_space<vmem>>
        %dma_wait3A_571 = arith.constant 0 : i32
        %dma_wait3A_572 = arith.constant 0 : i32
        %dma_wait3A_573 = tpu.memref_slice %arg8[%dma_wait3A_571, %dma_wait3A_572] : memref<10112x128xf32, #tpu.memory_space<vmem_shared>> -> memref<10112x128xf32, #tpu.memory_space<vmem_shared>>
        tpu.wait_indirect_dma semaphore(%run_scoped3A_553 : memref<!tpu.dma_semaphore, #tpu.memory_space<semaphore_mem>>) src(%dma_wait3A_567 : memref<128x128xf32, #tpu.memory_space<vmem>>) dst(%dma_wait3A_573 : memref<10112x128xf32, #tpu.memory_space<vmem_shared>>)
        tpu.yield
      }) : () -> ()
      %dma_wait3A_500 = arith.constant 0 : i32
      %dma_wait3A_501 = arith.constant 1 : i32
      %dma_wait3A_502 = arith.constant 0 : i32
      %dma_wait3A_503 = arith.constant 0 : i32
      %dma_wait3A_504 = tpu.memref_slice %arg6[%dma_wait3A_501, %dma_wait3A_502, %dma_wait3A_503] : memref<4x2x128xi32, #tpu.memory_space<vmem>> -> memref<1x2x128xi32, #tpu.memory_space<vmem>>
      %dma_wait3A_505 = tpu.memref_squeeze %dma_wait3A_504 : memref<1x2x128xi32, #tpu.memory_space<vmem>> -> memref<2x128xi32, #tpu.memory_space<vmem>>
      %dma_wait3A_506 = arith.constant 0 : i32
      %dma_wait3A_507 = arith.constant 0 : i32
      %dma_wait3A_508 = tpu.memref_slice %arg3[%dma_wait3A_500, %dma_wait3A_506, %dma_wait3A_507] : memref<2560x2x128xi32, #tpu.memory_space<hbm>> -> memref<1x2x128xi32, #tpu.memory_space<hbm>>
      %dma_wait3A_509 = tpu.memref_squeeze %dma_wait3A_508 : memref<1x2x128xi32, #tpu.memory_space<hbm>> -> memref<2x128xi32, #tpu.memory_space<hbm>>
      %dma_wait3A_510 = arith.constant 0 : i32
      %dma_wait3A_511 = arith.constant 0 : i32
      %dma_wait3A_512 = tpu.memref_slice %arg6[%dma_wait3A_501, %dma_wait3A_510, %dma_wait3A_511] : memref<4x2x128xi32, #tpu.memory_space<vmem>> -> memref<1x2x128xi32, #tpu.memory_space<vmem>>
      %dma_wait3A_513 = tpu.memref_squeeze %dma_wait3A_512 : memref<1x2x128xi32, #tpu.memory_space<vmem>> -> memref<2x128xi32, #tpu.memory_space<vmem>>
      %dma_wait3A_514 = arith.constant 0 : i32
      %dma_wait3A_515 = arith.constant 0 : i32
      %dma_wait3A_516 = tpu.memref_slice %arg3[%dma_wait3A_500, %dma_wait3A_514, %dma_wait3A_515] : memref<2560x2x128xi32, #tpu.memory_space<hbm>> -> memref<1x2x128xi32, #tpu.memory_space<hbm>>
      %dma_wait3A_517 = tpu.memref_squeeze %dma_wait3A_516 : memref<1x2x128xi32, #tpu.memory_space<hbm>> -> memref<2x128xi32, #tpu.memory_space<hbm>>
      tpu.wait_dma2 semaphore(%arg12 : memref<!tpu.dma_semaphore, #tpu.memory_space<semaphore_mem>>) src(%dma_wait3A_517 : memref<2x128xi32, #tpu.memory_space<hbm>>) dst(%dma_wait3A_513 : memref<2x128xi32, #tpu.memory_space<vmem>>)
      %dma_start3A_518 = arith.constant 1 : i32
      %dma_start3A_519 = arith.constant 0 : i32
      %dma_start3A_520 = arith.constant 1 : i32
      %dma_start3A_521 = arith.constant 0 : i32
      %dma_start3A_522 = arith.constant 0 : i32
      %dma_start3A_523 = tpu.memref_slice %arg7[%dma_start3A_520, %dma_start3A_521, %dma_start3A_522] : memref<2x128x128xf32, #tpu.memory_space<vmem>> -> memref<1x128x128xf32, #tpu.memory_space<vmem>>
      %dma_start3A_524 = tpu.memref_squeeze %dma_start3A_523 : memref<1x128x128xf32, #tpu.memory_space<vmem>> -> memref<128x128xf32, #tpu.memory_space<vmem>>
      %dma_start3A_525 = arith.constant 0 : i32
      %dma_start3A_526 = tpu.memref_slice %arg6[%dma_start3A_518, %dma_start3A_519, %dma_start3A_525] : memref<4x2x128xi32, #tpu.memory_space<vmem>> -> memref<1x1x128xi32, #tpu.memory_space<vmem>>
      %dma_start3A_527 = tpu.memref_squeeze %dma_start3A_526 : memref<1x1x128xi32, #tpu.memory_space<vmem>> -> memref<128xi32, #tpu.memory_space<vmem>>
      %dma_start3A_528 = arith.constant 0 : i32
      %dma_start3A_529 = arith.constant 0 : i32
      %dma_start3A_530 = tpu.memref_slice %arg2[%dma_start3A_528, %dma_start3A_529] : memref<10000x128xf32, #tpu.memory_space<hbm>> -> memref<10000x128xf32, #tpu.memory_space<hbm>>
      tpu.enqueue_indirect_dma source(%dma_start3A_530 : memref<10000x128xf32, #tpu.memory_space<hbm>>) target(%dma_start3A_524 : memref<128x128xf32, #tpu.memory_space<vmem>>) offsets(%dma_start3A_527 : memref<128xi32, #tpu.memory_space<vmem>>) semaphore(%arg10 : memref<!tpu.dma_semaphore, #tpu.memory_space<semaphore_mem>>)
      %add3A_531 = arith.constant 3 : i32
      %add3A_532 = arith.addi %add3A_276, %add3A_531 : i32
      %add3A_533 = arith.constant 4 : i32
      %add3A_534 = arith.addi %add3A_532, %add3A_533 : i32
      %add3A_535 = arith.addi %mul3A_2, %add3A_534 : i32
      %dma_start3A_536 = arith.constant 3 : i32
      %dma_start3A_537 = arith.constant 0 : i32
      %dma_start3A_538 = arith.constant 0 : i32
      %dma_start3A_539 = tpu.memref_slice %arg6[%dma_start3A_536, %dma_start3A_537, %dma_start3A_538] : memref<4x2x128xi32, #tpu.memory_space<vmem>> -> memref<1x2x128xi32, #tpu.memory_space<vmem>>
      %dma_start3A_540 = tpu.memref_squeeze %dma_start3A_539 : memref<1x2x128xi32, #tpu.memory_space<vmem>> -> memref<2x128xi32, #tpu.memory_space<vmem>>
      %dma_start3A_541 = arith.constant 0 : i32
      %dma_start3A_542 = arith.constant 0 : i32
      %dma_start3A_543 = tpu.memref_slice %arg3[%add3A_535, %dma_start3A_541, %dma_start3A_542] : memref<2560x2x128xi32, #tpu.memory_space<hbm>> -> memref<1x2x128xi32, #tpu.memory_space<hbm>>
      %dma_start3A_544 = tpu.memref_squeeze %dma_start3A_543 : memref<1x2x128xi32, #tpu.memory_space<hbm>> -> memref<2x128xi32, #tpu.memory_space<hbm>>
      %dma_start3A_545 = arith.constant 0 : i32
      %dma_start3A_546 = arith.constant 0 : i32
      %dma_start3A_547 = tpu.memref_slice %arg6[%dma_start3A_536, %dma_start3A_545, %dma_start3A_546] : memref<4x2x128xi32, #tpu.memory_space<vmem>> -> memref<1x2x128xi32, #tpu.memory_space<vmem>>
      %dma_start3A_548 = tpu.memref_squeeze %dma_start3A_547 : memref<1x2x128xi32, #tpu.memory_space<vmem>> -> memref<2x128xi32, #tpu.memory_space<vmem>>
      %dma_start3A_549 = arith.constant 0 : i32
      %dma_start3A_550 = arith.constant 0 : i32
      %dma_start3A_551 = tpu.memref_slice %arg3[%add3A_535, %dma_start3A_549, %dma_start3A_550] : memref<2560x2x128xi32, #tpu.memory_space<hbm>> -> memref<1x2x128xi32, #tpu.memory_space<hbm>>
      %dma_start3A_552 = tpu.memref_squeeze %dma_start3A_551 : memref<1x2x128xi32, #tpu.memory_space<hbm>> -> memref<2x128xi32, #tpu.memory_space<hbm>>
      tpu.enqueue_dma source(%dma_start3A_552 : memref<2x128xi32, #tpu.memory_space<hbm>>) target(%dma_start3A_548 : memref<2x128xi32, #tpu.memory_space<vmem>>) target_semaphore(%arg14 : memref<!tpu.dma_semaphore, #tpu.memory_space<semaphore_mem>>)
    }
    %scan3A_145 = arith.constant 19 : i32
    %dma_wait3A_146 = arith.constant 0 : i32
    %dma_wait3A_147 = arith.constant 0 : i32
    %dma_wait3A_148 = arith.constant 0 : i32
    %dma_wait3A_149 = arith.constant 0 : i32
    %dma_wait3A_150 = arith.constant 0 : i32
    %dma_wait3A_151 = tpu.memref_slice %arg7[%dma_wait3A_148, %dma_wait3A_149, %dma_wait3A_150] : memref<2x128x128xf32, #tpu.memory_space<vmem>> -> memref<1x128x128xf32, #tpu.memory_space<vmem>>
    %dma_wait3A_152 = tpu.memref_squeeze %dma_wait3A_151 : memref<1x128x128xf32, #tpu.memory_space<vmem>> -> memref<128x128xf32, #tpu.memory_space<vmem>>
    %dma_wait3A_153 = arith.constant 0 : i32
    %dma_wait3A_154 = tpu.memref_slice %arg6[%dma_wait3A_146, %dma_wait3A_147, %dma_wait3A_153] : memref<4x2x128xi32, #tpu.memory_space<vmem>> -> memref<1x1x128xi32, #tpu.memory_space<vmem>>
    %dma_wait3A_155 = tpu.memref_squeeze %dma_wait3A_154 : memref<1x1x128xi32, #tpu.memory_space<vmem>> -> memref<128xi32, #tpu.memory_space<vmem>>
    %dma_wait3A_156 = arith.constant 0 : i32
    %dma_wait3A_157 = arith.constant 0 : i32
    %dma_wait3A_158 = tpu.memref_slice %arg2[%dma_wait3A_156, %dma_wait3A_157] : memref<10000x128xf32, #tpu.memory_space<hbm>> -> memref<10000x128xf32, #tpu.memory_space<hbm>>
    tpu.wait_indirect_dma semaphore(%arg9 : memref<!tpu.dma_semaphore, #tpu.memory_space<semaphore_mem>>) src(%dma_wait3A_158 : memref<10000x128xf32, #tpu.memory_space<hbm>>) dst(%dma_wait3A_152 : memref<128x128xf32, #tpu.memory_space<vmem>>)
    %run_scoped3A = arith.constant 0 : i32
    %run_scoped3A_159 = arith.constant 0 : i32
    %run_scoped3A_160 = arith.constant 1 : i32
    "tpu.region"() ({
      %run_scoped3A_272 = tpu.sem_alloc : memref<!tpu.dma_semaphore, #tpu.memory_space<semaphore_mem>>
      %dma_start3A_273 = arith.constant 0 : i32
      %dma_start3A_274 = arith.constant 0 : i32
      %dma_start3A_275 = tpu.memref_slice %arg7[%run_scoped3A, %dma_start3A_273, %dma_start3A_274] : memref<2x128x128xf32, #tpu.memory_space<vmem>> -> memref<1x128x128xf32, #tpu.memory_space<vmem>>
      %dma_start3A_276 = tpu.memref_squeeze %dma_start3A_275 : memref<1x128x128xf32, #tpu.memory_space<vmem>> -> memref<128x128xf32, #tpu.memory_space<vmem>>
      %dma_start3A_277 = arith.constant 0 : i32
      %dma_start3A_278 = tpu.memref_slice %arg6[%run_scoped3A_159, %run_scoped3A_160, %dma_start3A_277] : memref<4x2x128xi32, #tpu.memory_space<vmem>> -> memref<1x1x128xi32, #tpu.memory_space<vmem>>
      %dma_start3A_279 = tpu.memref_squeeze %dma_start3A_278 : memref<1x1x128xi32, #tpu.memory_space<vmem>> -> memref<128xi32, #tpu.memory_space<vmem>>
      %dma_start3A_280 = arith.constant 0 : i32
      %dma_start3A_281 = arith.constant 0 : i32
      %dma_start3A_282 = tpu.memref_slice %arg8[%dma_start3A_280, %dma_start3A_281] : memref<10112x128xf32, #tpu.memory_space<vmem_shared>> -> memref<10112x128xf32, #tpu.memory_space<vmem_shared>>
      tpu.enqueue_indirect_dma source(%dma_start3A_276 : memref<128x128xf32, #tpu.memory_space<vmem>>) target(%dma_start3A_282 : memref<10112x128xf32, #tpu.memory_space<vmem_shared>>) offsets(%dma_start3A_279 : memref<128xi32, #tpu.memory_space<vmem>>) semaphore(%run_scoped3A_272 : memref<!tpu.dma_semaphore, #tpu.memory_space<semaphore_mem>>) {add = true}
      %dma_wait3A_283 = arith.constant 0 : i32
      %dma_wait3A_284 = arith.constant 0 : i32
      %dma_wait3A_285 = tpu.memref_slice %arg7[%run_scoped3A, %dma_wait3A_283, %dma_wait3A_284] : memref<2x128x128xf32, #tpu.memory_space<vmem>> -> memref<1x128x128xf32, #tpu.memory_space<vmem>>
      %dma_wait3A_286 = tpu.memref_squeeze %dma_wait3A_285 : memref<1x128x128xf32, #tpu.memory_space<vmem>> -> memref<128x128xf32, #tpu.memory_space<vmem>>
      %dma_wait3A_287 = arith.constant 0 : i32
      %dma_wait3A_288 = tpu.memref_slice %arg6[%run_scoped3A_159, %run_scoped3A_160, %dma_wait3A_287] : memref<4x2x128xi32, #tpu.memory_space<vmem>> -> memref<1x1x128xi32, #tpu.memory_space<vmem>>
      %dma_wait3A_289 = tpu.memref_squeeze %dma_wait3A_288 : memref<1x1x128xi32, #tpu.memory_space<vmem>> -> memref<128xi32, #tpu.memory_space<vmem>>
      %dma_wait3A_290 = arith.constant 0 : i32
      %dma_wait3A_291 = arith.constant 0 : i32
      %dma_wait3A_292 = tpu.memref_slice %arg8[%dma_wait3A_290, %dma_wait3A_291] : memref<10112x128xf32, #tpu.memory_space<vmem_shared>> -> memref<10112x128xf32, #tpu.memory_space<vmem_shared>>
      tpu.wait_indirect_dma semaphore(%run_scoped3A_272 : memref<!tpu.dma_semaphore, #tpu.memory_space<semaphore_mem>>) src(%dma_wait3A_286 : memref<128x128xf32, #tpu.memory_space<vmem>>) dst(%dma_wait3A_292 : memref<10112x128xf32, #tpu.memory_space<vmem_shared>>)
      tpu.yield
    }) : () -> ()
    %dma_wait3A_161 = arith.constant 0 : i32
    %dma_wait3A_162 = arith.constant 2 : i32
    %dma_wait3A_163 = arith.constant 0 : i32
    %dma_wait3A_164 = arith.constant 0 : i32
    %dma_wait3A_165 = tpu.memref_slice %arg6[%dma_wait3A_162, %dma_wait3A_163, %dma_wait3A_164] : memref<4x2x128xi32, #tpu.memory_space<vmem>> -> memref<1x2x128xi32, #tpu.memory_space<vmem>>
    %dma_wait3A_166 = tpu.memref_squeeze %dma_wait3A_165 : memref<1x2x128xi32, #tpu.memory_space<vmem>> -> memref<2x128xi32, #tpu.memory_space<vmem>>
    %dma_wait3A_167 = arith.constant 0 : i32
    %dma_wait3A_168 = arith.constant 0 : i32
    %dma_wait3A_169 = tpu.memref_slice %arg3[%dma_wait3A_161, %dma_wait3A_167, %dma_wait3A_168] : memref<2560x2x128xi32, #tpu.memory_space<hbm>> -> memref<1x2x128xi32, #tpu.memory_space<hbm>>
    %dma_wait3A_170 = tpu.memref_squeeze %dma_wait3A_169 : memref<1x2x128xi32, #tpu.memory_space<hbm>> -> memref<2x128xi32, #tpu.memory_space<hbm>>
    %dma_wait3A_171 = arith.constant 0 : i32
    %dma_wait3A_172 = arith.constant 0 : i32
    %dma_wait3A_173 = tpu.memref_slice %arg6[%dma_wait3A_162, %dma_wait3A_171, %dma_wait3A_172] : memref<4x2x128xi32, #tpu.memory_space<vmem>> -> memref<1x2x128xi32, #tpu.memory_space<vmem>>
    %dma_wait3A_174 = tpu.memref_squeeze %dma_wait3A_173 : memref<1x2x128xi32, #tpu.memory_space<vmem>> -> memref<2x128xi32, #tpu.memory_space<vmem>>
    %dma_wait3A_175 = arith.constant 0 : i32
    %dma_wait3A_176 = arith.constant 0 : i32
    %dma_wait3A_177 = tpu.memref_slice %arg3[%dma_wait3A_161, %dma_wait3A_175, %dma_wait3A_176] : memref<2560x2x128xi32, #tpu.memory_space<hbm>> -> memref<1x2x128xi32, #tpu.memory_space<hbm>>
    %dma_wait3A_178 = tpu.memref_squeeze %dma_wait3A_177 : memref<1x2x128xi32, #tpu.memory_space<hbm>> -> memref<2x128xi32, #tpu.memory_space<hbm>>
    tpu.wait_dma2 semaphore(%arg13 : memref<!tpu.dma_semaphore, #tpu.memory_space<semaphore_mem>>) src(%dma_wait3A_178 : memref<2x128xi32, #tpu.memory_space<hbm>>) dst(%dma_wait3A_174 : memref<2x128xi32, #tpu.memory_space<vmem>>)
    %dma_start3A_179 = arith.constant 2 : i32
    %dma_start3A_180 = arith.constant 0 : i32
    %dma_start3A_181 = arith.constant 0 : i32
    %dma_start3A_182 = arith.constant 0 : i32
    %dma_start3A_183 = arith.constant 0 : i32
    %dma_start3A_184 = tpu.memref_slice %arg7[%dma_start3A_181, %dma_start3A_182, %dma_start3A_183] : memref<2x128x128xf32, #tpu.memory_space<vmem>> -> memref<1x128x128xf32, #tpu.memory_space<vmem>>
    %dma_start3A_185 = tpu.memref_squeeze %dma_start3A_184 : memref<1x128x128xf32, #tpu.memory_space<vmem>> -> memref<128x128xf32, #tpu.memory_space<vmem>>
    %dma_start3A_186 = arith.constant 0 : i32
    %dma_start3A_187 = tpu.memref_slice %arg6[%dma_start3A_179, %dma_start3A_180, %dma_start3A_186] : memref<4x2x128xi32, #tpu.memory_space<vmem>> -> memref<1x1x128xi32, #tpu.memory_space<vmem>>
    %dma_start3A_188 = tpu.memref_squeeze %dma_start3A_187 : memref<1x1x128xi32, #tpu.memory_space<vmem>> -> memref<128xi32, #tpu.memory_space<vmem>>
    %dma_start3A_189 = arith.constant 0 : i32
    %dma_start3A_190 = arith.constant 0 : i32
    %dma_start3A_191 = tpu.memref_slice %arg2[%dma_start3A_189, %dma_start3A_190] : memref<10000x128xf32, #tpu.memory_space<hbm>> -> memref<10000x128xf32, #tpu.memory_space<hbm>>
    tpu.enqueue_indirect_dma source(%dma_start3A_191 : memref<10000x128xf32, #tpu.memory_space<hbm>>) target(%dma_start3A_185 : memref<128x128xf32, #tpu.memory_space<vmem>>) offsets(%dma_start3A_188 : memref<128xi32, #tpu.memory_space<vmem>>) semaphore(%arg9 : memref<!tpu.dma_semaphore, #tpu.memory_space<semaphore_mem>>)
    %dma_wait3A_192 = arith.constant 1 : i32
    %dma_wait3A_193 = arith.constant 0 : i32
    %dma_wait3A_194 = arith.constant 1 : i32
    %dma_wait3A_195 = arith.constant 0 : i32
    %dma_wait3A_196 = arith.constant 0 : i32
    %dma_wait3A_197 = tpu.memref_slice %arg7[%dma_wait3A_194, %dma_wait3A_195, %dma_wait3A_196] : memref<2x128x128xf32, #tpu.memory_space<vmem>> -> memref<1x128x128xf32, #tpu.memory_space<vmem>>
    %dma_wait3A_198 = tpu.memref_squeeze %dma_wait3A_197 : memref<1x128x128xf32, #tpu.memory_space<vmem>> -> memref<128x128xf32, #tpu.memory_space<vmem>>
    %dma_wait3A_199 = arith.constant 0 : i32
    %dma_wait3A_200 = tpu.memref_slice %arg6[%dma_wait3A_192, %dma_wait3A_193, %dma_wait3A_199] : memref<4x2x128xi32, #tpu.memory_space<vmem>> -> memref<1x1x128xi32, #tpu.memory_space<vmem>>
    %dma_wait3A_201 = tpu.memref_squeeze %dma_wait3A_200 : memref<1x1x128xi32, #tpu.memory_space<vmem>> -> memref<128xi32, #tpu.memory_space<vmem>>
    %dma_wait3A_202 = arith.constant 0 : i32
    %dma_wait3A_203 = arith.constant 0 : i32
    %dma_wait3A_204 = tpu.memref_slice %arg2[%dma_wait3A_202, %dma_wait3A_203] : memref<10000x128xf32, #tpu.memory_space<hbm>> -> memref<10000x128xf32, #tpu.memory_space<hbm>>
    tpu.wait_indirect_dma semaphore(%arg10 : memref<!tpu.dma_semaphore, #tpu.memory_space<semaphore_mem>>) src(%dma_wait3A_204 : memref<10000x128xf32, #tpu.memory_space<hbm>>) dst(%dma_wait3A_198 : memref<128x128xf32, #tpu.memory_space<vmem>>)
    %run_scoped3A_205 = arith.constant 1 : i32
    %run_scoped3A_206 = arith.constant 1 : i32
    %run_scoped3A_207 = arith.constant 1 : i32
    "tpu.region"() ({
      %run_scoped3A_272 = tpu.sem_alloc : memref<!tpu.dma_semaphore, #tpu.memory_space<semaphore_mem>>
      %dma_start3A_273 = arith.constant 0 : i32
      %dma_start3A_274 = arith.constant 0 : i32
      %dma_start3A_275 = tpu.memref_slice %arg7[%run_scoped3A_205, %dma_start3A_273, %dma_start3A_274] : memref<2x128x128xf32, #tpu.memory_space<vmem>> -> memref<1x128x128xf32, #tpu.memory_space<vmem>>
      %dma_start3A_276 = tpu.memref_squeeze %dma_start3A_275 : memref<1x128x128xf32, #tpu.memory_space<vmem>> -> memref<128x128xf32, #tpu.memory_space<vmem>>
      %dma_start3A_277 = arith.constant 0 : i32
      %dma_start3A_278 = tpu.memref_slice %arg6[%run_scoped3A_206, %run_scoped3A_207, %dma_start3A_277] : memref<4x2x128xi32, #tpu.memory_space<vmem>> -> memref<1x1x128xi32, #tpu.memory_space<vmem>>
      %dma_start3A_279 = tpu.memref_squeeze %dma_start3A_278 : memref<1x1x128xi32, #tpu.memory_space<vmem>> -> memref<128xi32, #tpu.memory_space<vmem>>
      %dma_start3A_280 = arith.constant 0 : i32
      %dma_start3A_281 = arith.constant 0 : i32
      %dma_start3A_282 = tpu.memref_slice %arg8[%dma_start3A_280, %dma_start3A_281] : memref<10112x128xf32, #tpu.memory_space<vmem_shared>> -> memref<10112x128xf32, #tpu.memory_space<vmem_shared>>
      tpu.enqueue_indirect_dma source(%dma_start3A_276 : memref<128x128xf32, #tpu.memory_space<vmem>>) target(%dma_start3A_282 : memref<10112x128xf32, #tpu.memory_space<vmem_shared>>) offsets(%dma_start3A_279 : memref<128xi32, #tpu.memory_space<vmem>>) semaphore(%run_scoped3A_272 : memref<!tpu.dma_semaphore, #tpu.memory_space<semaphore_mem>>) {add = true}
      %dma_wait3A_283 = arith.constant 0 : i32
      %dma_wait3A_284 = arith.constant 0 : i32
      %dma_wait3A_285 = tpu.memref_slice %arg7[%run_scoped3A_205, %dma_wait3A_283, %dma_wait3A_284] : memref<2x128x128xf32, #tpu.memory_space<vmem>> -> memref<1x128x128xf32, #tpu.memory_space<vmem>>
      %dma_wait3A_286 = tpu.memref_squeeze %dma_wait3A_285 : memref<1x128x128xf32, #tpu.memory_space<vmem>> -> memref<128x128xf32, #tpu.memory_space<vmem>>
      %dma_wait3A_287 = arith.constant 0 : i32
      %dma_wait3A_288 = tpu.memref_slice %arg6[%run_scoped3A_206, %run_scoped3A_207, %dma_wait3A_287] : memref<4x2x128xi32, #tpu.memory_space<vmem>> -> memref<1x1x128xi32, #tpu.memory_space<vmem>>
      %dma_wait3A_289 = tpu.memref_squeeze %dma_wait3A_288 : memref<1x1x128xi32, #tpu.memory_space<vmem>> -> memref<128xi32, #tpu.memory_space<vmem>>
      %dma_wait3A_290 = arith.constant 0 : i32
      %dma_wait3A_291 = arith.constant 0 : i32
      %dma_wait3A_292 = tpu.memref_slice %arg8[%dma_wait3A_290, %dma_wait3A_291] : memref<10112x128xf32, #tpu.memory_space<vmem_shared>> -> memref<10112x128xf32, #tpu.memory_space<vmem_shared>>
      tpu.wait_indirect_dma semaphore(%run_scoped3A_272 : memref<!tpu.dma_semaphore, #tpu.memory_space<semaphore_mem>>) src(%dma_wait3A_286 : memref<128x128xf32, #tpu.memory_space<vmem>>) dst(%dma_wait3A_292 : memref<10112x128xf32, #tpu.memory_space<vmem_shared>>)
      tpu.yield
    }) : () -> ()
    %dma_wait3A_208 = arith.constant 0 : i32
    %dma_wait3A_209 = arith.constant 3 : i32
    %dma_wait3A_210 = arith.constant 0 : i32
    %dma_wait3A_211 = arith.constant 0 : i32
    %dma_wait3A_212 = tpu.memref_slice %arg6[%dma_wait3A_209, %dma_wait3A_210, %dma_wait3A_211] : memref<4x2x128xi32, #tpu.memory_space<vmem>> -> memref<1x2x128xi32, #tpu.memory_space<vmem>>
    %dma_wait3A_213 = tpu.memref_squeeze %dma_wait3A_212 : memref<1x2x128xi32, #tpu.memory_space<vmem>> -> memref<2x128xi32, #tpu.memory_space<vmem>>
    %dma_wait3A_214 = arith.constant 0 : i32
    %dma_wait3A_215 = arith.constant 0 : i32
    %dma_wait3A_216 = tpu.memref_slice %arg3[%dma_wait3A_208, %dma_wait3A_214, %dma_wait3A_215] : memref<2560x2x128xi32, #tpu.memory_space<hbm>> -> memref<1x2x128xi32, #tpu.memory_space<hbm>>
    %dma_wait3A_217 = tpu.memref_squeeze %dma_wait3A_216 : memref<1x2x128xi32, #tpu.memory_space<hbm>> -> memref<2x128xi32, #tpu.memory_space<hbm>>
    %dma_wait3A_218 = arith.constant 0 : i32
    %dma_wait3A_219 = arith.constant 0 : i32
    %dma_wait3A_220 = tpu.memref_slice %arg6[%dma_wait3A_209, %dma_wait3A_218, %dma_wait3A_219] : memref<4x2x128xi32, #tpu.memory_space<vmem>> -> memref<1x2x128xi32, #tpu.memory_space<vmem>>
    %dma_wait3A_221 = tpu.memref_squeeze %dma_wait3A_220 : memref<1x2x128xi32, #tpu.memory_space<vmem>> -> memref<2x128xi32, #tpu.memory_space<vmem>>
    %dma_wait3A_222 = arith.constant 0 : i32
    %dma_wait3A_223 = arith.constant 0 : i32
    %dma_wait3A_224 = tpu.memref_slice %arg3[%dma_wait3A_208, %dma_wait3A_222, %dma_wait3A_223] : memref<2560x2x128xi32, #tpu.memory_space<hbm>> -> memref<1x2x128xi32, #tpu.memory_space<hbm>>
    %dma_wait3A_225 = tpu.memref_squeeze %dma_wait3A_224 : memref<1x2x128xi32, #tpu.memory_space<hbm>> -> memref<2x128xi32, #tpu.memory_space<hbm>>
    tpu.wait_dma2 semaphore(%arg14 : memref<!tpu.dma_semaphore, #tpu.memory_space<semaphore_mem>>) src(%dma_wait3A_225 : memref<2x128xi32, #tpu.memory_space<hbm>>) dst(%dma_wait3A_221 : memref<2x128xi32, #tpu.memory_space<vmem>>)
    %dma_start3A_226 = arith.constant 3 : i32
    %dma_start3A_227 = arith.constant 0 : i32
    %dma_start3A_228 = arith.constant 1 : i32
    %dma_start3A_229 = arith.constant 0 : i32
    %dma_start3A_230 = arith.constant 0 : i32
    %dma_start3A_231 = tpu.memref_slice %arg7[%dma_start3A_228, %dma_start3A_229, %dma_start3A_230] : memref<2x128x128xf32, #tpu.memory_space<vmem>> -> memref<1x128x128xf32, #tpu.memory_space<vmem>>
    %dma_start3A_232 = tpu.memref_squeeze %dma_start3A_231 : memref<1x128x128xf32, #tpu.memory_space<vmem>> -> memref<128x128xf32, #tpu.memory_space<vmem>>
    %dma_start3A_233 = arith.constant 0 : i32
    %dma_start3A_234 = tpu.memref_slice %arg6[%dma_start3A_226, %dma_start3A_227, %dma_start3A_233] : memref<4x2x128xi32, #tpu.memory_space<vmem>> -> memref<1x1x128xi32, #tpu.memory_space<vmem>>
    %dma_start3A_235 = tpu.memref_squeeze %dma_start3A_234 : memref<1x1x128xi32, #tpu.memory_space<vmem>> -> memref<128xi32, #tpu.memory_space<vmem>>
    %dma_start3A_236 = arith.constant 0 : i32
    %dma_start3A_237 = arith.constant 0 : i32
    %dma_start3A_238 = tpu.memref_slice %arg2[%dma_start3A_236, %dma_start3A_237] : memref<10000x128xf32, #tpu.memory_space<hbm>> -> memref<10000x128xf32, #tpu.memory_space<hbm>>
    tpu.enqueue_indirect_dma source(%dma_start3A_238 : memref<10000x128xf32, #tpu.memory_space<hbm>>) target(%dma_start3A_232 : memref<128x128xf32, #tpu.memory_space<vmem>>) offsets(%dma_start3A_235 : memref<128xi32, #tpu.memory_space<vmem>>) semaphore(%arg10 : memref<!tpu.dma_semaphore, #tpu.memory_space<semaphore_mem>>)
    %dma_wait3A_239 = arith.constant 2 : i32
    %dma_wait3A_240 = arith.constant 0 : i32
    %dma_wait3A_241 = arith.constant 0 : i32
    %dma_wait3A_242 = arith.constant 0 : i32
    %dma_wait3A_243 = arith.constant 0 : i32
    %dma_wait3A_244 = tpu.memref_slice %arg7[%dma_wait3A_241, %dma_wait3A_242, %dma_wait3A_243] : memref<2x128x128xf32, #tpu.memory_space<vmem>> -> memref<1x128x128xf32, #tpu.memory_space<vmem>>
    %dma_wait3A_245 = tpu.memref_squeeze %dma_wait3A_244 : memref<1x128x128xf32, #tpu.memory_space<vmem>> -> memref<128x128xf32, #tpu.memory_space<vmem>>
    %dma_wait3A_246 = arith.constant 0 : i32
    %dma_wait3A_247 = tpu.memref_slice %arg6[%dma_wait3A_239, %dma_wait3A_240, %dma_wait3A_246] : memref<4x2x128xi32, #tpu.memory_space<vmem>> -> memref<1x1x128xi32, #tpu.memory_space<vmem>>
    %dma_wait3A_248 = tpu.memref_squeeze %dma_wait3A_247 : memref<1x1x128xi32, #tpu.memory_space<vmem>> -> memref<128xi32, #tpu.memory_space<vmem>>
    %dma_wait3A_249 = arith.constant 0 : i32
    %dma_wait3A_250 = arith.constant 0 : i32
    %dma_wait3A_251 = tpu.memref_slice %arg2[%dma_wait3A_249, %dma_wait3A_250] : memref<10000x128xf32, #tpu.memory_space<hbm>> -> memref<10000x128xf32, #tpu.memory_space<hbm>>
    tpu.wait_indirect_dma semaphore(%arg9 : memref<!tpu.dma_semaphore, #tpu.memory_space<semaphore_mem>>) src(%dma_wait3A_251 : memref<10000x128xf32, #tpu.memory_space<hbm>>) dst(%dma_wait3A_245 : memref<128x128xf32, #tpu.memory_space<vmem>>)
    %run_scoped3A_252 = arith.constant 0 : i32
    %run_scoped3A_253 = arith.constant 2 : i32
    %run_scoped3A_254 = arith.constant 1 : i32
    "tpu.region"() ({
      %run_scoped3A_272 = tpu.sem_alloc : memref<!tpu.dma_semaphore, #tpu.memory_space<semaphore_mem>>
      %dma_start3A_273 = arith.constant 0 : i32
      %dma_start3A_274 = arith.constant 0 : i32
      %dma_start3A_275 = tpu.memref_slice %arg7[%run_scoped3A_252, %dma_start3A_273, %dma_start3A_274] : memref<2x128x128xf32, #tpu.memory_space<vmem>> -> memref<1x128x128xf32, #tpu.memory_space<vmem>>
      %dma_start3A_276 = tpu.memref_squeeze %dma_start3A_275 : memref<1x128x128xf32, #tpu.memory_space<vmem>> -> memref<128x128xf32, #tpu.memory_space<vmem>>
      %dma_start3A_277 = arith.constant 0 : i32
      %dma_start3A_278 = tpu.memref_slice %arg6[%run_scoped3A_253, %run_scoped3A_254, %dma_start3A_277] : memref<4x2x128xi32, #tpu.memory_space<vmem>> -> memref<1x1x128xi32, #tpu.memory_space<vmem>>
      %dma_start3A_279 = tpu.memref_squeeze %dma_start3A_278 : memref<1x1x128xi32, #tpu.memory_space<vmem>> -> memref<128xi32, #tpu.memory_space<vmem>>
      %dma_start3A_280 = arith.constant 0 : i32
      %dma_start3A_281 = arith.constant 0 : i32
      %dma_start3A_282 = tpu.memref_slice %arg8[%dma_start3A_280, %dma_start3A_281] : memref<10112x128xf32, #tpu.memory_space<vmem_shared>> -> memref<10112x128xf32, #tpu.memory_space<vmem_shared>>
      tpu.enqueue_indirect_dma source(%dma_start3A_276 : memref<128x128xf32, #tpu.memory_space<vmem>>) target(%dma_start3A_282 : memref<10112x128xf32, #tpu.memory_space<vmem_shared>>) offsets(%dma_start3A_279 : memref<128xi32, #tpu.memory_space<vmem>>) semaphore(%run_scoped3A_272 : memref<!tpu.dma_semaphore, #tpu.memory_space<semaphore_mem>>) {add = true}
      %dma_wait3A_283 = arith.constant 0 : i32
      %dma_wait3A_284 = arith.constant 0 : i32
      %dma_wait3A_285 = tpu.memref_slice %arg7[%run_scoped3A_252, %dma_wait3A_283, %dma_wait3A_284] : memref<2x128x128xf32, #tpu.memory_space<vmem>> -> memref<1x128x128xf32, #tpu.memory_space<vmem>>
      %dma_wait3A_286 = tpu.memref_squeeze %dma_wait3A_285 : memref<1x128x128xf32, #tpu.memory_space<vmem>> -> memref<128x128xf32, #tpu.memory_space<vmem>>
      %dma_wait3A_287 = arith.constant 0 : i32
      %dma_wait3A_288 = tpu.memref_slice %arg6[%run_scoped3A_253, %run_scoped3A_254, %dma_wait3A_287] : memref<4x2x128xi32, #tpu.memory_space<vmem>> -> memref<1x1x128xi32, #tpu.memory_space<vmem>>
      %dma_wait3A_289 = tpu.memref_squeeze %dma_wait3A_288 : memref<1x1x128xi32, #tpu.memory_space<vmem>> -> memref<128xi32, #tpu.memory_space<vmem>>
      %dma_wait3A_290 = arith.constant 0 : i32
      %dma_wait3A_291 = arith.constant 0 : i32
      %dma_wait3A_292 = tpu.memref_slice %arg8[%dma_wait3A_290, %dma_wait3A_291] : memref<10112x128xf32, #tpu.memory_space<vmem_shared>> -> memref<10112x128xf32, #tpu.memory_space<vmem_shared>>
      tpu.wait_indirect_dma semaphore(%run_scoped3A_272 : memref<!tpu.dma_semaphore, #tpu.memory_space<semaphore_mem>>) src(%dma_wait3A_286 : memref<128x128xf32, #tpu.memory_space<vmem>>) dst(%dma_wait3A_292 : memref<10112x128xf32, #tpu.memory_space<vmem_shared>>)
      tpu.yield
    }) : () -> ()
    %dma_wait3A_255 = arith.constant 3 : i32
    %dma_wait3A_256 = arith.constant 0 : i32
    %dma_wait3A_257 = arith.constant 1 : i32
    %dma_wait3A_258 = arith.constant 0 : i32
    %dma_wait3A_259 = arith.constant 0 : i32
    %dma_wait3A_260 = tpu.memref_slice %arg7[%dma_wait3A_257, %dma_wait3A_258, %dma_wait3A_259] : memref<2x128x128xf32, #tpu.memory_space<vmem>> -> memref<1x128x128xf32, #tpu.memory_space<vmem>>
    %dma_wait3A_261 = tpu.memref_squeeze %dma_wait3A_260 : memref<1x128x128xf32, #tpu.memory_space<vmem>> -> memref<128x128xf32, #tpu.memory_space<vmem>>
    %dma_wait3A_262 = arith.constant 0 : i32
    %dma_wait3A_263 = tpu.memref_slice %arg6[%dma_wait3A_255, %dma_wait3A_256, %dma_wait3A_262] : memref<4x2x128xi32, #tpu.memory_space<vmem>> -> memref<1x1x128xi32, #tpu.memory_space<vmem>>
    %dma_wait3A_264 = tpu.memref_squeeze %dma_wait3A_263 : memref<1x1x128xi32, #tpu.memory_space<vmem>> -> memref<128xi32, #tpu.memory_space<vmem>>
    %dma_wait3A_265 = arith.constant 0 : i32
    %dma_wait3A_266 = arith.constant 0 : i32
    %dma_wait3A_267 = tpu.memref_slice %arg2[%dma_wait3A_265, %dma_wait3A_266] : memref<10000x128xf32, #tpu.memory_space<hbm>> -> memref<10000x128xf32, #tpu.memory_space<hbm>>
    tpu.wait_indirect_dma semaphore(%arg10 : memref<!tpu.dma_semaphore, #tpu.memory_space<semaphore_mem>>) src(%dma_wait3A_267 : memref<10000x128xf32, #tpu.memory_space<hbm>>) dst(%dma_wait3A_261 : memref<128x128xf32, #tpu.memory_space<vmem>>)
    %run_scoped3A_268 = arith.constant 1 : i32
    %run_scoped3A_269 = arith.constant 3 : i32
    %run_scoped3A_270 = arith.constant 1 : i32
    "tpu.region"() ({
      %run_scoped3A_272 = tpu.sem_alloc : memref<!tpu.dma_semaphore, #tpu.memory_space<semaphore_mem>>
      %dma_start3A_273 = arith.constant 0 : i32
      %dma_start3A_274 = arith.constant 0 : i32
      %dma_start3A_275 = tpu.memref_slice %arg7[%run_scoped3A_268, %dma_start3A_273, %dma_start3A_274] : memref<2x128x128xf32, #tpu.memory_space<vmem>> -> memref<1x128x128xf32, #tpu.memory_space<vmem>>
      %dma_start3A_276 = tpu.memref_squeeze %dma_start3A_275 : memref<1x128x128xf32, #tpu.memory_space<vmem>> -> memref<128x128xf32, #tpu.memory_space<vmem>>
      %dma_start3A_277 = arith.constant 0 : i32
      %dma_start3A_278 = tpu.memref_slice %arg6[%run_scoped3A_269, %run_scoped3A_270, %dma_start3A_277] : memref<4x2x128xi32, #tpu.memory_space<vmem>> -> memref<1x1x128xi32, #tpu.memory_space<vmem>>
      %dma_start3A_279 = tpu.memref_squeeze %dma_start3A_278 : memref<1x1x128xi32, #tpu.memory_space<vmem>> -> memref<128xi32, #tpu.memory_space<vmem>>
      %dma_start3A_280 = arith.constant 0 : i32
      %dma_start3A_281 = arith.constant 0 : i32
      %dma_start3A_282 = tpu.memref_slice %arg8[%dma_start3A_280, %dma_start3A_281] : memref<10112x128xf32, #tpu.memory_space<vmem_shared>> -> memref<10112x128xf32, #tpu.memory_space<vmem_shared>>
      tpu.enqueue_indirect_dma source(%dma_start3A_276 : memref<128x128xf32, #tpu.memory_space<vmem>>) target(%dma_start3A_282 : memref<10112x128xf32, #tpu.memory_space<vmem_shared>>) offsets(%dma_start3A_279 : memref<128xi32, #tpu.memory_space<vmem>>) semaphore(%run_scoped3A_272 : memref<!tpu.dma_semaphore, #tpu.memory_space<semaphore_mem>>) {add = true}
      %dma_wait3A_283 = arith.constant 0 : i32
      %dma_wait3A_284 = arith.constant 0 : i32
      %dma_wait3A_285 = tpu.memref_slice %arg7[%run_scoped3A_268, %dma_wait3A_283, %dma_wait3A_284] : memref<2x128x128xf32, #tpu.memory_space<vmem>> -> memref<1x128x128xf32, #tpu.memory_space<vmem>>
      %dma_wait3A_286 = tpu.memref_squeeze %dma_wait3A_285 : memref<1x128x128xf32, #tpu.memory_space<vmem>> -> memref<128x128xf32, #tpu.memory_space<vmem>>
      %dma_wait3A_287 = arith.constant 0 : i32
      %dma_wait3A_288 = tpu.memref_slice %arg6[%run_scoped3A_269, %run_scoped3A_270, %dma_wait3A_287] : memref<4x2x128xi32, #tpu.memory_space<vmem>> -> memref<1x1x128xi32, #tpu.memory_space<vmem>>
      %dma_wait3A_289 = tpu.memref_squeeze %dma_wait3A_288 : memref<1x1x128xi32, #tpu.memory_space<vmem>> -> memref<128xi32, #tpu.memory_space<vmem>>
      %dma_wait3A_290 = arith.constant 0 : i32
      %dma_wait3A_291 = arith.constant 0 : i32
      %dma_wait3A_292 = tpu.memref_slice %arg8[%dma_wait3A_290, %dma_wait3A_291] : memref<10112x128xf32, #tpu.memory_space<vmem_shared>> -> memref<10112x128xf32, #tpu.memory_space<vmem_shared>>
      tpu.wait_indirect_dma semaphore(%run_scoped3A_272 : memref<!tpu.dma_semaphore, #tpu.memory_space<semaphore_mem>>) src(%dma_wait3A_286 : memref<128x128xf32, #tpu.memory_space<vmem>>) dst(%dma_wait3A_292 : memref<10112x128xf32, #tpu.memory_space<vmem_shared>>)
      tpu.yield
    }) : () -> ()
    %barrier3A_271 = arith.constant 0 : index
    tpu.barrier barrier_id(%barrier3A_271)
    "tpu.region"() ({
      %run_scoped3A_272 = tpu.sem_alloc : memref<!tpu.dma_semaphore, #tpu.memory_space<semaphore_mem>>
      %dma_start3A_273 = arith.constant 0 : i32
      %dma_start3A_274 = tpu.memref_slice %arg5[%arg0, %mul3A_4, %dma_start3A_273] : memref<2x10112x128xf32, #tpu.memory_space<hbm>> -> memref<1x632x128xf32, #tpu.memory_space<hbm>>
      %dma_start3A_275 = tpu.memref_squeeze %dma_start3A_274 : memref<1x632x128xf32, #tpu.memory_space<hbm>> -> memref<632x128xf32, #tpu.memory_space<hbm>>
      %dma_start3A_276 = arith.constant 0 : i32
      %dma_start3A_277 = tpu.memref_slice %arg8[%mul3A_4, %dma_start3A_276] : memref<10112x128xf32, #tpu.memory_space<vmem_shared>> -> memref<632x128xf32, #tpu.memory_space<vmem_shared>>
      tpu.enqueue_dma source(%dma_start3A_277 : memref<632x128xf32, #tpu.memory_space<vmem_shared>>) target(%dma_start3A_275 : memref<632x128xf32, #tpu.memory_space<hbm>>) target_semaphore(%run_scoped3A_272 : memref<!tpu.dma_semaphore, #tpu.memory_space<semaphore_mem>>)
      %dma_wait3A_278 = arith.constant 0 : i32
      %dma_wait3A_279 = tpu.memref_slice %arg5[%arg0, %mul3A_4, %dma_wait3A_278] : memref<2x10112x128xf32, #tpu.memory_space<hbm>> -> memref<1x632x128xf32, #tpu.memory_space<hbm>>
      %dma_wait3A_280 = tpu.memref_squeeze %dma_wait3A_279 : memref<1x632x128xf32, #tpu.memory_space<hbm>> -> memref<632x128xf32, #tpu.memory_space<hbm>>
      %dma_wait3A_281 = arith.constant 0 : i32
      %dma_wait3A_282 = tpu.memref_slice %arg8[%mul3A_4, %dma_wait3A_281] : memref<10112x128xf32, #tpu.memory_space<vmem_shared>> -> memref<632x128xf32, #tpu.memory_space<vmem_shared>>
      tpu.wait_dma2 semaphore(%run_scoped3A_272 : memref<!tpu.dma_semaphore, #tpu.memory_space<semaphore_mem>>) src(%dma_wait3A_282 : memref<632x128xf32, #tpu.memory_space<vmem_shared>>) dst(%dma_wait3A_280 : memref<632x128xf32, #tpu.memory_space<hbm>>)
      tpu.yield
    }) : () -> ()
    return
  }
}

#map = affine_map<(d0, d1) -> (0)>
module attributes {stable_mosaic.version = 14 : i64} {
  func.func @edge_predict(%arg0: i32, %arg1: i32, %arg2: memref<10000xf32, #tpu.memory_space<hbm>>, %arg3: memref<10000xf32, #tpu.memory_space<hbm>>, %arg4: memref<320000xi32, #tpu.memory_space<hbm>>, %arg5: memref<320000xi32, #tpu.memory_space<hbm>>, %arg6: memref<320000xf32, #tpu.memory_space<hbm>>, %arg7: memref<10000xf32, #tpu.memory_space<vmem>>, %arg8: memref<10000xf32, #tpu.memory_space<vmem>>, %arg9: memref<10000xi32, #tpu.memory_space<vmem>>, %arg10: memref<10000xi32, #tpu.memory_space<vmem>>, %arg11: memref<10000xf32, #tpu.memory_space<vmem>>) attributes {dimension_semantics = [#tpu.dimension_semantics<core_parallel>, #tpu.dimension_semantics<subcore_parallel>], iteration_bounds = array<i64: 2, 16>, scalar_prefetch = 0 : i64, scratch_operands = 5 : i64, tpu.core_type = #tpu.core_type<sc_vector_subcore>, window_params = [{transform_indices = #map}, {transform_indices = #map}, {transform_indices = #map}, {transform_indices = #map}, {transform_indices = #map}]} {
    %mul3A = arith.constant 16 : i32
    %mul3A_0 = arith.muli %arg0, %mul3A : i32
    %add3A = arith.addi %mul3A_0, %arg1 : i32
    %mul3A_1 = arith.constant 10000 : i32
    %mul3A_2 = arith.muli %add3A, %mul3A_1 : i32
    "tpu.region"() ({
      %run_scoped3A = tpu.sem_alloc : memref<!tpu.dma_semaphore, #tpu.memory_space<semaphore_mem>>
      tpu.enqueue_dma source(%arg2 : memref<10000xf32, #tpu.memory_space<hbm>>) target(%arg7 : memref<10000xf32, #tpu.memory_space<vmem>>) target_semaphore(%run_scoped3A : memref<!tpu.dma_semaphore, #tpu.memory_space<semaphore_mem>>)
      tpu.wait_dma2 semaphore(%run_scoped3A : memref<!tpu.dma_semaphore, #tpu.memory_space<semaphore_mem>>) src(%arg2 : memref<10000xf32, #tpu.memory_space<hbm>>) dst(%arg7 : memref<10000xf32, #tpu.memory_space<vmem>>)
      tpu.yield
    }) : () -> ()
    "tpu.region"() ({
      %run_scoped3A = tpu.sem_alloc : memref<!tpu.dma_semaphore, #tpu.memory_space<semaphore_mem>>
      tpu.enqueue_dma source(%arg3 : memref<10000xf32, #tpu.memory_space<hbm>>) target(%arg8 : memref<10000xf32, #tpu.memory_space<vmem>>) target_semaphore(%run_scoped3A : memref<!tpu.dma_semaphore, #tpu.memory_space<semaphore_mem>>)
      tpu.wait_dma2 semaphore(%run_scoped3A : memref<!tpu.dma_semaphore, #tpu.memory_space<semaphore_mem>>) src(%arg3 : memref<10000xf32, #tpu.memory_space<hbm>>) dst(%arg8 : memref<10000xf32, #tpu.memory_space<vmem>>)
      tpu.yield
    }) : () -> ()
    "tpu.region"() ({
      %run_scoped3A = tpu.sem_alloc : memref<!tpu.dma_semaphore, #tpu.memory_space<semaphore_mem>>
      %dma_start3A = tpu.memref_slice %arg4[%mul3A_2] : memref<320000xi32, #tpu.memory_space<hbm>> -> memref<10000xi32, #tpu.memory_space<hbm>>
      %dma_start3A_7 = tpu.memref_slice %arg4[%mul3A_2] : memref<320000xi32, #tpu.memory_space<hbm>> -> memref<10000xi32, #tpu.memory_space<hbm>>
      tpu.enqueue_dma source(%dma_start3A_7 : memref<10000xi32, #tpu.memory_space<hbm>>) target(%arg9 : memref<10000xi32, #tpu.memory_space<vmem>>) target_semaphore(%run_scoped3A : memref<!tpu.dma_semaphore, #tpu.memory_space<semaphore_mem>>)
      %dma_wait3A = tpu.memref_slice %arg4[%mul3A_2] : memref<320000xi32, #tpu.memory_space<hbm>> -> memref<10000xi32, #tpu.memory_space<hbm>>
      %dma_wait3A_8 = tpu.memref_slice %arg4[%mul3A_2] : memref<320000xi32, #tpu.memory_space<hbm>> -> memref<10000xi32, #tpu.memory_space<hbm>>
      tpu.wait_dma2 semaphore(%run_scoped3A : memref<!tpu.dma_semaphore, #tpu.memory_space<semaphore_mem>>) src(%dma_wait3A_8 : memref<10000xi32, #tpu.memory_space<hbm>>) dst(%arg9 : memref<10000xi32, #tpu.memory_space<vmem>>)
      tpu.yield
    }) : () -> ()
    "tpu.region"() ({
      %run_scoped3A = tpu.sem_alloc : memref<!tpu.dma_semaphore, #tpu.memory_space<semaphore_mem>>
      %dma_start3A = tpu.memref_slice %arg5[%mul3A_2] : memref<320000xi32, #tpu.memory_space<hbm>> -> memref<10000xi32, #tpu.memory_space<hbm>>
      %dma_start3A_7 = tpu.memref_slice %arg5[%mul3A_2] : memref<320000xi32, #tpu.memory_space<hbm>> -> memref<10000xi32, #tpu.memory_space<hbm>>
      tpu.enqueue_dma source(%dma_start3A_7 : memref<10000xi32, #tpu.memory_space<hbm>>) target(%arg10 : memref<10000xi32, #tpu.memory_space<vmem>>) target_semaphore(%run_scoped3A : memref<!tpu.dma_semaphore, #tpu.memory_space<semaphore_mem>>)
      %dma_wait3A = tpu.memref_slice %arg5[%mul3A_2] : memref<320000xi32, #tpu.memory_space<hbm>> -> memref<10000xi32, #tpu.memory_space<hbm>>
      %dma_wait3A_8 = tpu.memref_slice %arg5[%mul3A_2] : memref<320000xi32, #tpu.memory_space<hbm>> -> memref<10000xi32, #tpu.memory_space<hbm>>
      tpu.wait_dma2 semaphore(%run_scoped3A : memref<!tpu.dma_semaphore, #tpu.memory_space<semaphore_mem>>) src(%dma_wait3A_8 : memref<10000xi32, #tpu.memory_space<hbm>>) dst(%arg10 : memref<10000xi32, #tpu.memory_space<vmem>>)
      tpu.yield
    }) : () -> ()
    %scan3A = arith.constant 0 : i32
    %scan3A_3 = arith.constant 625 : i32
    %scan3A_4 = arith.addi %scan3A, %scan3A_3 : i32
    %scan3A_5 = arith.constant 1 : i32
    scf.for %scan3A_7 = %scan3A to %scan3A_4 step %scan3A_5  : i32 {
      %mul3A_8 = arith.constant 16 : i32
      %mul3A_9 = arith.muli %scan3A_7, %mul3A_8 : i32
      %add3A_10 = arith.constant 0 : i32
      %add3A_11 = arith.addi %add3A_10, %mul3A_9 : i32
      %get3A = arith.index_cast %add3A_11 : i32 to index
      %get3A_12 = tpu.vector_load %arg9[%get3A] {strides = array<i32>} : memref<10000xi32, #tpu.memory_space<vmem>>, vector<16xi32>,
      %get3A_13 = arith.index_cast %add3A_11 : i32 to index
      %get3A_14 = tpu.vector_load %arg10[%get3A_13] {strides = array<i32>} : memref<10000xi32, #tpu.memory_space<vmem>>, vector<16xi32>,
      %gather3A = tpu.vector_load_idx %arg7[%get3A_12] : memref<10000xf32, #tpu.memory_space<vmem>>[vector<16xi32>], vector<16xf32>,
      %gather3A_15 = tpu.vector_load_idx %arg8[%get3A_14] : memref<10000xf32, #tpu.memory_space<vmem>>[vector<16xi32>], vector<16xf32>,
      %add3A_16 = arith.addf %gather3A, %gather3A_15 : vector<16xf32>
      %swap3A = arith.index_cast %add3A_11 : i32 to index
      %swap3A_17 = tpu.vector_load %arg11[%swap3A] {strides = array<i32>} : memref<10000xf32, #tpu.memory_space<vmem>>, vector<16xf32>,
      tpu.vector_store %arg11[%swap3A], %add3A_16 {strides = array<i32>} : memref<10000xf32, #tpu.memory_space<vmem>>, vector<16xf32>,
    }
    %scan3A_6 = arith.constant 625 : i32
    "tpu.region"() ({
      %run_scoped3A = tpu.sem_alloc : memref<!tpu.dma_semaphore, #tpu.memory_space<semaphore_mem>>
      %dma_start3A = tpu.memref_slice %arg6[%mul3A_2] : memref<320000xf32, #tpu.memory_space<hbm>> -> memref<10000xf32, #tpu.memory_space<hbm>>
      %dma_start3A_7 = tpu.memref_slice %arg6[%mul3A_2] : memref<320000xf32, #tpu.memory_space<hbm>> -> memref<10000xf32, #tpu.memory_space<hbm>>
      tpu.enqueue_dma source(%arg11 : memref<10000xf32, #tpu.memory_space<vmem>>) target(%dma_start3A_7 : memref<10000xf32, #tpu.memory_space<hbm>>) target_semaphore(%run_scoped3A : memref<!tpu.dma_semaphore, #tpu.memory_space<semaphore_mem>>)
      %dma_wait3A = tpu.memref_slice %arg6[%mul3A_2] : memref<320000xf32, #tpu.memory_space<hbm>> -> memref<10000xf32, #tpu.memory_space<hbm>>
      %dma_wait3A_8 = tpu.memref_slice %arg6[%mul3A_2] : memref<320000xf32, #tpu.memory_space<hbm>> -> memref<10000xf32, #tpu.memory_space<hbm>>
      tpu.wait_dma2 semaphore(%run_scoped3A : memref<!tpu.dma_semaphore, #tpu.memory_space<semaphore_mem>>) src(%arg11 : memref<10000xf32, #tpu.memory_space<vmem>>) dst(%dma_wait3A_8 : memref<10000xf32, #tpu.memory_space<hbm>>)
      tpu.yield
    }) : () -> ()
    return
  }
}

module attributes {stable_mosaic.version = 14 : i64} {
  func.func @_layer_body(%arg0: i32, %arg1: memref<400x128xf32, #tpu.memory_space<vmem>>, %arg2: memref<1x400x128xf32, #tpu.memory_space<vmem>>, %arg3: memref<1x400x128xf32, #tpu.memory_space<vmem>>, %arg4: memref<400x32xf32, #tpu.memory_space<vmem>>, %arg5: memref<128x256xf32, #tpu.memory_space<vmem>>, %arg6: memref<128x256xf32, #tpu.memory_space<vmem>>, %arg7: memref<1x256xf32, #tpu.memory_space<vmem>>, %arg8: memref<256x128xf32, #tpu.memory_space<vmem>>, %arg9: memref<256x128xf32, #tpu.memory_space<vmem>>, %arg10: memref<1x128xf32, #tpu.memory_space<vmem>>, %arg11: memref<400x128xf32, #tpu.memory_space<vmem>>, %arg12: memref<400x128xf32, #tpu.memory_space<vmem>>) attributes {dimension_semantics = [#tpu.dimension_semantics<arbitrary>], iteration_bounds = array<i64: 25>, scalar_prefetch = 0 : i64, scratch_operands = 0 : i64, tpu.core_type = #tpu.core_type<tc>, window_params = [{transform_indices = @transform_0, window_bounds = array<i64: 400, 128>}, {transform_indices = @transform_1, window_bounds = array<i64: 1, 400, 128>}, {transform_indices = @transform_2, window_bounds = array<i64: 1, 400, 128>}, {transform_indices = @transform_3, window_bounds = array<i64: 400, 32>}, {pipeline_mode = #tpu.pipeline_mode<synchronous>, transform_indices = @transform_4, window_bounds = array<i64: 128, 256>}, {pipeline_mode = #tpu.pipeline_mode<synchronous>, transform_indices = @transform_5, window_bounds = array<i64: 128, 256>}, {pipeline_mode = #tpu.pipeline_mode<synchronous>, transform_indices = @transform_6, window_bounds = array<i64: 1, 256>}, {pipeline_mode = #tpu.pipeline_mode<synchronous>, transform_indices = @transform_7, window_bounds = array<i64: 256, 128>}, {pipeline_mode = #tpu.pipeline_mode<synchronous>, transform_indices = @transform_8, window_bounds = array<i64: 256, 128>}, {pipeline_mode = #tpu.pipeline_mode<synchronous>, transform_indices = @transform_9, window_bounds = array<i64: 1, 128>}, {transform_indices = @transform_10, window_bounds = array<i64: 400, 128>}, {transform_indices = @transform_11, window_bounds = array<i64: 400, 128>}]} {
    %get3A = arith.constant 0 : index
    %get3A_0 = arith.constant 0 : index
    %get3A_1 = arith.constant 0 : index
    %get3A_2 = vector.load %arg2[%get3A, %get3A_0, %get3A_1] : memref<1x400x128xf32, #tpu.memory_space<vmem>>, vector<1x400x128xf32>
    %get3A_3 = vector.shape_cast %get3A_2 : vector<1x400x128xf32> to vector<400x128xf32>
    %get3A_4 = arith.constant 0 : index
    %get3A_5 = arith.constant 0 : index
    %get3A_6 = arith.constant 0 : index
    %get3A_7 = vector.load %arg3[%get3A_4, %get3A_5, %get3A_6] : memref<1x400x128xf32, #tpu.memory_space<vmem>>, vector<1x400x128xf32>
    %get3A_8 = vector.shape_cast %get3A_7 : vector<1x400x128xf32> to vector<400x128xf32>
    %add3A = arith.addf %get3A_3, %get3A_8 : vector<400x128xf32>
    %get3A_9 = arith.constant 0 : index
    %get3A_10 = arith.constant 0 : index
    %get3A_11 = vector.load %arg4[%get3A_9, %get3A_10] : memref<400x32xf32, #tpu.memory_space<vmem>>, vector<400x32xf32>
    %reduce_sum3A = arith.constant dense<0.000000e+00> : vector<400xf32>
    %reduce_sum3A_12 = vector.multi_reduction <add>, %get3A_11, %reduce_sum3A [1] : vector<400x32xf32> to vector<400xf32>
    %broadcast_in_dim3A = vector.shape_cast %reduce_sum3A_12 : vector<400xf32> to vector<400x1xf32>
    %max3A = arith.constant 1.000000e+00 : f32
    %max3A_13 = vector.broadcast %max3A : f32 to vector<400x1xf32>
    %max3A_14 = arith.maximumf %broadcast_in_dim3A, %max3A_13 : vector<400x1xf32>
    %div3A = arith.constant 1.000000e+00 : f32
    %div3A_15 = vector.broadcast %div3A : f32 to vector<400x1xf32>
    %div3A_16 = arith.divf %div3A_15, %max3A_14 : vector<400x1xf32>
    %mul3A = vector.broadcast %div3A_16 : vector<400x1xf32> to vector<400x128xf32>
    %mul3A_17 = arith.mulf %add3A, %mul3A : vector<400x128xf32>
    %get3A_18 = arith.constant 0 : index
    %get3A_19 = arith.constant 0 : index
    %get3A_20 = vector.load %arg1[%get3A_18, %get3A_19] : memref<400x128xf32, #tpu.memory_space<vmem>>, vector<400x128xf32>
    %get3A_21 = arith.constant 0 : index
    %get3A_22 = arith.constant 0 : index
    %get3A_23 = vector.load %arg5[%get3A_21, %get3A_22] : memref<128x256xf32, #tpu.memory_space<vmem>>, vector<128x256xf32>
    %dot_general3A = arith.constant dense<0.000000e+00> : vector<400x256xf32>
    %dot_general3A_24 = tpu.matmul %get3A_20, %get3A_23, %dot_general3A {dimension_numbers = #tpu.dot_dimension_numbers<[1], [0], [0], [1], [0, 0, 1, 1], [], []>, transpose_lhs_hint = false} : vector<400x128xf32>, vector<128x256xf32>, vector<400x256xf32> -> vector<400x256xf32>
    %get3A_25 = arith.constant 0 : index
    %get3A_26 = arith.constant 0 : index
    %get3A_27 = vector.load %arg6[%get3A_25, %get3A_26] : memref<128x256xf32, #tpu.memory_space<vmem>>, vector<128x256xf32>
    %dot_general3A_28 = arith.constant dense<0.000000e+00> : vector<400x256xf32>
    %dot_general3A_29 = tpu.matmul %mul3A_17, %get3A_27, %dot_general3A_28 {dimension_numbers = #tpu.dot_dimension_numbers<[1], [0], [0], [1], [0, 0, 1, 1], [], []>, transpose_lhs_hint = false} : vector<400x128xf32>, vector<128x256xf32>, vector<400x256xf32> -> vector<400x256xf32>
    %add3A_30 = arith.addf %dot_general3A_24, %dot_general3A_29 : vector<400x256xf32>
    %get3A_31 = arith.constant 0 : index
    %get3A_32 = arith.constant 0 : index
    %get3A_33 = vector.load %arg7[%get3A_31, %get3A_32] : memref<1x256xf32, #tpu.memory_space<vmem>>, vector<1x256xf32>
    %get3A_34 = vector.shape_cast %get3A_33 : vector<1x256xf32> to vector<256xf32>
    %broadcast_in_dim3A_35 = vector.shape_cast %get3A_34 : vector<256xf32> to vector<1x256xf32>
    %add3A_36 = vector.broadcast %broadcast_in_dim3A_35 : vector<1x256xf32> to vector<400x256xf32>
    %add3A_37 = arith.addf %add3A_30, %add3A_36 : vector<400x256xf32>
    %max3A_38 = arith.constant 0.000000e+00 : f32
    %max3A_39 = vector.broadcast %max3A_38 : f32 to vector<400x256xf32>
    %max3A_40 = arith.maximumf %add3A_37, %max3A_39 : vector<400x256xf32>
    %get3A_41 = arith.constant 0 : index
    %get3A_42 = arith.constant 0 : index
    %get3A_43 = vector.load %arg9[%get3A_41, %get3A_42] : memref<256x128xf32, #tpu.memory_space<vmem>>, vector<256x128xf32>
    %dot_general3A_44 = arith.constant dense<0.000000e+00> : vector<400x128xf32>
    %dot_general3A_45 = tpu.matmul %max3A_40, %get3A_43, %dot_general3A_44 {dimension_numbers = #tpu.dot_dimension_numbers<[1], [0], [0], [1], [0, 0, 1, 1], [], []>, transpose_lhs_hint = false} : vector<400x256xf32>, vector<256x128xf32>, vector<400x128xf32> -> vector<400x128xf32>
    %swap3A = arith.constant 0 : index
    %swap3A_46 = arith.constant 0 : index
    %swap3A_47 = vector.load %arg11[%swap3A, %swap3A_46] : memref<400x128xf32, #tpu.memory_space<vmem>>, vector<400x128xf32>
    tpu.vector_store %arg11[%swap3A, %swap3A_46], %dot_general3A_45 {strides = array<i32>} : memref<400x128xf32, #tpu.memory_space<vmem>>, vector<400x128xf32>,
    %get3A_48 = arith.constant 0 : index
    %get3A_49 = arith.constant 0 : index
    %get3A_50 = vector.load %arg8[%get3A_48, %get3A_49] : memref<256x128xf32, #tpu.memory_space<vmem>>, vector<256x128xf32>
    %dot_general3A_51 = arith.constant dense<0.000000e+00> : vector<400x128xf32>
    %dot_general3A_52 = tpu.matmul %max3A_40, %get3A_50, %dot_general3A_51 {dimension_numbers = #tpu.dot_dimension_numbers<[1], [0], [0], [1], [0, 0, 1, 1], [], []>, transpose_lhs_hint = false} : vector<400x256xf32>, vector<256x128xf32>, vector<400x128xf32> -> vector<400x128xf32>
    %get3A_53 = arith.constant 0 : index
    %get3A_54 = arith.constant 0 : index
    %get3A_55 = vector.load %arg10[%get3A_53, %get3A_54] : memref<1x128xf32, #tpu.memory_space<vmem>>, vector<1x128xf32>
    %get3A_56 = vector.shape_cast %get3A_55 : vector<1x128xf32> to vector<128xf32>
    %broadcast_in_dim3A_57 = vector.shape_cast %get3A_56 : vector<128xf32> to vector<1x128xf32>
    %add3A_58 = vector.broadcast %broadcast_in_dim3A_57 : vector<1x128xf32> to vector<400x128xf32>
    %add3A_59 = arith.addf %dot_general3A_52, %add3A_58 : vector<400x128xf32>
    %swap3A_60 = arith.constant 0 : index
    %swap3A_61 = arith.constant 0 : index
    %swap3A_62 = vector.load %arg12[%swap3A_60, %swap3A_61] : memref<400x128xf32, #tpu.memory_space<vmem>>, vector<400x128xf32>
    tpu.vector_store %arg12[%swap3A_60, %swap3A_61], %add3A_59 {strides = array<i32>} : memref<400x128xf32, #tpu.memory_space<vmem>>, vector<400x128xf32>,
    return
  }
  func.func @transform_0(%arg0: i32) -> (i32, i32) {
    %c0_i32 = arith.constant 0 : i32
    %c0_i32_0 = arith.constant 0 : i32
    return %arg0, %c0_i32 : i32, i32
  }
  func.func @transform_1(%arg0: i32) -> (i32, i32, i32) {
    %c0_i32 = arith.constant 0 : i32
    %c0_i32_0 = arith.constant 0 : i32
    %c0_i32_1 = arith.constant 0 : i32
    return %c0_i32, %arg0, %c0_i32_0 : i32, i32, i32
  }
  func.func @transform_2(%arg0: i32) -> (i32, i32, i32) {
    %c1_i32 = arith.constant 1 : i32
    %c0_i32 = arith.constant 0 : i32
    %c0_i32_0 = arith.constant 0 : i32
    return %c1_i32, %arg0, %c0_i32 : i32, i32, i32
  }
  func.func @transform_3(%arg0: i32) -> (i32, i32) {
    %c0_i32 = arith.constant 0 : i32
    %c0_i32_0 = arith.constant 0 : i32
    return %arg0, %c0_i32 : i32, i32
  }
  func.func @transform_4(%arg0: i32) -> (i32, i32) {
    %c0_i32 = arith.constant 0 : i32
    %c0_i32_0 = arith.constant 0 : i32
    %c0_i32_1 = arith.constant 0 : i32
    return %c0_i32, %c0_i32_0 : i32, i32
  }
  func.func @transform_5(%arg0: i32) -> (i32, i32) {
    %c0_i32 = arith.constant 0 : i32
    %c0_i32_0 = arith.constant 0 : i32
    %c0_i32_1 = arith.constant 0 : i32
    return %c0_i32, %c0_i32_0 : i32, i32
  }
  func.func @transform_6(%arg0: i32) -> (i32, i32) {
    %c0_i32 = arith.constant 0 : i32
    %c0_i32_0 = arith.constant 0 : i32
    %c0_i32_1 = arith.constant 0 : i32
    return %c0_i32, %c0_i32_0 : i32, i32
  }
  func.func @transform_7(%arg0: i32) -> (i32, i32) {
    %c0_i32 = arith.constant 0 : i32
    %c0_i32_0 = arith.constant 0 : i32
    %c0_i32_1 = arith.constant 0 : i32
    return %c0_i32, %c0_i32_0 : i32, i32
  }
  func.func @transform_8(%arg0: i32) -> (i32, i32) {
    %c0_i32 = arith.constant 0 : i32
    %c0_i32_0 = arith.constant 0 : i32
    %c0_i32_1 = arith.constant 0 : i32
    return %c0_i32, %c0_i32_0 : i32, i32
  }
  func.func @transform_9(%arg0: i32) -> (i32, i32) {
    %c0_i32 = arith.constant 0 : i32
    %c0_i32_0 = arith.constant 0 : i32
    %c0_i32_1 = arith.constant 0 : i32
    return %c0_i32, %c0_i32_0 : i32, i32
  }
  func.func @transform_10(%arg0: i32) -> (i32, i32) {
    %c0_i32 = arith.constant 0 : i32
    %c0_i32_0 = arith.constant 0 : i32
    return %arg0, %c0_i32 : i32, i32
  }
  func.func @transform_11(%arg0: i32) -> (i32, i32) {
    %c0_i32 = arith.constant 0 : i32
    %c0_i32_0 = arith.constant 0 : i32
    return %arg0, %c0_i32 : i32, i32
  }
}

module attributes {stable_mosaic.version = 14 : i64} {
  func.func @_score_body(%arg0: i32, %arg1: memref<400x128xf32, #tpu.memory_space<vmem>>, %arg2: memref<1x400x128xf32, #tpu.memory_space<vmem>>, %arg3: memref<1x400x128xf32, #tpu.memory_space<vmem>>, %arg4: memref<400x32xf32, #tpu.memory_space<vmem>>, %arg5: memref<2x128xf32, #tpu.memory_space<vmem>>, %arg6: memref<1x1xf32, #tpu.memory_space<vmem>>, %arg7: memref<400x2xf32, #tpu.memory_space<vmem>>) attributes {dimension_semantics = [#tpu.dimension_semantics<arbitrary>], iteration_bounds = array<i64: 25>, scalar_prefetch = 0 : i64, scratch_operands = 0 : i64, tpu.core_type = #tpu.core_type<tc>, window_params = [{transform_indices = @transform_0, window_bounds = array<i64: 400, 128>}, {transform_indices = @transform_1, window_bounds = array<i64: 1, 400, 128>}, {transform_indices = @transform_2, window_bounds = array<i64: 1, 400, 128>}, {transform_indices = @transform_3, window_bounds = array<i64: 400, 32>}, {pipeline_mode = #tpu.pipeline_mode<synchronous>, transform_indices = @transform_4, window_bounds = array<i64: 2, 128>}, {pipeline_mode = #tpu.pipeline_mode<synchronous>, transform_indices = @transform_5, window_bounds = array<i64: 1, 1>}, {transform_indices = @transform_6, window_bounds = array<i64: 400, 2>}]} {
    %get3A = arith.constant 0 : index
    %get3A_0 = arith.constant 0 : index
    %get3A_1 = vector.load %arg1[%get3A, %get3A_0] : memref<400x128xf32, #tpu.memory_space<vmem>>, vector<400x128xf32>
    %get3A_2 = arith.constant 0 : index
    %get3A_3 = arith.constant 0 : index
    %get3A_4 = arith.constant 0 : index
    %get3A_5 = vector.load %arg2[%get3A_2, %get3A_3, %get3A_4] : memref<1x400x128xf32, #tpu.memory_space<vmem>>, vector<1x400x128xf32>
    %get3A_6 = vector.shape_cast %get3A_5 : vector<1x400x128xf32> to vector<400x128xf32>
    %get3A_7 = arith.constant 0 : index
    %get3A_8 = arith.constant 0 : index
    %get3A_9 = arith.constant 0 : index
    %get3A_10 = vector.load %arg3[%get3A_7, %get3A_8, %get3A_9] : memref<1x400x128xf32, #tpu.memory_space<vmem>>, vector<1x400x128xf32>
    %get3A_11 = vector.shape_cast %get3A_10 : vector<1x400x128xf32> to vector<400x128xf32>
    %add3A = arith.addf %get3A_6, %get3A_11 : vector<400x128xf32>
    %get3A_12 = arith.constant 0 : index
    %get3A_13 = arith.constant 0 : index
    %get3A_14 = vector.load %arg4[%get3A_12, %get3A_13] : memref<400x32xf32, #tpu.memory_space<vmem>>, vector<400x32xf32>
    %reduce_sum3A = arith.constant dense<0.000000e+00> : vector<400xf32>
    %reduce_sum3A_15 = vector.multi_reduction <add>, %get3A_14, %reduce_sum3A [1] : vector<400x32xf32> to vector<400xf32>
    %broadcast_in_dim3A = vector.shape_cast %reduce_sum3A_15 : vector<400xf32> to vector<400x1xf32>
    %max3A = arith.constant 1.000000e+00 : f32
    %max3A_16 = vector.broadcast %max3A : f32 to vector<400x1xf32>
    %max3A_17 = arith.maximumf %broadcast_in_dim3A, %max3A_16 : vector<400x1xf32>
    %div3A = arith.constant 1.000000e+00 : f32
    %div3A_18 = vector.broadcast %div3A : f32 to vector<400x1xf32>
    %div3A_19 = arith.divf %div3A_18, %max3A_17 : vector<400x1xf32>
    %mul3A = vector.broadcast %div3A_19 : vector<400x1xf32> to vector<400x128xf32>
    %mul3A_20 = arith.mulf %add3A, %mul3A : vector<400x128xf32>
    %add3A_21 = arith.addf %get3A_1, %mul3A_20 : vector<400x128xf32>
    %get3A_22 = arith.constant 0 : index
    %get3A_23 = arith.constant 0 : index
    %get3A_24 = vector.load %arg5[%get3A_22, %get3A_23] : memref<2x128xf32, #tpu.memory_space<vmem>>, vector<2x128xf32>
    %transpose3A = tpu.transpose %get3A_24, [1, 0] : vector<2x128xf32> -> vector<128x2xf32>
    %dot_general3A = arith.constant dense<0.000000e+00> : vector<400x2xf32>
    %dot_general3A_25 = tpu.matmul %add3A_21, %transpose3A, %dot_general3A {dimension_numbers = #tpu.dot_dimension_numbers<[1], [0], [0], [1], [0, 0, 1, 1], [], []>, transpose_lhs_hint = false} : vector<400x128xf32>, vector<128x2xf32>, vector<400x2xf32> -> vector<400x2xf32>
    %iota3A = tpu.iota {dimensions = array<i32: 1>} : vector<1x2xi32>
    %eq3A = arith.constant 0 : i32
    %eq3A_26 = vector.broadcast %eq3A : i32 to vector<1x2xi32>
    %eq3A_27 = arith.cmpi eq, %iota3A, %eq3A_26 : vector<1x2xi32>
    %get3A_28 = arith.constant 0 : index
    %get3A_29 = arith.constant 0 : index
    %get3A_30 = vector.load %arg6[%get3A_28, %get3A_29] : memref<1x1xf32, #tpu.memory_space<vmem>>, vector<1x1xf32>
    %get3A_31 = vector.extract %get3A_30[0, 0] : f32 from vector<1x1xf32>
    %convert_element_type3A = arith.extui %eq3A_27 : vector<1x2xi1> to vector<1x2xi32>
    %convert_element_type3A_32 = arith.sitofp %convert_element_type3A : vector<1x2xi32> to vector<1x2xf32>
    %mul3A_33 = vector.broadcast %get3A_31 : f32 to vector<1x2xf32>
    %mul3A_34 = arith.mulf %mul3A_33, %convert_element_type3A_32 : vector<1x2xf32>
    %add3A_35 = vector.broadcast %mul3A_34 : vector<1x2xf32> to vector<400x2xf32>
    %add3A_36 = arith.addf %dot_general3A_25, %add3A_35 : vector<400x2xf32>
    %swap3A = arith.constant 0 : index
    %swap3A_37 = arith.constant 0 : index
    %swap3A_38 = vector.load %arg7[%swap3A, %swap3A_37] : memref<400x2xf32, #tpu.memory_space<vmem>>, vector<400x2xf32>
    tpu.vector_store %arg7[%swap3A, %swap3A_37], %add3A_36 {strides = array<i32>} : memref<400x2xf32, #tpu.memory_space<vmem>>, vector<400x2xf32>,
    return
  }
  func.func @transform_0(%arg0: i32) -> (i32, i32) {
    %c0_i32 = arith.constant 0 : i32
    %c0_i32_0 = arith.constant 0 : i32
    return %arg0, %c0_i32 : i32, i32
  }
  func.func @transform_1(%arg0: i32) -> (i32, i32, i32) {
    %c0_i32 = arith.constant 0 : i32
    %c0_i32_0 = arith.constant 0 : i32
    %c0_i32_1 = arith.constant 0 : i32
    return %c0_i32, %arg0, %c0_i32_0 : i32, i32, i32
  }
  func.func @transform_2(%arg0: i32) -> (i32, i32, i32) {
    %c1_i32 = arith.constant 1 : i32
    %c0_i32 = arith.constant 0 : i32
    %c0_i32_0 = arith.constant 0 : i32
    return %c1_i32, %arg0, %c0_i32 : i32, i32, i32
  }
  func.func @transform_3(%arg0: i32) -> (i32, i32) {
    %c0_i32 = arith.constant 0 : i32
    %c0_i32_0 = arith.constant 0 : i32
    return %arg0, %c0_i32 : i32, i32
  }
  func.func @transform_4(%arg0: i32) -> (i32, i32) {
    %c0_i32 = arith.constant 0 : i32
    %c0_i32_0 = arith.constant 0 : i32
    %c0_i32_1 = arith.constant 0 : i32
    return %c0_i32, %c0_i32_0 : i32, i32
  }
  func.func @transform_5(%arg0: i32) -> (i32, i32) {
    %c0_i32 = arith.constant 0 : i32
    %c0_i32_0 = arith.constant 0 : i32
    %c0_i32_1 = arith.constant 0 : i32
    return %c0_i32, %c0_i32_0 : i32, i32
  }
  func.func @transform_6(%arg0: i32) -> (i32, i32) {
    %c0_i32 = arith.constant 0 : i32
    %c0_i32_0 = arith.constant 0 : i32
    return %arg0, %c0_i32 : i32, i32
  }
}

</mosaic_0001>

<sc_bundles>
// kernel: deg_histogram.3.cloned.1.call-start
scs
__scs_entry_jumppad:
0x0: {  	(pc) =	sbr.rel $0x88, $3  }
0x1: {  	(tag) =	ssettag $0x0;
	lr =	simm.s32 $0x1  }
0x2: {  	[smem:$0x3F95] =	sst lr;
	_ =	strace $0xD0000000  }
0x3: {  	_ = 	snop  }
0x4: {  	_ = 	snop  }
0x5: {  	_ = 	snop  }
0x6: {  	_ = 	snop  }
0x7: {  	_ = 	snop  }
__scs_overlays_trampoline_lowered:
0x8: {  	[smem:$0x3FA4] =	sst s0  }
0x9: {  	[smem:$0x3FA5] =	sst s1  }
0xa: {  	[smem:$0x3FA6] =	sst s2  }
0xb: {  	[smem:$0x3FA7] =	sst s3  }
0xc: {  	[smem:$0x3FA8] =	sst s4  }
0xd: {  	[smem:$0x3FA9] =	sst s5  }
0xe: {  	[smem:$0x3FAA] =	sst s6  }
0xf: {  	[smem:$0x3FAB] =	sst s7  }
0x10: {  	[smem:$0x3FAC] =	sst s8  }
0x11: {  	[smem:$0x3FAD] =	sst s9;
	s0 =	simm.s32 @!p0 $0x0  }
0x12: {  	s1 =	sld [smem:$0x3F93];
	s0 =	simm.s32 @p0 $0x1  }
0x13: {  	[smem:$0x3FAE] =	sst s0;
	s0 =	simm.s32 @!p1 $0x0  }
0x14: {  	s2 =	sld [smem:$0x3F92];
	s0 =	simm.s32 @p1 $0x1  }
0x15: {  	[smem:$0x3FAF] =	sst s0;
	s0 =	simm.s32 @!p2 $0x0  }
0x16: {  	s3 =	sld [smem:$0x3FDB];
	s0 =	simm.s32 @p2 $0x1  }
0x17: {  	s4 =	simm.s32 $0x1BF5;
	[smem:$0x3FB1] =	sst s0  }
0x18: {  	s0 =	sld [smem:$0x3F94];
	_ =	swait.ge [sflag:s4], $0x0  }
0x19: {  	s7 =	sld [smem:$0x3F95]  }
0x1a: {  	s8 =	sadd.s32 $0xFFFFE003, lr  }
0x1b: {  	s9 =	sadd.s32 $0xFFFFFEF7, lr;
	s5 =	simm.s32 $0xFFFFFFFF;
	p2 =	slt.u32 s8, $0xFFFFF086  }
0x1c: {  	p1 =	slt.u32 s9, $0xF7A;
	s5 =	simm.s32 @!p2 $0x0  }
0x1d: {  	s5 =	simm.s32 @p1 $0x1;
	p0 =	seq.s32 s7, s2  }
0x1e: {  	s7 =	smul.u32 @!p0 $0xF7A, s2;
	p2 =	seq.s32 @!p0 s5, $0x0  }
0x1f: {  	s9 =	smul.u32 $0xF7A, s1;
	s8 =	simm.s32 @!p0 $0x1BF5;
	p2 =	por !p2, p0  }
0x20: {  	[sflag:s8] =	ssyncset.s32 @!p0 $0xFFFFF086;
	s6 =	sadd.s32 @!p0 s3, s7;
	s7 =	simm.s32 @!p0 $0x108  }
0x21: {  	s3 =	sadd.s32 s3, s9;
	s6 =	sadd.s32 @!p0 $0x88, s6;
	s7 =	simm.s32 @p2 $0x1082  }
0x22: {  	[simem:s7], [sflag:s8] =	dma.local @!p0 [hbm:s6], $0xF7A  }
0x23: {  	s9 =	sor.u32 $0xD0000000, s2;
	s6 =	simm.s32 $0x108;
	_ =	swait.ge @!p0 [sflag:s8], $0x0  }
0x24: {  	s3 =	sadd.s32 $0x88, s3;
	s6 =	simm.s32 @!p1 $0x1082;
	[sflag:s4] =	ssyncset.s32 $0xFFFFF086  }
0x25: {  	[simem:s6], [sflag:s4] =	dma.local [hbm:s3], $0xF7A  }
0x26: {  	[smem:$0x3F95] =	sst s1;
	(tag) =	ssettag s2;
	_ =	strace s9  }
0x27: {  	s1 =	sld [smem:$0x3FA5]  }
0x28: {  	s2 =	sld [smem:$0x3FA6]  }
0x29: {  	s4 =	sld [smem:$0x3FA8]  }
0x2a: {  	p0 =	seq.s32 s5, $0x0;
	s5 =	sld [smem:$0x3FA9]  }
0x2b: {  	s6 =	sld [smem:$0x3FAA]  }
0x2c: {  	s7 =	sld [smem:$0x3FAB]  }
0x2d: {  	s3 =	simm.s32 $0x108;
	s8 =	sld [smem:$0x3FAC]  }
0x2e: {  	s3 =	simm.s32 @!p0 $0x1082;
	s9 =	sld [smem:$0x3FAD]  }
0x2f: {  	lr =	sadd.s32 s0, s3;
	s0 =	sld [smem:$0x3FA4]  }
0x30: {  	s3 =	sld [smem:$0x3FA7]  }
0x31: {  	[smem:$0x3FB0] =	sst s10  }
0x32: {  	s10 =	sld [smem:$0x3FAE];
	_ =	sdelay $0x3  }
0x33: {  	p0 =	seq.s32 s10, $0x1;
	s10 =	sld [smem:$0x3FB0];
	_ =	sdelay $0x3  }
0x34: {  	[smem:$0x3FB0] =	sst s10  }
0x35: {  	s10 =	sld [smem:$0x3FAF];
	_ =	sdelay $0x3  }
0x36: {  	p1 =	seq.s32 s10, $0x1;
	s10 =	sld [smem:$0x3FB0];
	_ =	sdelay $0x3  }
0x37: {  	[smem:$0x3FB0] =	sst s10  }
0x38: {  	s10 =	sld [smem:$0x3FB1]  }
0x39: {  	_ = 	snop;
	(pc) =	sbr.ind lr, $3  }
0x3a: {  	_ = 	snop  }
0x3b: {  	_ = 	snop  }
0x3c: {  	p2 =	seq.s32 s10, $0x1;
	s10 =	sld [smem:$0x3FB0]  }
0x3d: {  	_ =	shalt  }
0x3e: {  	_ =	shalt  }
0x3f: {  	_ =	shalt  }
0x40: {  	_ =	shalt  }
0x41: {  	_ =	shalt  }
0x42: {  	_ =	shalt  }
0x43: {  	_ =	shalt  }
0x44: {  	_ =	shalt  }
0x45: {  	_ =	shalt  }
0x46: {  	_ =	shalt  }
0x47: {  	_ =	shalt  }
0x48: {  	_ =	shalt  }
0x49: {  	_ =	shalt  }
0x4a: {  	_ =	shalt  }
0x4b: {  	_ =	shalt  }
0x4c: {  	_ =	shalt  }
0x4d: {  	_ =	shalt  }
0x4e: {  	_ =	shalt  }
0x4f: {  	_ =	shalt  }
0x50: {  	_ =	shalt  }
0x51: {  	_ =	shalt  }
0x52: {  	_ =	shalt  }
0x53: {  	_ =	shalt  }
0x54: {  	_ =	shalt  }
0x55: {  	_ =	shalt  }
0x56: {  	_ =	shalt  }
0x57: {  	_ =	shalt  }
0x58: {  	_ =	shalt  }
0x59: {  	_ =	shalt  }
0x5a: {  	_ =	shalt  }
0x5b: {  	_ =	shalt  }
0x5c: {  	_ =	shalt  }
0x5d: {  	_ =	shalt  }
0x5e: {  	_ =	shalt  }
0x5f: {  	_ =	shalt  }
0x60: {  	_ =	shalt  }
0x61: {  	_ =	shalt  }
0x62: {  	_ =	shalt  }
0x63: {  	_ =	shalt  }
0x64: {  	_ =	shalt  }
0x65: {  	_ =	shalt  }
0x66: {  	_ =	shalt  }
0x67: {  	_ =	shalt  }
0x68: {  	_ =	shalt  }
0x69: {  	_ =	shalt  }
0x6a: {  	_ =	shalt  }
0x6b: {  	_ =	shalt  }
0x6c: {  	_ =	shalt  }
0x6d: {  	_ =	shalt  }
0x6e: {  	_ =	shalt  }
0x6f: {  	_ =	shalt  }
0x70: {  	_ =	shalt  }
0x71: {  	_ =	shalt  }
0x72: {  	_ =	shalt  }
0x73: {  	_ =	shalt  }
0x74: {  	_ =	shalt  }
0x75: {  	_ =	shalt  }
0x76: {  	_ =	shalt  }
0x77: {  	_ =	shalt  }
0x78: {  	_ =	shalt  }
0x79: {  	_ =	shalt  }
0x7a: {  	_ =	shalt  }
0x7b: {  	_ =	shalt  }
0x7c: {  	_ =	shalt  }
0x7d: {  	_ =	shalt  }
0x7e: {  	_ =	shalt  }
0x7f: {  	_ =	shalt  }
0x80: {  	_ =	shalt  }
0x81: {  	_ =	shalt  }
0x82: {  	_ =	shalt  }
0x83: {  	_ =	shalt  }
0x84: {  	_ =	shalt  }
0x85: {  	_ =	shalt  }
0x86: {  	_ =	shalt  }
0x87: {  	_ =	shalt  }
.Lfunc_end0:
.L_simem_size_0:
called_computation.1_lowered:
.L_overlay_start_0:
0x88: {  	s2 =	sld [smem:$0x3FD9]  }
0x89: {  	s3 =	sld [smem:$0x3FFE];
	_ =	sdelay $0x1  }
0x8a: {  	s1 =	srdreg.scid  }
0x8b: {  	s0 =	sand.u32 $0x1, s1  }
0x8c: {  	s16 =	sshll.u32 s0, $0xA;
	s2 =	sadd.s32 s3, s2  }
0x8d: {  	s2 =	sadd.s32 s2, s16  }
0x8e: {  	[smem:$0x3FBC] =	sst s2  }
0x8f: {  	_ = 	snop  }
0x90: {  	(tm) =	ssettm $0x1  }
0x91: {  	s17 =	sld [smem:$0x3FFB];
	_ =	sdelay $0x3  }
0x92: {  	_ =	strace s17  }
0x93: {  	s2 =	sld [smem:$0x3FFC];
	_ =	sdelay $0x3  }
0x94: {  	_ =	strace s2  }
0x95: {  	s2 =	sld [smem:$0x3FFD];
	_ =	sdelay $0x3  }
0x96: {  	_ =	strace s2  }
0x97: {  	_ =	strace $0x8FFFFFFF  }
0x98: {  	s18 =	sld [smem:$0x3FDB];
	_ =	sdelay $0x1  }
0x99: {  	s19 =	simm.s32 $_scs_section_size  }
0x9a: {  	s4 =	simm.s32 $_size__tile_overlayer_lowered;
	s5 =	simm.s32 $_tile_overlayer_lowered  }
0x9b: {  	s22 =	simm.s32 $0x1BFF;
	s21 =	sshll.u32 s5, $0x1;
	s2 =	sadd.s32 s19, s18  }
0x9c: {  	s6 =	simm.s32 $0x0;
	s20 =	sshll.u32 s4, $0x1;
	s4 =	sadd.s32 s21, s2  }
0x9d: {  	[timem:s6], [sflag:s22] =	dma.local [hbm:s4], s20  }
0x9e: {  	_ =	swait.ge [sflag:s22], s20  }
0x9f: {  	s3 =	ssub.s32 $0x0, s20;
	[sflag:s22] =	ssyncset.done $0x0  }
0xa0: {  	[sflag:s22] =	ssyncadd.s32 s3;
	_ =	sdelay $0x1  }
0xa1: {  	s23 =	simm.s32 $0x1B8B  }
0xa2: {  	_ =	swait.ge [sflag:s23], $0x1  }
0xa3: {  	[sflag:s23] =	ssyncset.done $0x0  }
0xa4: {  	s25 =	simm.s32 $0x1B8E;
	s24 =	sld [smem:$0x3FFE];
	[sflag:s23] =	ssyncadd.s32 $0xFFFFFFFF  }
0xa5: {  	s26 =	simm.s32 $execute0_lowered;
	[smem:$0x3FD2] =	sst s25  }
0xa6: {  	s4 =	sshll.u32 s26, $0x1;
	_ =	strace $0x80000046;
	[dreg:$0x1] =	wrdreg $0xFFFFFFFF  }
0xa7: {  	s28 =	simm.s32 $_size_execute0_lowered;
	s2 =	sadd.s32 s2, s4;
	[dreg:$0x0] =	wrdreg $0x0  }
0xa8: {  	s4 =	sshll.u32 s28, $0x1;
	[dreg:$0x2] =	wrdreg s2  }
0xa9: {  	[dreg:$0x3] =	wrdreg s4  }
0xaa: {  	[dreg:$0x4] =	wrdreg $0xC0  }
0xab: {  	_ =	task [dreg:s6], $0x5FFFF  }
0xac: {  	[dreg:$0x1] =	wrdreg $0xFFFFFFFF  }
0xad: {  	[dreg:$0x0] =	wrdreg $0x60  }
0xae: {  	[dreg:$0x2] =	wrdreg s24  }
0xaf: {  	[dreg:$0x3] =	wrdreg $0xA  }
0xb0: {  	_ =	task.clear_ibuf [dreg:s6], $0x4FFFF;
	_ =	strace $0x90000046  }
0xb1: {  	s29 =	simm.s32 $0xA;
	_ =	strace $0x80000048  }
0xb2: {  	_ =	swait.ge [sflag:s29], $0x1  }
0xb3: {  	[sflag:s29] =	ssyncadd.s32 $0xFFFFFFFF  }
0xb4: {  	_ =	strace $0x90000048  }
0xb5: {  	_ =	sfence  }
0xb6: {  	s30 =	sld [smem:$0x0];
	_ =	sdelay $0x2  }
0xb7: {  	s31 =	sshll.u32 s1, $0xD;
	s1 =	sshrl.u32 s1, $0x2  }
0xb8: {  	s3 =	sand.u32 $0x4000, s31;
	s1 =	sadd.s32 s1, s30  }
0xb9: {  	s0 =	sor.u32 s3, s0;
	s1 =	sshll.u32 s1, $0x11  }
0xba: {  	s0 =	sor.u32 s1, s0  }
0xbb: {  	s0 =	sadd.s32 $0x8F2B, s0  }
0xbc: {  	[sflag:s0] =	ssyncadd.remote.s32 $0x1  }
0xbd: {  	_ =	sfence.sel $0xFFFF  }
0xbe: {  	[dreg:$0x0] =	wrdreg $0xFFFFFFFF;
	(pc) =	sbr.abs _section_cstart, $3  }
0xbf: {  	[dreg:$0x1] =	wrdreg $0xFFFFFFFF  }
0xc0: {  	_ =	task.clear_ibuf [dreg:s6], $0x2FFFF;
	_ =	strace $0x9FFFFFFF  }
0xc1: {  	(tm) =	ssettm $0x7FFFFFFF  }
tec
execute0_lowered:
.L_overlay_start_1:
0x0: {  	(tag) =	ssettag $0x1  }
0x1: {  	s0 =	srdreg.scid  }
0x2: {  	s4 =	rddreg [dreg:$0x0];
	s2 =	simm.s32 $0x0;
	s3 =	sand.u32 $0x1, s0  }
0x3: {  	s8 =	simm.s32 $0x80;
	s0 =	stileid.u32;
	s1 =	sshll.u32 s3, $0x4  }
0x4: {  	s9 =	simm.s32 $0x400;
	s10 =	simm.s32 $0x2;
	s5 =	sor.u32 s0, s1  }
0x5: {  	s11 =	simm.s32 $0x0;
	[smem:$0x7FF] =	sst s2;
	s6 =	sshrl.u32 s5, $0x3  }
0x6: {  	s7 =	sshll.u32 s0, $0x7;
	s3 =	ssub.s32 $0x2, s3;
	s6 =	smul.u32 $0x13C00, s6  }
0x7: {  	s1 =	rddreg [dreg:$0x1];
	s7 =	sand.u32 $0x380, s7;
	s5 =	smul.u32 $0x500, s5  }
0x8: {  	_ =	strace $0x80000047;
	s30 =	sshrl.u32 s3, $0x1;
	s6 =	sor.u32 s7, s6  }
0x9: {  	s31 =	ssub.s32 s3, s30;
	s5 =	sadd.s32 s5, s4;
	s6 =	sshrl.u32 s6, $0x3  }
0xa: {  	s3 =	sadd.s32 $0x1C00, s5;
	s5 =	smax.u32 s31, $0x1;
	s4 =	sadd.s32 s6, s4  }
0xb: {  	v0 =	vimm.f32 $0.0e+00;
	v1 =	vimm.f32 $1.000000000e+00;
	s7 =	simm.s32 $0x2800;
	s6 =	simm.s32 $0x1;
	s4 =	sadd.s32 $0xBC00, s4  }
.LBB2_1:
0xc: {  	[tilespmem:s2], [sflag:$0x1] =	stream.linear.gather [hbm4b:s3+s2], $0x2800, $0x38;
	[tilespmem:$0x4F80] =	vst v63  }
0xd: {  	s12 =	simm.s32 $0x40;
	s13 =	simm.s32 $0x0  }
.LBB2_2:
0xe: {  	p0 =	sne.s32 s12, $0x9DC0;
	[tilespmem:s13+$0x2800] =	vst v0;
	s13 =	smov.u32 s12;
	s12 =	sadd.s32 $0x40, s12  }
.Ltmp0:
0xf: {  	(pc) =	sbr.rel @p0 .LBB2_2-.Ltmp0, $2  }
0x10: {  	_ =	sdelay $0x2  }
0x11: {  	s13 =	sshra.s32 s13, $0x2  }
0x12: {  	[tilespmem:s13+$0x2800] =	vst v0  }
0x13: {  	_ =	swait.ge [sflag:s6], $0x2800  }
0x14: {  	[sflag:s6] =	ssyncset.done $0x0  }
0x15: {  	s13 =	simm.s32 $0x0;
	s12 =	simm.s32 $0x40;
	[sflag:s6] =	ssyncadd.s32 $0xFFFFD800  }
.LBB2_4:
0x16: {  	p0 =	sne.s32 s12, $0x9FC0;
	v2 =	vld [tilespmem:s13+$0x0];
	_ =	sdelay $0x3  }
.Ltmp1:
0x17: {  	(pc) =	sbr.rel @p0 .LBB2_4-.Ltmp1, $2  }
0x18: {  	_ =	sdelay $0x2  }
0x19: {  	s13 =	sshra.s32 s12, $0x2;
	s12 =	sadd.s32 $0x40, s12;
	[tilespmem:v2+s7+$0x0] =	vst.idx.add.f32.msk $0xffff, v1  }
0x1a: {  	v2 =	vld [tilespmem:s13+$0x0];
	_ =	sdelay $0x5  }
0x1b: {  	s11 =	sadd.s32 $0x1, s11  }
0x1c: {  	p0 =	sne.s32 s11, s5  }
.Ltmp2:
0x1d: {  	[tilespmem:v2+s7+$0x0] =	vst.idx.add.f32.msk $0xffff, v1;
	(pc) =	sbr.rel @p0 .LBB2_1-.Ltmp2, $4  }
0x1e: {  	[hbm4b:s4+s8] =	stream.strided.scatter [tilespmem:s7], [sflag:$0x2], $0x2780, s9, s8, $0x38;
	[tilespmem:$0x4F80] =	vst v63  }
0x1f: {  	_ =	swait.ge [sflag:s10], $0x2780  }
0x20: {  	[sflag:s10] =	ssyncset.done $0x0  }
0x21: {  	[sflag:s10] =	ssyncadd.s32 $0xFFFFD880  }
0x22: {  	_ =	sfence.sel $0x180000  }
0x23: {  	[bflag:$0x0] =	sbarrier.arrive $0xFFFF  }
0x24: {  	p0 =	sne.s32 s0, $0x0;
	_ =	strace $0x90000047  }
0x25: {  	s0 =	sadd.s32 @!p0 $0x100000, s1;
	[bflag:$0x2] =	sbarrier.arrive $0xFFFF  }
0x26: {  	[sflag:s0] =	ssyncadd.tile.s32 @!p0 $0x1;
	_ =	shalt  }
.Lfunc_end2:
_tile_overlayer_lowered:
.L_overlay_start_2:
0x27: {  	(tag) =	ssettag $0x2  }
0x28: {  	s0 =	rddreg [dreg:$0x0];
	s2 =	stileid.u32  }
0x29: {  	s1 =	rddreg [dreg:$0x1];
	p0 =	sne.s32 s2, $0x0  }
0x2a: {  	s3 =	rddreg [dreg:$0x2];
	[bflag:$0x3] =	sbarrier.arrive $0xFFFF;
	s2 =	simm.s32 @!p0 $0x1C02  }
0x2b: {  	[timem:s3], [sflag:s2] =	dma.local @!p0 [hbm:s0], s1  }
0x2c: {  	s0 =	simm.s32 @!p0 $0x2  }
0x2d: {  	_ =	swait.ge @!p0 [sflag:s0], s1  }
0x2e: {  	s1 =	ssub.s32 @!p0 $0x0, s1;
	[sflag:s0] =	ssyncset.done @!p0 $0x0  }
0x2f: {  	[sflag:s0] =	ssyncadd.s32 @!p0 s1  }
0x30: {  	[bflag:$0x3] =	sbarrier.arrive $0xFFFF  }
0x31: {  	_ =	shalt  }

// kernel: edge_predict.3.cloned.1.call-start
scs
__scs_entry_jumppad:
0x0: {  	(pc) =	sbr.rel $0x88, $3  }
0x1: {  	(tag) =	ssettag $0x0;
	lr =	simm.s32 $0x1  }
0x2: {  	[smem:$0x3F95] =	sst lr;
	_ =	strace $0xD0000000  }
0x3: {  	_ = 	snop  }
0x4: {  	_ = 	snop  }
0x5: {  	_ = 	snop  }
0x6: {  	_ = 	snop  }
0x7: {  	_ = 	snop  }
__scs_overlays_trampoline_lowered:
0x8: {  	[smem:$0x3FA4] =	sst s0  }
0x9: {  	[smem:$0x3FA5] =	sst s1  }
0xa: {  	[smem:$0x3FA6] =	sst s2  }
0xb: {  	[smem:$0x3FA7] =	sst s3  }
0xc: {  	[smem:$0x3FA8] =	sst s4  }
0xd: {  	[smem:$0x3FA9] =	sst s5  }
0xe: {  	[smem:$0x3FAA] =	sst s6  }
0xf: {  	[smem:$0x3FAB] =	sst s7  }
0x10: {  	[smem:$0x3FAC] =	sst s8  }
0x11: {  	[smem:$0x3FAD] =	sst s9;
	s0 =	simm.s32 @!p0 $0x0  }
0x12: {  	s1 =	sld [smem:$0x3F93];
	s0 =	simm.s32 @p0 $0x1  }
0x13: {  	[smem:$0x3FAE] =	sst s0;
	s0 =	simm.s32 @!p1 $0x0  }
0x14: {  	s2 =	sld [smem:$0x3F92];
	s0 =	simm.s32 @p1 $0x1  }
0x15: {  	[smem:$0x3FAF] =	sst s0;
	s0 =	simm.s32 @!p2 $0x0  }
0x16: {  	s3 =	sld [smem:$0x3FDB];
	s0 =	simm.s32 @p2 $0x1  }
0x17: {  	s4 =	simm.s32 $0x1BF5;
	[smem:$0x3FB1] =	sst s0  }
0x18: {  	s0 =	sld [smem:$0x3F94];
	_ =	swait.ge [sflag:s4], $0x0  }
0x19: {  	s7 =	sld [smem:$0x3F95]  }
0x1a: {  	s8 =	sadd.s32 $0xFFFFE003, lr  }
0x1b: {  	s9 =	sadd.s32 $0xFFFFFEF7, lr;
	s5 =	simm.s32 $0xFFFFFFFF;
	p2 =	slt.u32 s8, $0xFFFFF086  }
0x1c: {  	p1 =	slt.u32 s9, $0xF7A;
	s5 =	simm.s32 @!p2 $0x0  }
0x1d: {  	s5 =	simm.s32 @p1 $0x1;
	p0 =	seq.s32 s7, s2  }
0x1e: {  	s7 =	smul.u32 @!p0 $0xF7A, s2;
	p2 =	seq.s32 @!p0 s5, $0x0  }
0x1f: {  	s9 =	smul.u32 $0xF7A, s1;
	s8 =	simm.s32 @!p0 $0x1BF5;
	p2 =	por !p2, p0  }
0x20: {  	[sflag:s8] =	ssyncset.s32 @!p0 $0xFFFFF086;
	s6 =	sadd.s32 @!p0 s3, s7;
	s7 =	simm.s32 @!p0 $0x108  }
0x21: {  	s3 =	sadd.s32 s3, s9;
	s6 =	sadd.s32 @!p0 $0x88, s6;
	s7 =	simm.s32 @p2 $0x1082  }
0x22: {  	[simem:s7], [sflag:s8] =	dma.local @!p0 [hbm:s6], $0xF7A  }
0x23: {  	s9 =	sor.u32 $0xD0000000, s2;
	s6 =	simm.s32 $0x108;
	_ =	swait.ge @!p0 [sflag:s8], $0x0  }
0x24: {  	s3 =	sadd.s32 $0x88, s3;
	s6 =	simm.s32 @!p1 $0x1082;
	[sflag:s4] =	ssyncset.s32 $0xFFFFF086  }
0x25: {  	[simem:s6], [sflag:s4] =	dma.local [hbm:s3], $0xF7A  }
0x26: {  	[smem:$0x3F95] =	sst s1;
	(tag) =	ssettag s2;
	_ =	strace s9  }
0x27: {  	s1 =	sld [smem:$0x3FA5]  }
0x28: {  	s2 =	sld [smem:$0x3FA6]  }
0x29: {  	s4 =	sld [smem:$0x3FA8]  }
0x2a: {  	p0 =	seq.s32 s5, $0x0;
	s5 =	sld [smem:$0x3FA9]  }
0x2b: {  	s6 =	sld [smem:$0x3FAA]  }
0x2c: {  	s7 =	sld [smem:$0x3FAB]  }
0x2d: {  	s3 =	simm.s32 $0x108;
	s8 =	sld [smem:$0x3FAC]  }
0x2e: {  	s3 =	simm.s32 @!p0 $0x1082;
	s9 =	sld [smem:$0x3FAD]  }
0x2f: {  	lr =	sadd.s32 s0, s3;
	s0 =	sld [smem:$0x3FA4]  }
0x30: {  	s3 =	sld [smem:$0x3FA7]  }
0x31: {  	[smem:$0x3FB0] =	sst s10  }
0x32: {  	s10 =	sld [smem:$0x3FAE];
	_ =	sdelay $0x3  }
0x33: {  	p0 =	seq.s32 s10, $0x1;
	s10 =	sld [smem:$0x3FB0];
	_ =	sdelay $0x3  }
0x34: {  	[smem:$0x3FB0] =	sst s10  }
0x35: {  	s10 =	sld [smem:$0x3FAF];
	_ =	sdelay $0x3  }
0x36: {  	p1 =	seq.s32 s10, $0x1;
	s10 =	sld [smem:$0x3FB0];
	_ =	sdelay $0x3  }
0x37: {  	[smem:$0x3FB0] =	sst s10  }
0x38: {  	s10 =	sld [smem:$0x3FB1]  }
0x39: {  	_ = 	snop;
	(pc) =	sbr.ind lr, $3  }
0x3a: {  	_ = 	snop  }
0x3b: {  	_ = 	snop  }
0x3c: {  	p2 =	seq.s32 s10, $0x1;
	s10 =	sld [smem:$0x3FB0]  }
0x3d: {  	_ =	shalt  }
0x3e: {  	_ =	shalt  }
0x3f: {  	_ =	shalt  }
0x40: {  	_ =	shalt  }
0x41: {  	_ =	shalt  }
0x42: {  	_ =	shalt  }
0x43: {  	_ =	shalt  }
0x44: {  	_ =	shalt  }
0x45: {  	_ =	shalt  }
0x46: {  	_ =	shalt  }
0x47: {  	_ =	shalt  }
0x48: {  	_ =	shalt  }
0x49: {  	_ =	shalt  }
0x4a: {  	_ =	shalt  }
0x4b: {  	_ =	shalt  }
0x4c: {  	_ =	shalt  }
0x4d: {  	_ =	shalt  }
0x4e: {  	_ =	shalt  }
0x4f: {  	_ =	shalt  }
0x50: {  	_ =	shalt  }
0x51: {  	_ =	shalt  }
0x52: {  	_ =	shalt  }
0x53: {  	_ =	shalt  }
0x54: {  	_ =	shalt  }
0x55: {  	_ =	shalt  }
0x56: {  	_ =	shalt  }
0x57: {  	_ =	shalt  }
0x58: {  	_ =	shalt  }
0x59: {  	_ =	shalt  }
0x5a: {  	_ =	shalt  }
0x5b: {  	_ =	shalt  }
0x5c: {  	_ =	shalt  }
0x5d: {  	_ =	shalt  }
0x5e: {  	_ =	shalt  }
0x5f: {  	_ =	shalt  }
0x60: {  	_ =	shalt  }
0x61: {  	_ =	shalt  }
0x62: {  	_ =	shalt  }
0x63: {  	_ =	shalt  }
0x64: {  	_ =	shalt  }
0x65: {  	_ =	shalt  }
0x66: {  	_ =	shalt  }
0x67: {  	_ =	shalt  }
0x68: {  	_ =	shalt  }
0x69: {  	_ =	shalt  }
0x6a: {  	_ =	shalt  }
0x6b: {  	_ =	shalt  }
0x6c: {  	_ =	shalt  }
0x6d: {  	_ =	shalt  }
0x6e: {  	_ =	shalt  }
0x6f: {  	_ =	shalt  }
0x70: {  	_ =	shalt  }
0x71: {  	_ =	shalt  }
0x72: {  	_ =	shalt  }
0x73: {  	_ =	shalt  }
0x74: {  	_ =	shalt  }
0x75: {  	_ =	shalt  }
0x76: {  	_ =	shalt  }
0x77: {  	_ =	shalt  }
0x78: {  	_ =	shalt  }
0x79: {  	_ =	shalt  }
0x7a: {  	_ =	shalt  }
0x7b: {  	_ =	shalt  }
0x7c: {  	_ =	shalt  }
0x7d: {  	_ =	shalt  }
0x7e: {  	_ =	shalt  }
0x7f: {  	_ =	shalt  }
0x80: {  	_ =	shalt  }
0x81: {  	_ =	shalt  }
0x82: {  	_ =	shalt  }
0x83: {  	_ =	shalt  }
0x84: {  	_ =	shalt  }
0x85: {  	_ =	shalt  }
0x86: {  	_ =	shalt  }
0x87: {  	_ =	shalt  }
.Lfunc_end0:
.L_simem_size_0:
called_computation.3_lowered:
.L_overlay_start_0:
0x88: {  	s2 =	sld [smem:$0x3FD9]  }
0x89: {  	s3 =	sld [smem:$0x3FFE];
	_ =	sdelay $0x1  }
0x8a: {  	s1 =	srdreg.scid  }
0x8b: {  	s0 =	sand.u32 $0x1, s1  }
0x8c: {  	s17 =	sshll.u32 s0, $0xA;
	s2 =	sadd.s32 s3, s2  }
0x8d: {  	s2 =	sadd.s32 s2, s17  }
0x8e: {  	[smem:$0x3FBC] =	sst s2  }
0x8f: {  	_ = 	snop  }
0x90: {  	s2 =	sld [smem:$0x3FC7]  }
0x91: {  	s18 =	sld [smem:$0x3FC6]  }
0x92: {  	s4 =	sld [smem:$0x3FD0];
	(tm) =	ssettm $0x1  }
0x93: {  	s5 =	sld [smem:$0x3FFB];
	_ =	sdelay $0x3  }
0x94: {  	_ =	strace s5  }
0x95: {  	s5 =	sld [smem:$0x3FFC];
	_ =	sdelay $0x3  }
0x96: {  	_ =	strace s5  }
0x97: {  	s5 =	sld [smem:$0x3FFD];
	_ =	sdelay $0x3  }
0x98: {  	_ =	strace s5  }
0x99: {  	_ =	strace $0x8FFFFFFF  }
0x9a: {  	s19 =	sld [smem:$0x3FDB];
	_ =	sdelay $0x1  }
0x9b: {  	s6 =	simm.s32 $_scs_section_size  }
0x9c: {  	s7 =	simm.s32 $_size__tile_overlayer_lowered;
	s8 =	simm.s32 $_tile_overlayer_lowered  }
0x9d: {  	s22 =	simm.s32 $0x1BFF;
	s21 =	sshll.u32 s8, $0x1;
	s5 =	sadd.s32 s6, s19  }
0x9e: {  	s9 =	simm.s32 $0x0;
	s20 =	sshll.u32 s7, $0x1;
	s7 =	sadd.s32 s21, s5  }
0x9f: {  	[timem:s9], [sflag:s22] =	dma.local [hbm:s7], s20  }
0xa0: {  	_ =	swait.ge [sflag:s22], s20  }
0xa1: {  	s6 =	ssub.s32 $0x0, s20;
	[sflag:s22] =	ssyncset.done $0x0  }
0xa2: {  	[sflag:s22] =	ssyncadd.s32 s6;
	_ =	sdelay $0x1  }
0xa3: {  	s23 =	simm.s32 $0x1B8B  }
0xa4: {  	_ =	swait.ge [sflag:s23], $0x1  }
0xa5: {  	[sflag:s23] =	ssyncset.done $0x0  }
0xa6: {  	s25 =	simm.s32 $0x1B8E;
	s24 =	sld [smem:$0x3FFE];
	[sflag:s23] =	ssyncadd.s32 $0xFFFFFFFF  }
0xa7: {  	s26 =	simm.s32 $execute0_lowered;
	[smem:$0x3FD2] =	sst s25  }
0xa8: {  	s7 =	sshll.u32 s26, $0x1;
	_ =	strace $0x8000004F;
	[dreg:$0x1] =	wrdreg $0xFFFFFFFF  }
0xa9: {  	s28 =	simm.s32 $_size_execute0_lowered;
	s5 =	sadd.s32 s5, s7;
	[dreg:$0x0] =	wrdreg $0x0  }
0xaa: {  	s7 =	sshll.u32 s28, $0x1;
	[dreg:$0x2] =	wrdreg s5  }
0xab: {  	[dreg:$0x3] =	wrdreg s7  }
0xac: {  	[dreg:$0x4] =	wrdreg $0xC0  }
0xad: {  	_ =	task [dreg:s9], $0x5FFFF  }
0xae: {  	[dreg:$0x1] =	wrdreg $0xFFFFFFFF  }
0xaf: {  	[dreg:$0x0] =	wrdreg $0x60  }
0xb0: {  	[dreg:$0x2] =	wrdreg s24  }
0xb1: {  	[dreg:$0x3] =	wrdreg s2  }
0xb2: {  	[dreg:$0x4] =	wrdreg s18  }
0xb3: {  	[dreg:$0x5] =	wrdreg s4  }
0xb4: {  	[dreg:$0x6] =	wrdreg $0x9  }
0xb5: {  	_ =	task.clear_ibuf [dreg:s9], $0x7FFFF;
	_ =	strace $0x9000004F  }
0xb6: {  	s29 =	simm.s32 $0x9;
	_ =	strace $0x80000051  }
0xb7: {  	_ =	swait.ge [sflag:s29], $0x1  }
0xb8: {  	[sflag:s29] =	ssyncadd.s32 $0xFFFFFFFF  }
0xb9: {  	_ =	strace $0x90000051  }
0xba: {  	_ =	sfence  }
0xbb: {  	s30 =	sld [smem:$0x0];
	_ =	sdelay $0x2  }
0xbc: {  	s31 =	sshll.u32 s1, $0xD;
	s1 =	sshrl.u32 s1, $0x2  }
0xbd: {  	s3 =	sand.u32 $0x4000, s31;
	s1 =	sadd.s32 s1, s30  }
0xbe: {  	s0 =	sor.u32 s3, s0;
	s1 =	sshll.u32 s1, $0x11  }
0xbf: {  	s0 =	sor.u32 s1, s0  }
0xc0: {  	s0 =	sadd.s32 $0x8F2B, s0  }
0xc1: {  	[sflag:s0] =	ssyncadd.remote.s32 $0x1  }
0xc2: {  	_ =	sfence.sel $0xFFFF  }
0xc3: {  	[dreg:$0x0] =	wrdreg $0xFFFFFFFF;
	(pc) =	sbr.abs _section_cstart, $3  }
0xc4: {  	[dreg:$0x1] =	wrdreg $0xFFFFFFFF  }
0xc5: {  	_ =	task.clear_ibuf [dreg:s9], $0x2FFFF;
	_ =	strace $0x9FFFFFFF  }
0xc6: {  	(tm) =	ssettm $0x7FFFFFFF  }
0xc7: {  	_ =	shalt  }
tec
execute0_lowered:
.L_overlay_start_1:
0x0: {  	(tag) =	ssettag $0x1  }
0x1: {  	s4 =	rddreg [dreg:$0x0]  }
0x2: {  	s5 =	rddreg [dreg:$0x1]  }
0x3: {  	s6 =	rddreg [dreg:$0x2]  }
0x4: {  	s0 =	srdreg.scid;
	s7 =	rddreg [dreg:$0x3]  }
0x5: {  	s1 =	stileid.u32;
	s2 =	simm.s32 $0x0;
	s11 =	simm.s32 $0x4F00  }
0x6: {  	s12 =	simm.s32 $0x7680;
	s13 =	simm.s32 $0x9E00;
	s3 =	sand.u32 $0x1, s0  }
0x7: {  	s14 =	simm.s32 $0x0;
	s0 =	rddreg [dreg:$0x4];
	s8 =	sshll.u32 s3, $0x4  }
0x8: {  	[smem:$0x7FF] =	sst s2;
	s9 =	ssub.s32 $0x2, s3;
	s8 =	sor.u32 s1, s8  }
0x9: {  	_ =	strace $0x80000050;
	s10 =	sshrl.u32 s9, $0x1;
	s8 =	smul.u32 $0x4E2, s8  }
0xa: {  	s3 =	sadd.s32 $0x2200, s4;
	s4 =	sadd.s32 $0x1C00, s4;
	s9 =	ssub.s32 s9, s10  }
0xb: {  	s10 =	simm.s32 $0x2780;
	s5 =	sadd.s32 s5, s8;
	s6 =	sadd.s32 s6, s8  }
0xc: {  	s7 =	sadd.s32 s7, s8;
	s8 =	smax.u32 s9, $0x1;
	s9 =	simm.s32 $0x1  }
.LBB2_1:
0xd: {  	[tilespmem:s2], [sflag:$0x1] =	stream.linear.gather [hbm4b:s3+s2], $0x2780, $0x38;
	[tilespmem:$0xC580] =	vst v63  }
0xe: {  	_ =	swait.ge [sflag:s9], $0x2780  }
0xf: {  	[sflag:s9] =	ssyncset.done $0x0  }
0x10: {  	[sflag:s9] =	ssyncadd.s32 $0xFFFFD880  }
0x11: {  	[tilespmem:s10], [sflag:$0x1] =	stream.linear.gather [hbm4b:s4+s2], $0x2780, $0x38;
	[tilespmem:$0xC580] =	vst v63  }
0x12: {  	_ =	swait.ge [sflag:s9], $0x2780  }
0x13: {  	[sflag:s9] =	ssyncset.done $0x0  }
0x14: {  	[sflag:s9] =	ssyncadd.s32 $0xFFFFD880  }
0x15: {  	[tilespmem:s11], [sflag:$0x1] =	stream.linear.gather [hbm4b:s5+s2], $0x2710, $0x38;
	[tilespmem:$0xC580] =	vst v63  }
0x16: {  	_ =	swait.ge [sflag:s9], $0x2710  }
0x17: {  	[sflag:s9] =	ssyncset.done $0x0  }
0x18: {  	[sflag:s9] =	ssyncadd.s32 $0xFFFFD8F0  }
0x19: {  	[tilespmem:s12], [sflag:$0x1] =	stream.linear.gather [hbm4b:s6+s2], $0x2710, $0x38;
	[tilespmem:$0xC580] =	vst v63  }
0x1a: {  	_ =	swait.ge [sflag:s9], $0x2710  }
0x1b: {  	[sflag:s9] =	ssyncset.done $0x0  }
0x1c: {  	s15 =	simm.s32 $0x0;
	[sflag:s9] =	ssyncadd.s32 $0xFFFFD8F0  }
0x1d: {  	v0 =	vld [tilespmem:s15+$0x7680]  }
0x1e: {  	v1 =	vld [tilespmem:s15+$0x4F00];
	_ =	sdelay $0x6  }
0x1f: {  	v0 =	vld.idx.msk [tilespmem:v0+s10+$0x0], $0xffff  }
0x20: {  	s16 =	simm.s32 $0x10;
	v2 =	vld.idx.msk [tilespmem:v1+s2+$0x0], $0xffff  }
0x21: {  	s17 =	simm.s32 $0x80;
	v1 =	vld [tilespmem:s16+$0x7680]  }
.LBB2_2:
0x22: {  	p0 =	sne.s32 s17, $0x9C00;
	v3 =	vld [tilespmem:s16+$0x4F00];
	_ =	sdelay $0x3  }
0x23: {  	v0 =	vadd.f32 v0, v2  }
.Ltmp0:
0x24: {  	(pc) =	sbr.rel @p0 .LBB2_2-.Ltmp0, $4  }
0x25: {  	[tilespmem:s15+$0x9E00] =	vst v0;
	s15 =	smov.u32 s16  }
0x26: {  	v0 =	vld.idx.msk [tilespmem:v1+s10+$0x0], $0xffff  }
0x27: {  	s16 =	sshra.s32 s17, $0x2;
	v2 =	vld.idx.msk [tilespmem:v3+s2+$0x0], $0xffff  }
0x28: {  	s17 =	sadd.s32 $0x40, s17;
	v1 =	vld [tilespmem:s16+$0x7680]  }
0x29: {  	_ = 	snop  }
0x2a: {  	v3 =	vld [tilespmem:s16+$0x4F00];
	_ =	sdelay $0x3  }
0x2b: {  	v0 =	vadd.f32 v0, v2;
	_ =	sdelay $0x1  }
0x2c: {  	[tilespmem:s15+$0x9E00] =	vst v0  }
0x2d: {  	v0 =	vld.idx.msk [tilespmem:v1+s10+$0x0], $0xffff  }
0x2e: {  	v63 =	vld.idx.msk [tilespmem:v3+s2+$0x0], $0xffff;
	_ =	sdelay $0x4  }
0x2f: {  	s14 =	sadd.s32 $0x1, s14;
	v0 =	vadd.f32 v0, v63  }
0x30: {  	p0 =	sne.s32 s14, s8  }
.Ltmp1:
0x31: {  	[tilespmem:s16+$0x9E00] =	vst v0;
	(pc) =	sbr.rel @p0 .LBB2_1-.Ltmp1, $4  }
0x32: {  	[hbm4b:s7+s2] =	stream.linear.scatter [tilespmem:s13], [sflag:$0x1], $0x2710, $0x38;
	[tilespmem:$0xC580] =	vst v63  }
0x33: {  	_ =	swait.ge [sflag:s9], $0x2710  }
0x34: {  	[sflag:s9] =	ssyncset.done $0x0  }
0x35: {  	[sflag:s9] =	ssyncadd.s32 $0xFFFFD8F0  }
0x36: {  	_ =	sfence.sel $0x180000  }
0x37: {  	[bflag:$0x0] =	sbarrier.arrive $0xFFFF  }
0x38: {  	p0 =	sne.s32 s1, $0x0;
	_ =	strace $0x90000050  }
0x39: {  	s0 =	sadd.s32 @!p0 $0x100000, s0;
	[bflag:$0x2] =	sbarrier.arrive $0xFFFF  }
0x3a: {  	[sflag:s0] =	ssyncadd.tile.s32 @!p0 $0x1;
	_ =	shalt  }
.Lfunc_end2:
_tile_overlayer_lowered:
.L_overlay_start_2:
0x3b: {  	(tag) =	ssettag $0x2  }
0x3c: {  	s0 =	rddreg [dreg:$0x0];
	s2 =	stileid.u32  }
0x3d: {  	s1 =	rddreg [dreg:$0x1];
	p0 =	sne.s32 s2, $0x0  }
0x3e: {  	s3 =	rddreg [dreg:$0x2];
	[bflag:$0x3] =	sbarrier.arrive $0xFFFF;
	s2 =	simm.s32 @!p0 $0x1C01  }
0x3f: {  	[timem:s3], [sflag:s2] =	dma.local @!p0 [hbm:s0], s1  }
0x40: {  	s0 =	simm.s32 @!p0 $0x1  }
0x41: {  	_ =	swait.ge @!p0 [sflag:s0], s1  }
0x42: {  	s1 =	ssub.s32 @!p0 $0x0, s1;
	[sflag:s0] =	ssyncset.done @!p0 $0x0  }
0x43: {  	[sflag:s0] =	ssyncadd.s32 @!p0 s1  }
0x44: {  	[bflag:$0x3] =	sbarrier.arrive $0xFFFF  }
0x45: {  	_ =	shalt  }

// kernel: segsum128.4.cloned.1.call-start
scs
__scs_entry_jumppad:
0x0: {  	(pc) =	sbr.rel $0x88, $3  }
0x1: {  	(tag) =	ssettag $0x0;
	lr =	simm.s32 $0x1  }
0x2: {  	[smem:$0x3F95] =	sst lr;
	_ =	strace $0xD0000000  }
0x3: {  	_ = 	snop  }
0x4: {  	_ = 	snop  }
0x5: {  	_ = 	snop  }
0x6: {  	_ = 	snop  }
0x7: {  	_ = 	snop  }
__scs_overlays_trampoline_lowered:
0x8: {  	[smem:$0x3FA4] =	sst s0  }
0x9: {  	[smem:$0x3FA5] =	sst s1  }
0xa: {  	[smem:$0x3FA6] =	sst s2  }
0xb: {  	[smem:$0x3FA7] =	sst s3  }
0xc: {  	[smem:$0x3FA8] =	sst s4  }
0xd: {  	[smem:$0x3FA9] =	sst s5  }
0xe: {  	[smem:$0x3FAA] =	sst s6  }
0xf: {  	[smem:$0x3FAB] =	sst s7  }
0x10: {  	[smem:$0x3FAC] =	sst s8  }
0x11: {  	[smem:$0x3FAD] =	sst s9;
	s0 =	simm.s32 @!p0 $0x0  }
0x12: {  	s1 =	sld [smem:$0x3F93];
	s0 =	simm.s32 @p0 $0x1  }
0x13: {  	[smem:$0x3FAE] =	sst s0;
	s0 =	simm.s32 @!p1 $0x0  }
0x14: {  	s2 =	sld [smem:$0x3F92];
	s0 =	simm.s32 @p1 $0x1  }
0x15: {  	[smem:$0x3FAF] =	sst s0;
	s0 =	simm.s32 @!p2 $0x0  }
0x16: {  	s3 =	sld [smem:$0x3FDB];
	s0 =	simm.s32 @p2 $0x1  }
0x17: {  	s4 =	simm.s32 $0x1BF5;
	[smem:$0x3FB1] =	sst s0  }
0x18: {  	s0 =	sld [smem:$0x3F94];
	_ =	swait.ge [sflag:s4], $0x0  }
0x19: {  	s7 =	sld [smem:$0x3F95]  }
0x1a: {  	s8 =	sadd.s32 $0xFFFFE003, lr  }
0x1b: {  	s9 =	sadd.s32 $0xFFFFFEF7, lr;
	s5 =	simm.s32 $0xFFFFFFFF;
	p2 =	slt.u32 s8, $0xFFFFF086  }
0x1c: {  	p1 =	slt.u32 s9, $0xF7A;
	s5 =	simm.s32 @!p2 $0x0  }
0x1d: {  	s5 =	simm.s32 @p1 $0x1;
	p0 =	seq.s32 s7, s2  }
0x1e: {  	s7 =	smul.u32 @!p0 $0xF7A, s2;
	p2 =	seq.s32 @!p0 s5, $0x0  }
0x1f: {  	s9 =	smul.u32 $0xF7A, s1;
	s8 =	simm.s32 @!p0 $0x1BF5;
	p2 =	por !p2, p0  }
0x20: {  	[sflag:s8] =	ssyncset.s32 @!p0 $0xFFFFF086;
	s6 =	sadd.s32 @!p0 s3, s7;
	s7 =	simm.s32 @!p0 $0x108  }
0x21: {  	s3 =	sadd.s32 s3, s9;
	s6 =	sadd.s32 @!p0 $0x88, s6;
	s7 =	simm.s32 @p2 $0x1082  }
0x22: {  	[simem:s7], [sflag:s8] =	dma.local @!p0 [hbm:s6], $0xF7A  }
0x23: {  	s9 =	sor.u32 $0xD0000000, s2;
	s6 =	simm.s32 $0x108;
	_ =	swait.ge @!p0 [sflag:s8], $0x0  }
0x24: {  	s3 =	sadd.s32 $0x88, s3;
	s6 =	simm.s32 @!p1 $0x1082;
	[sflag:s4] =	ssyncset.s32 $0xFFFFF086  }
0x25: {  	[simem:s6], [sflag:s4] =	dma.local [hbm:s3], $0xF7A  }
0x26: {  	[smem:$0x3F95] =	sst s1;
	(tag) =	ssettag s2;
	_ =	strace s9  }
0x27: {  	s1 =	sld [smem:$0x3FA5]  }
0x28: {  	s2 =	sld [smem:$0x3FA6]  }
0x29: {  	s4 =	sld [smem:$0x3FA8]  }
0x2a: {  	p0 =	seq.s32 s5, $0x0;
	s5 =	sld [smem:$0x3FA9]  }
0x2b: {  	s6 =	sld [smem:$0x3FAA]  }
0x2c: {  	s7 =	sld [smem:$0x3FAB]  }
0x2d: {  	s3 =	simm.s32 $0x108;
	s8 =	sld [smem:$0x3FAC]  }
0x2e: {  	s3 =	simm.s32 @!p0 $0x1082;
	s9 =	sld [smem:$0x3FAD]  }
0x2f: {  	lr =	sadd.s32 s0, s3;
	s0 =	sld [smem:$0x3FA4]  }
0x30: {  	s3 =	sld [smem:$0x3FA7]  }
0x31: {  	[smem:$0x3FB0] =	sst s10  }
0x32: {  	s10 =	sld [smem:$0x3FAE];
	_ =	sdelay $0x3  }
0x33: {  	p0 =	seq.s32 s10, $0x1;
	s10 =	sld [smem:$0x3FB0];
	_ =	sdelay $0x3  }
0x34: {  	[smem:$0x3FB0] =	sst s10  }
0x35: {  	s10 =	sld [smem:$0x3FAF];
	_ =	sdelay $0x3  }
0x36: {  	p1 =	seq.s32 s10, $0x1;
	s10 =	sld [smem:$0x3FB0];
	_ =	sdelay $0x3  }
0x37: {  	[smem:$0x3FB0] =	sst s10  }
0x38: {  	s10 =	sld [smem:$0x3FB1]  }
0x39: {  	_ = 	snop;
	(pc) =	sbr.ind lr, $3  }
0x3a: {  	_ = 	snop  }
0x3b: {  	_ = 	snop  }
0x3c: {  	p2 =	seq.s32 s10, $0x1;
	s10 =	sld [smem:$0x3FB0]  }
0x3d: {  	_ =	shalt  }
0x3e: {  	_ =	shalt  }
0x3f: {  	_ =	shalt  }
0x40: {  	_ =	shalt  }
0x41: {  	_ =	shalt  }
0x42: {  	_ =	shalt  }
0x43: {  	_ =	shalt  }
0x44: {  	_ =	shalt  }
0x45: {  	_ =	shalt  }
0x46: {  	_ =	shalt  }
0x47: {  	_ =	shalt  }
0x48: {  	_ =	shalt  }
0x49: {  	_ =	shalt  }
0x4a: {  	_ =	shalt  }
0x4b: {  	_ =	shalt  }
0x4c: {  	_ =	shalt  }
0x4d: {  	_ =	shalt  }
0x4e: {  	_ =	shalt  }
0x4f: {  	_ =	shalt  }
0x50: {  	_ =	shalt  }
0x51: {  	_ =	shalt  }
0x52: {  	_ =	shalt  }
0x53: {  	_ =	shalt  }
0x54: {  	_ =	shalt  }
0x55: {  	_ =	shalt  }
0x56: {  	_ =	shalt  }
0x57: {  	_ =	shalt  }
0x58: {  	_ =	shalt  }
0x59: {  	_ =	shalt  }
0x5a: {  	_ =	shalt  }
0x5b: {  	_ =	shalt  }
0x5c: {  	_ =	shalt  }
0x5d: {  	_ =	shalt  }
0x5e: {  	_ =	shalt  }
0x5f: {  	_ =	shalt  }
0x60: {  	_ =	shalt  }
0x61: {  	_ =	shalt  }
0x62: {  	_ =	shalt  }
0x63: {  	_ =	shalt  }
0x64: {  	_ =	shalt  }
0x65: {  	_ =	shalt  }
0x66: {  	_ =	shalt  }
0x67: {  	_ =	shalt  }
0x68: {  	_ =	shalt  }
0x69: {  	_ =	shalt  }
0x6a: {  	_ =	shalt  }
0x6b: {  	_ =	shalt  }
0x6c: {  	_ =	shalt  }
0x6d: {  	_ =	shalt  }
0x6e: {  	_ =	shalt  }
0x6f: {  	_ =	shalt  }
0x70: {  	_ =	shalt  }
0x71: {  	_ =	shalt  }
0x72: {  	_ =	shalt  }
0x73: {  	_ =	shalt  }
0x74: {  	_ =	shalt  }
0x75: {  	_ =	shalt  }
0x76: {  	_ =	shalt  }
0x77: {  	_ =	shalt  }
0x78: {  	_ =	shalt  }
0x79: {  	_ =	shalt  }
0x7a: {  	_ =	shalt  }
0x7b: {  	_ =	shalt  }
0x7c: {  	_ =	shalt  }
0x7d: {  	_ =	shalt  }
0x7e: {  	_ =	shalt  }
0x7f: {  	_ =	shalt  }
0x80: {  	_ =	shalt  }
0x81: {  	_ =	shalt  }
0x82: {  	_ =	shalt  }
0x83: {  	_ =	shalt  }
0x84: {  	_ =	shalt  }
0x85: {  	_ =	shalt  }
0x86: {  	_ =	shalt  }
0x87: {  	_ =	shalt  }
.Lfunc_end0:
.L_simem_size_0:
called_computation_lowered:
.L_overlay_start_0:
0x88: {  	s2 =	sld [smem:$0x3FD9]  }
0x89: {  	s3 =	sld [smem:$0x3FFE];
	_ =	sdelay $0x1  }
0x8a: {  	s1 =	srdreg.scid  }
0x8b: {  	s0 =	sand.u32 $0x1, s1  }
0x8c: {  	s17 =	sshll.u32 s0, $0xA;
	s2 =	sadd.s32 s3, s2  }
0x8d: {  	s2 =	sadd.s32 s2, s17  }
0x8e: {  	[smem:$0x3FBC] =	sst s2  }
0x8f: {  	_ = 	snop  }
0x90: {  	s18 =	sld [smem:$0x3FC9];
	(tm) =	ssettm $0x1  }
0x91: {  	s19 =	sld [smem:$0x3FFB];
	_ =	sdelay $0x3  }
0x92: {  	_ =	strace s19  }
0x93: {  	s2 =	sld [smem:$0x3FFC];
	_ =	sdelay $0x3  }
0x94: {  	_ =	strace s2  }
0x95: {  	s2 =	sld [smem:$0x3FFD];
	_ =	sdelay $0x3  }
0x96: {  	_ =	strace s2  }
0x97: {  	_ =	strace $0x8FFFFFFF  }
0x98: {  	s20 =	sld [smem:$0x3FDB];
	_ =	sdelay $0x1  }
0x99: {  	s4 =	simm.s32 $_scs_section_size  }
0x9a: {  	s5 =	simm.s32 $_size__tile_overlayer_lowered;
	s6 =	simm.s32 $_tile_overlayer_lowered  }
0x9b: {  	s7 =	simm.s32 $0x1BFF;
	s21 =	sshll.u32 s6, $0x1;
	s4 =	sadd.s32 s4, s20  }
0x9c: {  	s22 =	simm.s32 $0x0;
	s5 =	sshll.u32 s5, $0x1;
	s6 =	sadd.s32 s21, s4  }
0x9d: {  	[timem:s22], [sflag:s7] =	dma.local [hbm:s6], s5  }
0x9e: {  	_ =	swait.ge [sflag:s7], s5  }
0x9f: {  	s5 =	ssub.s32 $0x0, s5;
	[sflag:s7] =	ssyncset.done $0x0  }
0xa0: {  	[sflag:s7] =	ssyncadd.s32 s5;
	_ =	sdelay $0x1  }
0xa1: {  	s23 =	simm.s32 $0x1B8B  }
0xa2: {  	_ =	swait.ge [sflag:s23], $0x1  }
0xa3: {  	[sflag:s23] =	ssyncset.done $0x0  }
0xa4: {  	[sflag:s23] =	ssyncadd.s32 $0xFFFFFFFF  }
0xa5: {  	s5 =	sld [smem:$0x0]  }
0xa6: {  	s6 =	sand.u32 $0xFFFFFFFE, s1  }
0xa7: {  	p0 =	sne.s32 s1, s6  }
0xa8: {  	s6 =	sshll.u32 @p0 s6, $0xE  }
0xa9: {  	s6 =	sadd.s32 @p0 $0x11B8D, s6;
	s7 =	sshll.u32 @p0 s5, $0x11  }
0xaa: {  	s6 =	sor.u32 @p0 s7, s6  }
0xab: {  	[sflag:s6] =	ssyncadd.remote.s32 @p0 $0x1;
	_ =	sdelay $0x1  }
0xac: {  	s6 =	simm.s32 @p0 $0x1B8D  }
0xad: {  	_ =	swait.eq @p0 [sflag:s6], $0x1  }
0xae: {  	[sflag:s6] =	ssyncadd.s32 @p0 $0xFFFFFFFF  }
0xaf: {  	s7 =	sshll.u32 @!p0 s1, $0xE  }
0xb0: {  	s7 =	sor.u32 @!p0 $0x4000, s7;
	s6 =	simm.s32 @!p0 $0x1B8D  }
0xb1: {  	s5 =	sshll.u32 @!p0 s5, $0x11;
	s7 =	sadd.s32 @!p0 $0x11B8D, s7;
	_ =	swait.eq @!p0 [sflag:s6], $0x1  }
0xb2: {  	s5 =	sor.u32 @!p0 s5, s7;
	[sflag:s6] =	ssyncadd.s32 @!p0 $0xFFFFFFFF  }
0xb3: {  	s25 =	simm.s32 $0x1B8E;
	s24 =	sld [smem:$0x3FFE];
	[sflag:s5] =	ssyncadd.remote.s32 @!p0 $0x1  }
0xb4: {  	s26 =	simm.s32 $execute0_lowered;
	[smem:$0x3FD2] =	sst s25  }
0xb5: {  	s6 =	sshll.u32 s26, $0x1;
	_ =	strace $0x80000049;
	[dreg:$0x1] =	wrdreg $0xFFFFFFFF  }
0xb6: {  	s28 =	simm.s32 $_size_execute0_lowered;
	s4 =	sadd.s32 s4, s6;
	[dreg:$0x0] =	wrdreg $0x0  }
0xb7: {  	s6 =	sshll.u32 s28, $0x1;
	[dreg:$0x2] =	wrdreg s4  }
0xb8: {  	[dreg:$0x3] =	wrdreg s6  }
0xb9: {  	[dreg:$0x4] =	wrdreg $0xC0  }
0xba: {  	_ =	task [dreg:s22], $0x5FFFF  }
0xbb: {  	[dreg:$0x1] =	wrdreg $0xFFFFFFFF  }
0xbc: {  	[dreg:$0x0] =	wrdreg $0x60  }
0xbd: {  	[dreg:$0x2] =	wrdreg s18  }
0xbe: {  	[dreg:$0x3] =	wrdreg s24  }
0xbf: {  	[dreg:$0x4] =	wrdreg $0x84000  }
0xc0: {  	[dreg:$0x5] =	wrdreg $0x9  }
0xc1: {  	_ =	task.clear_ibuf [dreg:s22], $0x6FFFF;
	_ =	strace $0x90000049  }
0xc2: {  	s29 =	simm.s32 $0x9;
	_ =	strace $0x8000004B  }
0xc3: {  	_ =	swait.ge [sflag:s29], $0x1  }
0xc4: {  	[sflag:s29] =	ssyncadd.s32 $0xFFFFFFFF  }
0xc5: {  	_ =	strace $0x9000004B  }
0xc6: {  	_ =	sfence  }
0xc7: {  	s30 =	sld [smem:$0x0];
	_ =	sdelay $0x2  }
0xc8: {  	s31 =	sshll.u32 s1, $0xD;
	s1 =	sshrl.u32 s1, $0x2  }
0xc9: {  	s4 =	sand.u32 $0x4000, s31;
	s1 =	sadd.s32 s1, s30  }
0xca: {  	s0 =	sor.u32 s4, s0;
	s1 =	sshll.u32 s1, $0x11  }
0xcb: {  	s0 =	sor.u32 s1, s0  }
0xcc: {  	s0 =	sadd.s32 $0x8F2B, s0  }
0xcd: {  	[sflag:s0] =	ssyncadd.remote.s32 $0x1  }
0xce: {  	_ =	sfence.sel $0xFFFF  }
0xcf: {  	[dreg:$0x0] =	wrdreg $0xFFFFFFFF;
	(pc) =	sbr.abs _section_cstart, $3  }
0xd0: {  	[dreg:$0x1] =	wrdreg $0xFFFFFFFF  }
0xd1: {  	_ =	task.clear_ibuf [dreg:s22], $0x2FFFF;
	_ =	strace $0x9FFFFFFF  }
0xd2: {  	(tm) =	ssettm $0x7FFFFFFF  }
0xd3: {  	_ =	shalt  }
tec
execute0_lowered:
.L_overlay_start_1:
0x0: {  	(tag) =	ssettag $0x1  }
0x1: {  	s2 =	rddreg [dreg:$0x0]  }
0x2: {  	s0 =	rddreg [dreg:$0x1]  }
0x3: {  	s3 =	rddreg [dreg:$0x2];
	s11 =	stileid.u32;
	s4 =	simm.s32 $0x0  }
0x4: {  	s5 =	srdreg.scid;
	s17 =	simm.s32 $0x7;
	s18 =	simm.s32 $0x100  }
0x5: {  	s28 =	simm.s32 $0x5;
	s29 =	simm.s32 $0x2;
	s30 =	simm.s32 $0x180  }
0x6: {  	s31 =	simm.s32 $0x6;
	s1 =	smul.u32 $0x13C00, s11;
	[smem:$0x7FF] =	sst s4  }
0x7: {  	s5 =	sand.u32 $0x1, s5;
	s8 =	sadd.s32 $0x15A00, s0;
	s20 =	smul.u32 $0x4F000, s11  }
0x8: {  	s22 =	smul.u32 $0x50, s11;
	s23 =	sshll.u32 s11, $0x6;
	_ =	strace $0x8000004A  }
0x9: {  	s7 =	smul.u32 $0x13C000, s5;
	s9 =	sshll.u32 s5, $0x4;
	s10 =	ssub.s32 $0x2, s5  }
0xa: {  	s5 =	smul.u32 $0x500, s5;
	s6 =	sshrl.u32 s1, $0x3;
	s19 =	sor.u32 s11, s9  }
0xb: {  	s21 =	sshrl.u32 s10, $0x1;
	s9 =	sshrl.u32 s20, $0x2;
	s20 =	simm.s32 $0x300  }
0xc: {  	s6 =	sadd.s32 s6, s0;
	s1 =	sadd.s32 s1, s7;
	s7 =	smul.u32 $0xA00, s19  }
0xd: {  	s9 =	sadd.s32 s9, s3;
	s5 =	sadd.s32 s22, s5;
	s19 =	simm.s32 $0x200  }
0xe: {  	s22 =	simm.s32 $0x4;
	s1 =	sshrl.u32 s1, $0x3;
	s6 =	sadd.s32 $0x29A00, s6  }
0xf: {  	s5 =	sshll.u32 s5, $0x5;
	s16 =	sshrl.u32 s9, $0x3;
	s0 =	sadd.s32 s1, s0  }
0x10: {  	s1 =	ssub.s32 s10, s21;
	[dreg:$0x4] =	wrdreg s6;
	s6 =	sor.u32 $0x1C07, s23  }
0x11: {  	s7 =	sadd.s32 s8, s7;
	s12 =	sadd.s32 s5, s8;
	s21 =	simm.s32 $0x3  }
0x12: {  	s23 =	simm.s32 $0x80;
	s5 =	simm.s32 $0x0;
	s24 =	sadd.s32 $0x20, s7  }
0x13: {  	s25 =	sadd.s32 $0x40, s7;
	s26 =	sadd.s32 $0x60, s7;
	[dreg:$0x5] =	wrdreg s24  }
0x14: {  	s0 =	sadd.s32 $0x51200, s0;
	s13 =	smax.u32 s1, $0x1;
	[dreg:$0x6] =	wrdreg s25  }
0x15: {  	s14 =	sadd.s32 $0xC0, s12;
	s15 =	sadd.s32 $0x80, s12;
	[dreg:$0x7] =	wrdreg s26  }
0x16: {  	s1 =	simm.s32 $0x380;
	[dreg:$0x8] =	wrdreg s0;
	s24 =	simm.s32 $0x400  }
0x17: {  	s25 =	simm.s32 $0x4400;
	s26 =	simm.s32 $0x1;
	s0 =	simm.s32 $0x280  }
.LBB2_1:
0x18: {  	s8 =	rddreg [dreg:$0x4]  }
0x19: {  	[spmem:s16], [sflag:s6] =	dma.local [hbm:s8], $0x2780  }
0x1a: {  	_ =	swait.ge [sflag:s17], $0x2780  }
0x1b: {  	[sflag:s17] =	ssyncset.done $0x0  }
0x1c: {  	[sflag:s17] =	ssyncadd.s32 $0xFFFFD880  }
0x1d: {  	[bflag:$0x0] =	sbarrier.arrive $0xFFFF  }
0x1e: {  	[tilespmem:s4], [sflag:$0x3] =	stream.linear.gather [hbm4b:s7+s4], $0x100, $0x38;
	[tilespmem:$0x1C000] =	vst v63  }
0x1f: {  	s9 =	rddreg [dreg:$0x5]  }
0x20: {  	[tilespmem:s18], [sflag:$0x4] =	stream.linear.gather [hbm4b:s9+s4], $0x100, $0x38;
	[tilespmem:$0x1C000] =	vst v63  }
0x21: {  	s10 =	rddreg [dreg:$0x6]  }
0x22: {  	[tilespmem:s19], [sflag:$0x5] =	stream.linear.gather [hbm4b:s10+s4], $0x100, $0x38;
	[tilespmem:$0x1C000] =	vst v63  }
0x23: {  	s11 =	rddreg [dreg:$0x7]  }
0x24: {  	[tilespmem:s20], [sflag:$0x6] =	stream.linear.gather [hbm4b:s11+s4], $0x100, $0x38;
	[tilespmem:$0x1C000] =	vst v63  }
0x25: {  	_ =	swait.ge [sflag:s21], $0x100  }
0x26: {  	[sflag:s21] =	ssyncset.done $0x0  }
0x27: {  	[sflag:s21] =	ssyncadd.s32 $0xFFFFFF00  }
0x28: {  	_ =	swait.ge [sflag:s22], $0x100  }
0x29: {  	[sflag:s22] =	ssyncset.done $0x0  }
0x2a: {  	[sflag:s22] =	ssyncadd.s32 $0xFFFFFF00  }
0x2b: {  	[tilespmem:s24], [sflag:$0x1] =	stream.indirect.gather [hbm4b:s2+s23], $0x80, s4, s23, $0xb8;
	[tilespmem:$0x1C000] =	vst v63  }
0x2c: {  	_ = 	snop  }
0x2d: {  	[tilespmem:s25], [sflag:$0x2] =	stream.indirect.gather [hbm4b:s2+s23], $0x80, s18, s23, $0xb8;
	[tilespmem:$0x1C000] =	vst v63  }
0x2e: {  	_ =	swait.ge [sflag:s26], $0x4000  }
0x2f: {  	[sflag:s26] =	ssyncset.done $0x0  }
0x30: {  	[sflag:s26] =	ssyncadd.s32 $0xFFFFC000  }
0x31: {  	[spmem:s3] =	stream.indirect.scatter.add.f32 [tilespmem:s24], [sflag:$0x7], $0x80, s23, s23, $0xb8;
	[tilespmem:$0x1C000] =	vst v63  }
0x32: {  	_ =	swait.ge [sflag:s17], $0x4000  }
0x33: {  	[sflag:s17] =	ssyncset.done $0x0  }
0x34: {  	[sflag:s17] =	ssyncadd.s32 $0xFFFFC000  }
0x35: {  	_ =	swait.ge [sflag:s28], $0x100  }
0x36: {  	[sflag:s28] =	ssyncset.done $0x0  }
0x37: {  	[sflag:s28] =	ssyncadd.s32 $0xFFFFFF00  }
0x38: {  	[tilespmem:s24], [sflag:$0x1] =	stream.indirect.gather [hbm4b:s2+s23], $0x80, s19, s23, $0xb8;
	[tilespmem:$0x1C000] =	vst v63  }
0x39: {  	s9 =	sadd.s32 $0x0, s15  }
0x3a: {  	[tilespmem:s4], [sflag:$0x3] =	stream.linear.gather [hbm4b:s9+s4], $0x100, $0x38;
	[tilespmem:$0x1C000] =	vst v63  }
0x3b: {  	_ =	swait.ge [sflag:s29], $0x4000  }
0x3c: {  	[sflag:s29] =	ssyncset.done $0x0  }
0x3d: {  	[sflag:s29] =	ssyncadd.s32 $0xFFFFC000  }
0x3e: {  	[spmem:s3] =	stream.indirect.scatter.add.f32 [tilespmem:s25], [sflag:$0x7], $0x80, s30, s23, $0xb8;
	[tilespmem:$0x1C000] =	vst v63  }
0x3f: {  	_ =	swait.ge [sflag:s17], $0x4000  }
0x40: {  	[sflag:s17] =	ssyncset.done $0x0  }
0x41: {  	[sflag:s17] =	ssyncadd.s32 $0xFFFFC000  }
0x42: {  	_ =	swait.ge [sflag:s31], $0x100  }
0x43: {  	[sflag:s31] =	ssyncset.done $0x0  }
0x44: {  	s9 =	sadd.s32 $0x0, s12;
	[sflag:s31] =	ssyncadd.s32 $0xFFFFFF00  }
0x45: {  	[tilespmem:s25], [sflag:$0x2] =	stream.indirect.gather [hbm4b:s2+s23], $0x80, s20, s23, $0xb8;
	[tilespmem:$0x1C000] =	vst v63  }
0x46: {  	s10 =	sadd.s32 $0xA0, s9  }
0x47: {  	[tilespmem:s18], [sflag:$0x4] =	stream.linear.gather [hbm4b:s10+s4], $0x100, $0x38;
	[tilespmem:$0x1C000] =	vst v63  }
0x48: {  	_ =	swait.ge [sflag:s26], $0x4000  }
0x49: {  	[sflag:s26] =	ssyncset.done $0x0  }
0x4a: {  	[sflag:s26] =	ssyncadd.s32 $0xFFFFC000  }
0x4b: {  	[spmem:s3] =	stream.indirect.scatter.add.f32 [tilespmem:s24], [sflag:$0x7], $0x80, s0, s23, $0xb8;
	[tilespmem:$0x1C000] =	vst v63  }
0x4c: {  	_ =	swait.ge [sflag:s17], $0x4000  }
0x4d: {  	[sflag:s17] =	ssyncset.done $0x0  }
0x4e: {  	[sflag:s17] =	ssyncadd.s32 $0xFFFFC000  }
0x4f: {  	_ =	swait.ge [sflag:s21], $0x100  }
0x50: {  	[sflag:s21] =	ssyncset.done $0x0  }
0x51: {  	[sflag:s21] =	ssyncadd.s32 $0xFFFFFF00  }
0x52: {  	[tilespmem:s24], [sflag:$0x1] =	stream.indirect.gather [hbm4b:s2+s23], $0x80, s4, s23, $0xb8;
	[tilespmem:$0x1C000] =	vst v63  }
0x53: {  	s11 =	sadd.s32 $0x0, s14  }
0x54: {  	[tilespmem:s19], [sflag:$0x5] =	stream.linear.gather [hbm4b:s11+s4], $0x100, $0x38;
	[tilespmem:$0x1C000] =	vst v63  }
0x55: {  	_ =	swait.ge [sflag:s29], $0x4000  }
0x56: {  	[sflag:s29] =	ssyncset.done $0x0  }
0x57: {  	[sflag:s29] =	ssyncadd.s32 $0xFFFFC000  }
0x58: {  	[spmem:s3] =	stream.indirect.scatter.add.f32 [tilespmem:s25], [sflag:$0x7], $0x80, s1, s23, $0xb8;
	[tilespmem:$0x1C000] =	vst v63  }
0x59: {  	_ =	swait.ge [sflag:s17], $0x4000  }
0x5a: {  	[sflag:s17] =	ssyncset.done $0x0  }
0x5b: {  	[sflag:s17] =	ssyncadd.s32 $0xFFFFC000  }
0x5c: {  	_ =	swait.ge [sflag:s22], $0x100  }
0x5d: {  	[sflag:s22] =	ssyncset.done $0x0  }
0x5e: {  	s8 =	simm.s32 $0x80;
	s9 =	sadd.s32 $0xE0, s9;
	[sflag:s22] =	ssyncadd.s32 $0xFFFFFF00  }
0x5f: {  	[tilespmem:s25], [sflag:$0x2] =	stream.indirect.gather [hbm4b:s2+s23], $0x80, s18, s23, $0xb8;
	[tilespmem:$0x1C000] =	vst v63  }
.LBB2_2:
0x60: {  	[tilespmem:s20], [sflag:$0x6] =	stream.linear.gather [hbm4b:s9+s4], $0x100, $0x38;
	[tilespmem:$0x1C000] =	vst v63  }
0x61: {  	s9 =	smov.u32 s8  }
0x62: {  	p0 =	sne.s32 s8, $0x900;
	s8 =	sadd.s32 $0x80, s8;
	_ =	swait.ge [sflag:s26], $0x4000  }
0x63: {  	[sflag:s26] =	ssyncset.done $0x0  }
0x64: {  	[sflag:s26] =	ssyncadd.s32 $0xFFFFC000  }
0x65: {  	[spmem:s3] =	stream.indirect.scatter.add.f32 [tilespmem:s24], [sflag:$0x7], $0x80, s23, s23, $0xb8;
	[tilespmem:$0x1C000] =	vst v63  }
0x66: {  	_ =	swait.ge [sflag:s17], $0x4000  }
0x67: {  	[sflag:s17] =	ssyncset.done $0x0  }
0x68: {  	[sflag:s17] =	ssyncadd.s32 $0xFFFFC000  }
0x69: {  	_ =	swait.ge [sflag:s28], $0x100  }
0x6a: {  	[sflag:s28] =	ssyncset.done $0x0  }
0x6b: {  	[sflag:s28] =	ssyncadd.s32 $0xFFFFFF00  }
0x6c: {  	[tilespmem:s24], [sflag:$0x1] =	stream.indirect.gather [hbm4b:s2+s23], $0x80, s19, s23, $0xb8;
	[tilespmem:$0x1C000] =	vst v63  }
0x6d: {  	s10 =	sadd.s32 s9, s15  }
0x6e: {  	[tilespmem:s4], [sflag:$0x3] =	stream.linear.gather [hbm4b:s10+s4], $0x100, $0x38;
	[tilespmem:$0x1C000] =	vst v63  }
0x6f: {  	_ =	swait.ge [sflag:s29], $0x4000  }
0x70: {  	[sflag:s29] =	ssyncset.done $0x0  }
0x71: {  	[sflag:s29] =	ssyncadd.s32 $0xFFFFC000  }
0x72: {  	[spmem:s3] =	stream.indirect.scatter.add.f32 [tilespmem:s25], [sflag:$0x7], $0x80, s30, s23, $0xb8;
	[tilespmem:$0x1C000] =	vst v63  }
0x73: {  	_ =	swait.ge [sflag:s17], $0x4000  }
0x74: {  	[sflag:s17] =	ssyncset.done $0x0  }
0x75: {  	[sflag:s17] =	ssyncadd.s32 $0xFFFFC000  }
0x76: {  	_ =	swait.ge [sflag:s31], $0x100  }
0x77: {  	[sflag:s31] =	ssyncset.done $0x0  }
0x78: {  	s10 =	sadd.s32 s9, s12;
	[sflag:s31] =	ssyncadd.s32 $0xFFFFFF00  }
0x79: {  	[tilespmem:s25], [sflag:$0x2] =	stream.indirect.gather [hbm4b:s2+s23], $0x80, s20, s23, $0xb8;
	[tilespmem:$0x1C000] =	vst v63  }
0x7a: {  	s11 =	sadd.s32 $0xA0, s10  }
0x7b: {  	[tilespmem:s18], [sflag:$0x4] =	stream.linear.gather [hbm4b:s11+s4], $0x100, $0x38;
	[tilespmem:$0x1C000] =	vst v63  }
0x7c: {  	_ =	swait.ge [sflag:s26], $0x4000  }
0x7d: {  	[sflag:s26] =	ssyncset.done $0x0  }
0x7e: {  	[sflag:s26] =	ssyncadd.s32 $0xFFFFC000  }
0x7f: {  	[spmem:s3] =	stream.indirect.scatter.add.f32 [tilespmem:s24], [sflag:$0x7], $0x80, s0, s23, $0xb8;
	[tilespmem:$0x1C000] =	vst v63  }
0x80: {  	_ =	swait.ge [sflag:s17], $0x4000  }
0x81: {  	[sflag:s17] =	ssyncset.done $0x0  }
0x82: {  	[sflag:s17] =	ssyncadd.s32 $0xFFFFC000  }
0x83: {  	_ =	swait.ge [sflag:s21], $0x100  }
0x84: {  	[sflag:s21] =	ssyncset.done $0x0  }
0x85: {  	[sflag:s21] =	ssyncadd.s32 $0xFFFFFF00  }
0x86: {  	[tilespmem:s24], [sflag:$0x1] =	stream.indirect.gather [hbm4b:s2+s23], $0x80, s4, s23, $0xb8;
	[tilespmem:$0x1C000] =	vst v63  }
0x87: {  	s9 =	sadd.s32 s9, s14  }
0x88: {  	[tilespmem:s19], [sflag:$0x5] =	stream.linear.gather [hbm4b:s9+s4], $0x100, $0x38;
	[tilespmem:$0x1C000] =	vst v63  }
0x89: {  	_ =	swait.ge [sflag:s29], $0x4000  }
0x8a: {  	[sflag:s29] =	ssyncset.done $0x0  }
0x8b: {  	[sflag:s29] =	ssyncadd.s32 $0xFFFFC000  }
0x8c: {  	[spmem:s3] =	stream.indirect.scatter.add.f32 [tilespmem:s25], [sflag:$0x7], $0x80, s1, s23, $0xb8;
	[tilespmem:$0x1C000] =	vst v63  }
0x8d: {  	_ =	swait.ge [sflag:s17], $0x4000  }
0x8e: {  	[sflag:s17] =	ssyncset.done $0x0  }
0x8f: {  	[sflag:s17] =	ssyncadd.s32 $0xFFFFC000  }
.Ltmp0:
0x90: {  	_ =	swait.ge [sflag:s22], $0x100;
	(pc) =	sbr.rel @p0 .LBB2_2-.Ltmp0, $4  }
0x91: {  	[sflag:s22] =	ssyncset.done $0x0  }
0x92: {  	[sflag:s22] =	ssyncadd.s32 $0xFFFFFF00  }
0x93: {  	[tilespmem:s25], [sflag:$0x2] =	stream.indirect.gather [hbm4b:s2+s23], $0x80, s18, s23, $0xb8;
	[tilespmem:$0x1C000] =	vst v63  }
0x94: {  	s9 =	sadd.s32 $0xE0, s10  }
0x95: {  	[tilespmem:s20], [sflag:$0x6] =	stream.linear.gather [hbm4b:s9+s4], $0x100, $0x38;
	[tilespmem:$0x1C000] =	vst v63  }
0x96: {  	_ =	swait.ge [sflag:s26], $0x4000  }
0x97: {  	[sflag:s26] =	ssyncset.done $0x0  }
0x98: {  	[sflag:s26] =	ssyncadd.s32 $0xFFFFC000  }
0x99: {  	[spmem:s3] =	stream.indirect.scatter.add.f32 [tilespmem:s24], [sflag:$0x7], $0x80, s23, s23, $0xb8;
	[tilespmem:$0x1C000] =	vst v63  }
0x9a: {  	_ =	swait.ge [sflag:s17], $0x4000  }
0x9b: {  	[sflag:s17] =	ssyncset.done $0x0  }
0x9c: {  	[sflag:s17] =	ssyncadd.s32 $0xFFFFC000  }
0x9d: {  	_ =	swait.ge [sflag:s28], $0x100  }
0x9e: {  	[sflag:s28] =	ssyncset.done $0x0  }
0x9f: {  	[sflag:s28] =	ssyncadd.s32 $0xFFFFFF00  }
0xa0: {  	[tilespmem:s24], [sflag:$0x1] =	stream.indirect.gather [hbm4b:s2+s23], $0x80, s19, s23, $0xb8;
	[tilespmem:$0x1C000] =	vst v63  }
0xa1: {  	_ =	swait.ge [sflag:s29], $0x4000  }
0xa2: {  	[sflag:s29] =	ssyncset.done $0x0  }
0xa3: {  	[sflag:s29] =	ssyncadd.s32 $0xFFFFC000  }
0xa4: {  	[spmem:s3] =	stream.indirect.scatter.add.f32 [tilespmem:s25], [sflag:$0x7], $0x80, s30, s23, $0xb8;
	[tilespmem:$0x1C000] =	vst v63  }
0xa5: {  	_ =	swait.ge [sflag:s17], $0x4000  }
0xa6: {  	[sflag:s17] =	ssyncset.done $0x0  }
0xa7: {  	[sflag:s17] =	ssyncadd.s32 $0xFFFFC000  }
0xa8: {  	_ =	swait.ge [sflag:s31], $0x100  }
0xa9: {  	[sflag:s31] =	ssyncset.done $0x0  }
0xaa: {  	[sflag:s31] =	ssyncadd.s32 $0xFFFFFF00  }
0xab: {  	[tilespmem:s25], [sflag:$0x2] =	stream.indirect.gather [hbm4b:s2+s23], $0x80, s20, s23, $0xb8;
	[tilespmem:$0x1C000] =	vst v63  }
0xac: {  	_ =	swait.ge [sflag:s26], $0x4000  }
0xad: {  	[sflag:s26] =	ssyncset.done $0x0  }
0xae: {  	[sflag:s26] =	ssyncadd.s32 $0xFFFFC000  }
0xaf: {  	[spmem:s3] =	stream.indirect.scatter.add.f32 [tilespmem:s24], [sflag:$0x7], $0x80, s0, s23, $0xb8;
	[tilespmem:$0x1C000] =	vst v63  }
0xb0: {  	_ =	swait.ge [sflag:s17], $0x4000  }
0xb1: {  	[sflag:s17] =	ssyncset.done $0x0  }
0xb2: {  	[sflag:s17] =	ssyncadd.s32 $0xFFFFC000  }
0xb3: {  	_ =	swait.ge [sflag:s29], $0x4000  }
0xb4: {  	[sflag:s29] =	ssyncset.done $0x0  }
0xb5: {  	[sflag:s29] =	ssyncadd.s32 $0xFFFFC000  }
0xb6: {  	[spmem:s3] =	stream.indirect.scatter.add.f32 [tilespmem:s25], [sflag:$0x7], $0x80, s1, s23, $0xb8;
	[tilespmem:$0x1C000] =	vst v63  }
0xb7: {  	_ =	swait.ge [sflag:s17], $0x4000  }
0xb8: {  	[sflag:s17] =	ssyncset.done $0x0  }
0xb9: {  	s5 =	sadd.s32 $0x1, s5;
	[sflag:s17] =	ssyncadd.s32 $0xFFFFC000  }
0xba: {  	p0 =	sne.s32 s5, s13;
	[bflag:$0x0] =	sbarrier.arrive $0xFFFF  }
.Ltmp1:
0xbb: {  	s8 =	rddreg [dreg:$0x8];
	(pc) =	sbr.rel @p0 .LBB2_1-.Ltmp1, $4  }
0xbc: {  	[hbm:s8], [sflag:s6] =	dma.local [spmem:s16], $0x2780  }
0xbd: {  	_ =	swait.ge [sflag:s17], $0x2780  }
0xbe: {  	[sflag:s17] =	ssyncset.done $0x0  }
0xbf: {  	[sflag:s17] =	ssyncadd.s32 $0xFFFFD880  }
0xc0: {  	_ =	sfence.sel $0x180000  }
0xc1: {  	[bflag:$0x0] =	sbarrier.arrive $0xFFFF  }
0xc2: {  	_ =	strace $0x9000004A  }
0xc3: {  	s0 =	stileid.u32;
	[bflag:$0x2] =	sbarrier.arrive $0xFFFF  }
0xc4: {  	p0 =	sne.s32 s0, $0x0;
	s0 =	rddreg [dreg:$0x3]  }
0xc5: {  	s0 =	sadd.s32 @!p0 $0x100000, s0  }
0xc6: {  	[sflag:s0] =	ssyncadd.tile.s32 @!p0 $0x1;
	_ =	shalt  }
.Lfunc_end2:
_tile_overlayer_lowered:
.L_overlay_start_2:
0xc7: {  	(tag) =	ssettag $0x2  }
0xc8: {  	s0 =	rddreg [dreg:$0x0];
	s2 =	stileid.u32  }
0xc9: {  	s1 =	rddreg [dreg:$0x1];
	p0 =	sne.s32 s2, $0x0  }
0xca: {  	s3 =	rddreg [dreg:$0x2];
	[bflag:$0x3] =	sbarrier.arrive $0xFFFF;
	s2 =	simm.s32 @!p0 $0x1C07  }
0xcb: {  	[timem:s3], [sflag:s2] =	dma.local @!p0 [hbm:s0], s1  }
0xcc: {  	s0 =	simm.s32 @!p0 $0x7  }
0xcd: {  	_ =	swait.ge @!p0 [sflag:s0], s1  }
0xce: {  	s1 =	ssub.s32 @!p0 $0x0, s1;
	[sflag:s0] =	ssyncset.done @!p0 $0x0  }
0xcf: {  	[sflag:s0] =	ssyncadd.s32 @!p0 s1  }
0xd0: {  	[bflag:$0x3] =	sbarrier.arrive $0xFFFF  }
0xd1: {  	_ =	shalt  }

// kernel: segsum128.7.cloned.1.call-start
scs
__scs_entry_jumppad:
0x0: {  	(pc) =	sbr.rel $0x88, $3  }
0x1: {  	(tag) =	ssettag $0x0;
	lr =	simm.s32 $0x1  }
0x2: {  	[smem:$0x3F95] =	sst lr;
	_ =	strace $0xD0000000  }
0x3: {  	_ = 	snop  }
0x4: {  	_ = 	snop  }
0x5: {  	_ = 	snop  }
0x6: {  	_ = 	snop  }
0x7: {  	_ = 	snop  }
__scs_overlays_trampoline_lowered:
0x8: {  	[smem:$0x3FA4] =	sst s0  }
0x9: {  	[smem:$0x3FA5] =	sst s1  }
0xa: {  	[smem:$0x3FA6] =	sst s2  }
0xb: {  	[smem:$0x3FA7] =	sst s3  }
0xc: {  	[smem:$0x3FA8] =	sst s4  }
0xd: {  	[smem:$0x3FA9] =	sst s5  }
0xe: {  	[smem:$0x3FAA] =	sst s6  }
0xf: {  	[smem:$0x3FAB] =	sst s7  }
0x10: {  	[smem:$0x3FAC] =	sst s8  }
0x11: {  	[smem:$0x3FAD] =	sst s9;
	s0 =	simm.s32 @!p0 $0x0  }
0x12: {  	s1 =	sld [smem:$0x3F93];
	s0 =	simm.s32 @p0 $0x1  }
0x13: {  	[smem:$0x3FAE] =	sst s0;
	s0 =	simm.s32 @!p1 $0x0  }
0x14: {  	s2 =	sld [smem:$0x3F92];
	s0 =	simm.s32 @p1 $0x1  }
0x15: {  	[smem:$0x3FAF] =	sst s0;
	s0 =	simm.s32 @!p2 $0x0  }
0x16: {  	s3 =	sld [smem:$0x3FDB];
	s0 =	simm.s32 @p2 $0x1  }
0x17: {  	s4 =	simm.s32 $0x1BF5;
	[smem:$0x3FB1] =	sst s0  }
0x18: {  	s0 =	sld [smem:$0x3F94];
	_ =	swait.ge [sflag:s4], $0x0  }
0x19: {  	s7 =	sld [smem:$0x3F95]  }
0x1a: {  	s8 =	sadd.s32 $0xFFFFE003, lr  }
0x1b: {  	s9 =	sadd.s32 $0xFFFFFEF7, lr;
	s5 =	simm.s32 $0xFFFFFFFF;
	p2 =	slt.u32 s8, $0xFFFFF086  }
0x1c: {  	p1 =	slt.u32 s9, $0xF7A;
	s5 =	simm.s32 @!p2 $0x0  }
0x1d: {  	s5 =	simm.s32 @p1 $0x1;
	p0 =	seq.s32 s7, s2  }
0x1e: {  	s7 =	smul.u32 @!p0 $0xF7A, s2;
	p2 =	seq.s32 @!p0 s5, $0x0  }
0x1f: {  	s9 =	smul.u32 $0xF7A, s1;
	s8 =	simm.s32 @!p0 $0x1BF5;
	p2 =	por !p2, p0  }
0x20: {  	[sflag:s8] =	ssyncset.s32 @!p0 $0xFFFFF086;
	s6 =	sadd.s32 @!p0 s3, s7;
	s7 =	simm.s32 @!p0 $0x108  }
0x21: {  	s3 =	sadd.s32 s3, s9;
	s6 =	sadd.s32 @!p0 $0x88, s6;
	s7 =	simm.s32 @p2 $0x1082  }
0x22: {  	[simem:s7], [sflag:s8] =	dma.local @!p0 [hbm:s6], $0xF7A  }
0x23: {  	s9 =	sor.u32 $0xD0000000, s2;
	s6 =	simm.s32 $0x108;
	_ =	swait.ge @!p0 [sflag:s8], $0x0  }
0x24: {  	s3 =	sadd.s32 $0x88, s3;
	s6 =	simm.s32 @!p1 $0x1082;
	[sflag:s4] =	ssyncset.s32 $0xFFFFF086  }
0x25: {  	[simem:s6], [sflag:s4] =	dma.local [hbm:s3], $0xF7A  }
0x26: {  	[smem:$0x3F95] =	sst s1;
	(tag) =	ssettag s2;
	_ =	strace s9  }
0x27: {  	s1 =	sld [smem:$0x3FA5]  }
0x28: {  	s2 =	sld [smem:$0x3FA6]  }
0x29: {  	s4 =	sld [smem:$0x3FA8]  }
0x2a: {  	p0 =	seq.s32 s5, $0x0;
	s5 =	sld [smem:$0x3FA9]  }
0x2b: {  	s6 =	sld [smem:$0x3FAA]  }
0x2c: {  	s7 =	sld [smem:$0x3FAB]  }
0x2d: {  	s3 =	simm.s32 $0x108;
	s8 =	sld [smem:$0x3FAC]  }
0x2e: {  	s3 =	simm.s32 @!p0 $0x1082;
	s9 =	sld [smem:$0x3FAD]  }
0x2f: {  	lr =	sadd.s32 s0, s3;
	s0 =	sld [smem:$0x3FA4]  }
0x30: {  	s3 =	sld [smem:$0x3FA7]  }
0x31: {  	[smem:$0x3FB0] =	sst s10  }
0x32: {  	s10 =	sld [smem:$0x3FAE];
	_ =	sdelay $0x3  }
0x33: {  	p0 =	seq.s32 s10, $0x1;
	s10 =	sld [smem:$0x3FB0];
	_ =	sdelay $0x3  }
0x34: {  	[smem:$0x3FB0] =	sst s10  }
0x35: {  	s10 =	sld [smem:$0x3FAF];
	_ =	sdelay $0x3  }
0x36: {  	p1 =	seq.s32 s10, $0x1;
	s10 =	sld [smem:$0x3FB0];
	_ =	sdelay $0x3  }
0x37: {  	[smem:$0x3FB0] =	sst s10  }
0x38: {  	s10 =	sld [smem:$0x3FB1]  }
0x39: {  	_ = 	snop;
	(pc) =	sbr.ind lr, $3  }
0x3a: {  	_ = 	snop  }
0x3b: {  	_ = 	snop  }
0x3c: {  	p2 =	seq.s32 s10, $0x1;
	s10 =	sld [smem:$0x3FB0]  }
0x3d: {  	_ =	shalt  }
0x3e: {  	_ =	shalt  }
0x3f: {  	_ =	shalt  }
0x40: {  	_ =	shalt  }
0x41: {  	_ =	shalt  }
0x42: {  	_ =	shalt  }
0x43: {  	_ =	shalt  }
0x44: {  	_ =	shalt  }
0x45: {  	_ =	shalt  }
0x46: {  	_ =	shalt  }
0x47: {  	_ =	shalt  }
0x48: {  	_ =	shalt  }
0x49: {  	_ =	shalt  }
0x4a: {  	_ =	shalt  }
0x4b: {  	_ =	shalt  }
0x4c: {  	_ =	shalt  }
0x4d: {  	_ =	shalt  }
0x4e: {  	_ =	shalt  }
0x4f: {  	_ =	shalt  }
0x50: {  	_ =	shalt  }
0x51: {  	_ =	shalt  }
0x52: {  	_ =	shalt  }
0x53: {  	_ =	shalt  }
0x54: {  	_ =	shalt  }
0x55: {  	_ =	shalt  }
0x56: {  	_ =	shalt  }
0x57: {  	_ =	shalt  }
0x58: {  	_ =	shalt  }
0x59: {  	_ =	shalt  }
0x5a: {  	_ =	shalt  }
0x5b: {  	_ =	shalt  }
0x5c: {  	_ =	shalt  }
0x5d: {  	_ =	shalt  }
0x5e: {  	_ =	shalt  }
0x5f: {  	_ =	shalt  }
0x60: {  	_ =	shalt  }
0x61: {  	_ =	shalt  }
0x62: {  	_ =	shalt  }
0x63: {  	_ =	shalt  }
0x64: {  	_ =	shalt  }
0x65: {  	_ =	shalt  }
0x66: {  	_ =	shalt  }
0x67: {  	_ =	shalt  }
0x68: {  	_ =	shalt  }
0x69: {  	_ =	shalt  }
0x6a: {  	_ =	shalt  }
0x6b: {  	_ =	shalt  }
0x6c: {  	_ =	shalt  }
0x6d: {  	_ =	shalt  }
0x6e: {  	_ =	shalt  }
0x6f: {  	_ =	shalt  }
0x70: {  	_ =	shalt  }
0x71: {  	_ =	shalt  }
0x72: {  	_ =	shalt  }
0x73: {  	_ =	shalt  }
0x74: {  	_ =	shalt  }
0x75: {  	_ =	shalt  }
0x76: {  	_ =	shalt  }
0x77: {  	_ =	shalt  }
0x78: {  	_ =	shalt  }
0x79: {  	_ =	shalt  }
0x7a: {  	_ =	shalt  }
0x7b: {  	_ =	shalt  }
0x7c: {  	_ =	shalt  }
0x7d: {  	_ =	shalt  }
0x7e: {  	_ =	shalt  }
0x7f: {  	_ =	shalt  }
0x80: {  	_ =	shalt  }
0x81: {  	_ =	shalt  }
0x82: {  	_ =	shalt  }
0x83: {  	_ =	shalt  }
0x84: {  	_ =	shalt  }
0x85: {  	_ =	shalt  }
0x86: {  	_ =	shalt  }
0x87: {  	_ =	shalt  }
.Lfunc_end0:
.L_simem_size_0:
called_computation.2_lowered:
.L_overlay_start_0:
0x88: {  	s2 =	sld [smem:$0x3FD9]  }
0x89: {  	s3 =	sld [smem:$0x3FFE];
	_ =	sdelay $0x1  }
0x8a: {  	s1 =	srdreg.scid  }
0x8b: {  	s0 =	sand.u32 $0x1, s1  }
0x8c: {  	s16 =	sshll.u32 s0, $0xA;
	s2 =	sadd.s32 s3, s2  }
0x8d: {  	s2 =	sadd.s32 s2, s16  }
0x8e: {  	[smem:$0x3FBC] =	sst s2  }
0x8f: {  	_ = 	snop  }
0x90: {  	(tm) =	ssettm $0x1  }
0x91: {  	s17 =	sld [smem:$0x3FFB];
	_ =	sdelay $0x3  }
0x92: {  	_ =	strace s17  }
0x93: {  	s2 =	sld [smem:$0x3FFC];
	_ =	sdelay $0x3  }
0x94: {  	_ =	strace s2  }
0x95: {  	s2 =	sld [smem:$0x3FFD];
	_ =	sdelay $0x3  }
0x96: {  	_ =	strace s2  }
0x97: {  	_ =	strace $0x8FFFFFFF  }
0x98: {  	s18 =	sld [smem:$0x3FDB];
	_ =	sdelay $0x1  }
0x99: {  	s19 =	simm.s32 $_scs_section_size  }
0x9a: {  	s4 =	simm.s32 $_size__tile_overlayer_lowered;
	s5 =	simm.s32 $_tile_overlayer_lowered  }
0x9b: {  	s22 =	simm.s32 $0x1BFF;
	s21 =	sshll.u32 s5, $0x1;
	s2 =	sadd.s32 s19, s18  }
0x9c: {  	s6 =	simm.s32 $0x0;
	s20 =	sshll.u32 s4, $0x1;
	s4 =	sadd.s32 s21, s2  }
0x9d: {  	[timem:s6], [sflag:s22] =	dma.local [hbm:s4], s20  }
0x9e: {  	_ =	swait.ge [sflag:s22], s20  }
0x9f: {  	s3 =	ssub.s32 $0x0, s20;
	[sflag:s22] =	ssyncset.done $0x0  }
0xa0: {  	[sflag:s22] =	ssyncadd.s32 s3;
	_ =	sdelay $0x1  }
0xa1: {  	s23 =	simm.s32 $0x1B8B  }
0xa2: {  	_ =	swait.ge [sflag:s23], $0x1  }
0xa3: {  	[sflag:s23] =	ssyncset.done $0x0  }
0xa4: {  	s25 =	simm.s32 $0x1B8E;
	s24 =	sld [smem:$0x3FFE];
	[sflag:s23] =	ssyncadd.s32 $0xFFFFFFFF  }
0xa5: {  	s26 =	simm.s32 $execute0_lowered;
	[smem:$0x3FD2] =	sst s25  }
0xa6: {  	s4 =	sshll.u32 s26, $0x1;
	_ =	strace $0x8000004C;
	[dreg:$0x1] =	wrdreg $0xFFFFFFFF  }
0xa7: {  	s28 =	simm.s32 $_size_execute0_lowered;
	s2 =	sadd.s32 s2, s4;
	[dreg:$0x0] =	wrdreg $0x0  }
0xa8: {  	s4 =	sshll.u32 s28, $0x1;
	[dreg:$0x2] =	wrdreg s2  }
0xa9: {  	[dreg:$0x3] =	wrdreg s4  }
0xaa: {  	[dreg:$0x4] =	wrdreg $0xC0  }
0xab: {  	_ =	task [dreg:s6], $0x5FFFF  }
0xac: {  	[dreg:$0x1] =	wrdreg $0xFFFFFFFF  }
0xad: {  	[dreg:$0x0] =	wrdreg $0x60  }
0xae: {  	[dreg:$0x2] =	wrdreg s24  }
0xaf: {  	[dreg:$0x3] =	wrdreg $0x84000  }
0xb0: {  	[dreg:$0x4] =	wrdreg $0x9  }
0xb1: {  	_ =	task.clear_ibuf [dreg:s6], $0x5FFFF;
	_ =	strace $0x9000004C  }
0xb2: {  	s29 =	simm.s32 $0x9;
	_ =	strace $0x8000004E  }
0xb3: {  	_ =	swait.ge [sflag:s29], $0x1  }
0xb4: {  	[sflag:s29] =	ssyncadd.s32 $0xFFFFFFFF  }
0xb5: {  	_ =	strace $0x9000004E  }
0xb6: {  	_ =	sfence  }
0xb7: {  	s30 =	sld [smem:$0x0];
	_ =	sdelay $0x2  }
0xb8: {  	s31 =	sshll.u32 s1, $0xD;
	s1 =	sshrl.u32 s1, $0x2  }
0xb9: {  	s3 =	sand.u32 $0x4000, s31;
	s1 =	sadd.s32 s1, s30  }
0xba: {  	s0 =	sor.u32 s3, s0;
	s1 =	sshll.u32 s1, $0x11  }
0xbb: {  	s0 =	sor.u32 s1, s0  }
0xbc: {  	s0 =	sadd.s32 $0x8F2B, s0  }
0xbd: {  	[sflag:s0] =	ssyncadd.remote.s32 $0x1  }
0xbe: {  	_ =	sfence.sel $0xFFFF  }
0xbf: {  	[dreg:$0x0] =	wrdreg $0xFFFFFFFF;
	(pc) =	sbr.abs _section_cstart, $3  }
0xc0: {  	[dreg:$0x1] =	wrdreg $0xFFFFFFFF  }
0xc1: {  	_ =	task.clear_ibuf [dreg:s6], $0x2FFFF;
	_ =	strace $0x9FFFFFFF  }
0xc2: {  	(tm) =	ssettm $0x7FFFFFFF  }
0xc3: {  	_ =	shalt  }
tec
execute0_lowered:
.L_overlay_start_1:
0x0: {  	(tag) =	ssettag $0x1  }
0x1: {  	s0 =	rddreg [dreg:$0x0]  }
0x2: {  	s2 =	rddreg [dreg:$0x1]  }
0x3: {  	s3 =	simm.s32 $0x0;
	s11 =	stileid.u32;
	s4 =	srdreg.scid  }
0x4: {  	s17 =	simm.s32 $0x7;
	s18 =	simm.s32 $0x100;
	s28 =	simm.s32 $0x5  }
0x5: {  	s29 =	simm.s32 $0x2;
	s30 =	simm.s32 $0x180;
	s31 =	simm.s32 $0x6  }
0x6: {  	[smem:$0x7FF] =	sst s3;
	s1 =	smul.u32 $0x13C00, s11;
	s5 =	sand.u32 $0x1, s4  }
0x7: {  	s4 =	sadd.s32 $0x51200, s0;
	s8 =	sadd.s32 $0x15A00, s0;
	s20 =	smul.u32 $0x4F000, s11  }
0x8: {  	s22 =	smul.u32 $0x50, s11;
	s23 =	sshll.u32 s11, $0x6;
	_ =	strace $0x8000004D  }
0x9: {  	s7 =	smul.u32 $0x13C000, s5;
	s9 =	sshll.u32 s5, $0x4;
	s10 =	ssub.s32 $0x2, s5  }
0xa: {  	s5 =	smul.u32 $0x500, s5;
	s6 =	sshrl.u32 s1, $0x3;
	s19 =	sor.u32 s11, s9  }
0xb: {  	s21 =	sshrl.u32 s10, $0x1;
	s9 =	sshrl.u32 s20, $0x2;
	s20 =	simm.s32 $0x300  }
0xc: {  	s6 =	sadd.s32 s6, s0;
	s1 =	sadd.s32 s1, s7;
	s7 =	smul.u32 $0xA00, s19  }
0xd: {  	s9 =	sadd.s32 s9, s2;
	s5 =	sadd.s32 s22, s5;
	s19 =	simm.s32 $0x200  }
0xe: {  	s22 =	simm.s32 $0x4;
	s1 =	sshrl.u32 s1, $0x3;
	s6 =	sadd.s32 $0x29A00, s6  }
0xf: {  	s5 =	sshll.u32 s5, $0x5;
	s16 =	sshrl.u32 s9, $0x3;
	s0 =	sadd.s32 s1, s0  }
0x10: {  	s1 =	ssub.s32 s10, s21;
	[dreg:$0x3] =	wrdreg s6;
	s6 =	sor.u32 $0x1C07, s23  }
0x11: {  	s7 =	sadd.s32 s8, s7;
	s12 =	sadd.s32 s5, s8;
	s21 =	simm.s32 $0x3  }
0x12: {  	s23 =	simm.s32 $0x80;
	s5 =	simm.s32 $0x0;
	s24 =	sadd.s32 $0x20, s7  }
0x13: {  	s25 =	sadd.s32 $0x40, s7;
	s26 =	sadd.s32 $0x60, s7;
	[dreg:$0x4] =	wrdreg s24  }
0x14: {  	s0 =	sadd.s32 $0x78400, s0;
	s13 =	smax.u32 s1, $0x1;
	[dreg:$0x5] =	wrdreg s25  }
0x15: {  	s14 =	sadd.s32 $0xC0, s12;
	s15 =	sadd.s32 $0x80, s12;
	[dreg:$0x6] =	wrdreg s26  }
0x16: {  	s1 =	simm.s32 $0x380;
	[dreg:$0x7] =	wrdreg s0;
	s24 =	simm.s32 $0x400  }
0x17: {  	s25 =	simm.s32 $0x4400;
	s26 =	simm.s32 $0x1;
	s0 =	simm.s32 $0x280  }
.LBB2_1:
0x18: {  	s8 =	rddreg [dreg:$0x3]  }
0x19: {  	[spmem:s16], [sflag:s6] =	dma.local [hbm:s8], $0x2780  }
0x1a: {  	_ =	swait.ge [sflag:s17], $0x2780  }
0x1b: {  	[sflag:s17] =	ssyncset.done $0x0  }
0x1c: {  	[sflag:s17] =	ssyncadd.s32 $0xFFFFD880  }
0x1d: {  	[bflag:$0x0] =	sbarrier.arrive $0xFFFF  }
0x1e: {  	[tilespmem:s3], [sflag:$0x3] =	stream.linear.gather [hbm4b:s7+s3], $0x100, $0x38;
	[tilespmem:$0x1C000] =	vst v63  }
0x1f: {  	s9 =	rddreg [dreg:$0x4]  }
0x20: {  	[tilespmem:s18], [sflag:$0x4] =	stream.linear.gather [hbm4b:s9+s3], $0x100, $0x38;
	[tilespmem:$0x1C000] =	vst v63  }
0x21: {  	s10 =	rddreg [dreg:$0x5]  }
0x22: {  	[tilespmem:s19], [sflag:$0x5] =	stream.linear.gather [hbm4b:s10+s3], $0x100, $0x38;
	[tilespmem:$0x1C000] =	vst v63  }
0x23: {  	s11 =	rddreg [dreg:$0x6]  }
0x24: {  	[tilespmem:s20], [sflag:$0x6] =	stream.linear.gather [hbm4b:s11+s3], $0x100, $0x38;
	[tilespmem:$0x1C000] =	vst v63  }
0x25: {  	_ =	swait.ge [sflag:s21], $0x100  }
0x26: {  	[sflag:s21] =	ssyncset.done $0x0  }
0x27: {  	[sflag:s21] =	ssyncadd.s32 $0xFFFFFF00  }
0x28: {  	_ =	swait.ge [sflag:s22], $0x100  }
0x29: {  	[sflag:s22] =	ssyncset.done $0x0  }
0x2a: {  	[sflag:s22] =	ssyncadd.s32 $0xFFFFFF00  }
0x2b: {  	[tilespmem:s24], [sflag:$0x1] =	stream.indirect.gather [hbm4b:s4+s23], $0x80, s3, s23, $0xb8;
	[tilespmem:$0x1C000] =	vst v63  }
0x2c: {  	_ = 	snop  }
0x2d: {  	[tilespmem:s25], [sflag:$0x2] =	stream.indirect.gather [hbm4b:s4+s23], $0x80, s18, s23, $0xb8;
	[tilespmem:$0x1C000] =	vst v63  }
0x2e: {  	_ =	swait.ge [sflag:s26], $0x4000  }
0x2f: {  	[sflag:s26] =	ssyncset.done $0x0  }
0x30: {  	[sflag:s26] =	ssyncadd.s32 $0xFFFFC000  }
0x31: {  	[spmem:s2] =	stream.indirect.scatter.add.f32 [tilespmem:s24], [sflag:$0x7], $0x80, s23, s23, $0xb8;
	[tilespmem:$0x1C000] =	vst v63  }
0x32: {  	_ =	swait.ge [sflag:s17], $0x4000  }
0x33: {  	[sflag:s17] =	ssyncset.done $0x0  }
0x34: {  	[sflag:s17] =	ssyncadd.s32 $0xFFFFC000  }
0x35: {  	_ =	swait.ge [sflag:s28], $0x100  }
0x36: {  	[sflag:s28] =	ssyncset.done $0x0  }
0x37: {  	[sflag:s28] =	ssyncadd.s32 $0xFFFFFF00  }
0x38: {  	[tilespmem:s24], [sflag:$0x1] =	stream.indirect.gather [hbm4b:s4+s23], $0x80, s19, s23, $0xb8;
	[tilespmem:$0x1C000] =	vst v63  }
0x39: {  	s9 =	sadd.s32 $0x0, s15  }
0x3a: {  	[tilespmem:s3], [sflag:$0x3] =	stream.linear.gather [hbm4b:s9+s3], $0x100, $0x38;
	[tilespmem:$0x1C000] =	vst v63  }
0x3b: {  	_ =	swait.ge [sflag:s29], $0x4000  }
0x3c: {  	[sflag:s29] =	ssyncset.done $0x0  }
0x3d: {  	[sflag:s29] =	ssyncadd.s32 $0xFFFFC000  }
0x3e: {  	[spmem:s2] =	stream.indirect.scatter.add.f32 [tilespmem:s25], [sflag:$0x7], $0x80, s30, s23, $0xb8;
	[tilespmem:$0x1C000] =	vst v63  }
0x3f: {  	_ =	swait.ge [sflag:s17], $0x4000  }
0x40: {  	[sflag:s17] =	ssyncset.done $0x0  }
0x41: {  	[sflag:s17] =	ssyncadd.s32 $0xFFFFC000  }
0x42: {  	_ =	swait.ge [sflag:s31], $0x100  }
0x43: {  	[sflag:s31] =	ssyncset.done $0x0  }
0x44: {  	s9 =	sadd.s32 $0x0, s12;
	[sflag:s31] =	ssyncadd.s32 $0xFFFFFF00  }
0x45: {  	[tilespmem:s25], [sflag:$0x2] =	stream.indirect.gather [hbm4b:s4+s23], $0x80, s20, s23, $0xb8;
	[tilespmem:$0x1C000] =	vst v63  }
0x46: {  	s10 =	sadd.s32 $0xA0, s9  }
0x47: {  	[tilespmem:s18], [sflag:$0x4] =	stream.linear.gather [hbm4b:s10+s3], $0x100, $0x38;
	[tilespmem:$0x1C000] =	vst v63  }
0x48: {  	_ =	swait.ge [sflag:s26], $0x4000  }
0x49: {  	[sflag:s26] =	ssyncset.done $0x0  }
0x4a: {  	[sflag:s26] =	ssyncadd.s32 $0xFFFFC000  }
0x4b: {  	[spmem:s2] =	stream.indirect.scatter.add.f32 [tilespmem:s24], [sflag:$0x7], $0x80, s0, s23, $0xb8;
	[tilespmem:$0x1C000] =	vst v63  }
0x4c: {  	_ =	swait.ge [sflag:s17], $0x4000  }
0x4d: {  	[sflag:s17] =	ssyncset.done $0x0  }
0x4e: {  	[sflag:s17] =	ssyncadd.s32 $0xFFFFC000  }
0x4f: {  	_ =	swait.ge [sflag:s21], $0x100  }
0x50: {  	[sflag:s21] =	ssyncset.done $0x0  }
0x51: {  	[sflag:s21] =	ssyncadd.s32 $0xFFFFFF00  }
0x52: {  	[tilespmem:s24], [sflag:$0x1] =	stream.indirect.gather [hbm4b:s4+s23], $0x80, s3, s23, $0xb8;
	[tilespmem:$0x1C000] =	vst v63  }
0x53: {  	s11 =	sadd.s32 $0x0, s14  }
0x54: {  	[tilespmem:s19], [sflag:$0x5] =	stream.linear.gather [hbm4b:s11+s3], $0x100, $0x38;
	[tilespmem:$0x1C000] =	vst v63  }
0x55: {  	_ =	swait.ge [sflag:s29], $0x4000  }
0x56: {  	[sflag:s29] =	ssyncset.done $0x0  }
0x57: {  	[sflag:s29] =	ssyncadd.s32 $0xFFFFC000  }
0x58: {  	[spmem:s2] =	stream.indirect.scatter.add.f32 [tilespmem:s25], [sflag:$0x7], $0x80, s1, s23, $0xb8;
	[tilespmem:$0x1C000] =	vst v63  }
0x59: {  	_ =	swait.ge [sflag:s17], $0x4000  }
0x5a: {  	[sflag:s17] =	ssyncset.done $0x0  }
0x5b: {  	[sflag:s17] =	ssyncadd.s32 $0xFFFFC000  }
0x5c: {  	_ =	swait.ge [sflag:s22], $0x100  }
0x5d: {  	[sflag:s22] =	ssyncset.done $0x0  }
0x5e: {  	s8 =	simm.s32 $0x80;
	s9 =	sadd.s32 $0xE0, s9;
	[sflag:s22] =	ssyncadd.s32 $0xFFFFFF00  }
0x5f: {  	[tilespmem:s25], [sflag:$0x2] =	stream.indirect.gather [hbm4b:s4+s23], $0x80, s18, s23, $0xb8;
	[tilespmem:$0x1C000] =	vst v63  }
.LBB2_2:
0x60: {  	[tilespmem:s20], [sflag:$0x6] =	stream.linear.gather [hbm4b:s9+s3], $0x100, $0x38;
	[tilespmem:$0x1C000] =	vst v63  }
0x61: {  	s9 =	smov.u32 s8  }
0x62: {  	p0 =	sne.s32 s8, $0x900;
	s8 =	sadd.s32 $0x80, s8;
	_ =	swait.ge [sflag:s26], $0x4000  }
0x63: {  	[sflag:s26] =	ssyncset.done $0x0  }
0x64: {  	[sflag:s26] =	ssyncadd.s32 $0xFFFFC000  }
0x65: {  	[spmem:s2] =	stream.indirect.scatter.add.f32 [tilespmem:s24], [sflag:$0x7], $0x80, s23, s23, $0xb8;
	[tilespmem:$0x1C000] =	vst v63  }
0x66: {  	_ =	swait.ge [sflag:s17], $0x4000  }
0x67: {  	[sflag:s17] =	ssyncset.done $0x0  }
0x68: {  	[sflag:s17] =	ssyncadd.s32 $0xFFFFC000  }
0x69: {  	_ =	swait.ge [sflag:s28], $0x100  }
0x6a: {  	[sflag:s28] =	ssyncset.done $0x0  }
0x6b: {  	[sflag:s28] =	ssyncadd.s32 $0xFFFFFF00  }
0x6c: {  	[tilespmem:s24], [sflag:$0x1] =	stream.indirect.gather [hbm4b:s4+s23], $0x80, s19, s23, $0xb8;
	[tilespmem:$0x1C000] =	vst v63  }
0x6d: {  	s10 =	sadd.s32 s9, s15  }
0x6e: {  	[tilespmem:s3], [sflag:$0x3] =	stream.linear.gather [hbm4b:s10+s3], $0x100, $0x38;
	[tilespmem:$0x1C000] =	vst v63  }
0x6f: {  	_ =	swait.ge [sflag:s29], $0x4000  }
0x70: {  	[sflag:s29] =	ssyncset.done $0x0  }
0x71: {  	[sflag:s29] =	ssyncadd.s32 $0xFFFFC000  }
0x72: {  	[spmem:s2] =	stream.indirect.scatter.add.f32 [tilespmem:s25], [sflag:$0x7], $0x80, s30, s23, $0xb8;
	[tilespmem:$0x1C000] =	vst v63  }
0x73: {  	_ =	swait.ge [sflag:s17], $0x4000  }
0x74: {  	[sflag:s17] =	ssyncset.done $0x0  }
0x75: {  	[sflag:s17] =	ssyncadd.s32 $0xFFFFC000  }
0x76: {  	_ =	swait.ge [sflag:s31], $0x100  }
0x77: {  	[sflag:s31] =	ssyncset.done $0x0  }
0x78: {  	s10 =	sadd.s32 s9, s12;
	[sflag:s31] =	ssyncadd.s32 $0xFFFFFF00  }
0x79: {  	[tilespmem:s25], [sflag:$0x2] =	stream.indirect.gather [hbm4b:s4+s23], $0x80, s20, s23, $0xb8;
	[tilespmem:$0x1C000] =	vst v63  }
0x7a: {  	s11 =	sadd.s32 $0xA0, s10  }
0x7b: {  	[tilespmem:s18], [sflag:$0x4] =	stream.linear.gather [hbm4b:s11+s3], $0x100, $0x38;
	[tilespmem:$0x1C000] =	vst v63  }
0x7c: {  	_ =	swait.ge [sflag:s26], $0x4000  }
0x7d: {  	[sflag:s26] =	ssyncset.done $0x0  }
0x7e: {  	[sflag:s26] =	ssyncadd.s32 $0xFFFFC000  }
0x7f: {  	[spmem:s2] =	stream.indirect.scatter.add.f32 [tilespmem:s24], [sflag:$0x7], $0x80, s0, s23, $0xb8;
	[tilespmem:$0x1C000] =	vst v63  }
0x80: {  	_ =	swait.ge [sflag:s17], $0x4000  }
0x81: {  	[sflag:s17] =	ssyncset.done $0x0  }
0x82: {  	[sflag:s17] =	ssyncadd.s32 $0xFFFFC000  }
0x83: {  	_ =	swait.ge [sflag:s21], $0x100  }
0x84: {  	[sflag:s21] =	ssyncset.done $0x0  }
0x85: {  	[sflag:s21] =	ssyncadd.s32 $0xFFFFFF00  }
0x86: {  	[tilespmem:s24], [sflag:$0x1] =	stream.indirect.gather [hbm4b:s4+s23], $0x80, s3, s23, $0xb8;
	[tilespmem:$0x1C000] =	vst v63  }
0x87: {  	s9 =	sadd.s32 s9, s14  }
0x88: {  	[tilespmem:s19], [sflag:$0x5] =	stream.linear.gather [hbm4b:s9+s3], $0x100, $0x38;
	[tilespmem:$0x1C000] =	vst v63  }
0x89: {  	_ =	swait.ge [sflag:s29], $0x4000  }
0x8a: {  	[sflag:s29] =	ssyncset.done $0x0  }
0x8b: {  	[sflag:s29] =	ssyncadd.s32 $0xFFFFC000  }
0x8c: {  	[spmem:s2] =	stream.indirect.scatter.add.f32 [tilespmem:s25], [sflag:$0x7], $0x80, s1, s23, $0xb8;
	[tilespmem:$0x1C000] =	vst v63  }
0x8d: {  	_ =	swait.ge [sflag:s17], $0x4000  }
0x8e: {  	[sflag:s17] =	ssyncset.done $0x0  }
0x8f: {  	[sflag:s17] =	ssyncadd.s32 $0xFFFFC000  }
.Ltmp0:
0x90: {  	_ =	swait.ge [sflag:s22], $0x100;
	(pc) =	sbr.rel @p0 .LBB2_2-.Ltmp0, $4  }
0x91: {  	[sflag:s22] =	ssyncset.done $0x0  }
0x92: {  	[sflag:s22] =	ssyncadd.s32 $0xFFFFFF00  }
0x93: {  	[tilespmem:s25], [sflag:$0x2] =	stream.indirect.gather [hbm4b:s4+s23], $0x80, s18, s23, $0xb8;
	[tilespmem:$0x1C000] =	vst v63  }
0x94: {  	s9 =	sadd.s32 $0xE0, s10  }
0x95: {  	[tilespmem:s20], [sflag:$0x6] =	stream.linear.gather [hbm4b:s9+s3], $0x100, $0x38;
	[tilespmem:$0x1C000] =	vst v63  }
0x96: {  	_ =	swait.ge [sflag:s26], $0x4000  }
0x97: {  	[sflag:s26] =	ssyncset.done $0x0  }
0x98: {  	[sflag:s26] =	ssyncadd.s32 $0xFFFFC000  }
0x99: {  	[spmem:s2] =	stream.indirect.scatter.add.f32 [tilespmem:s24], [sflag:$0x7], $0x80, s23, s23, $0xb8;
	[tilespmem:$0x1C000] =	vst v63  }
0x9a: {  	_ =	swait.ge [sflag:s17], $0x4000  }
0x9b: {  	[sflag:s17] =	ssyncset.done $0x0  }
0x9c: {  	[sflag:s17] =	ssyncadd.s32 $0xFFFFC000  }
0x9d: {  	_ =	swait.ge [sflag:s28], $0x100  }
0x9e: {  	[sflag:s28] =	ssyncset.done $0x0  }
0x9f: {  	[sflag:s28] =	ssyncadd.s32 $0xFFFFFF00  }
0xa0: {  	[tilespmem:s24], [sflag:$0x1] =	stream.indirect.gather [hbm4b:s4+s23], $0x80, s19, s23, $0xb8;
	[tilespmem:$0x1C000] =	vst v63  }
0xa1: {  	_ =	swait.ge [sflag:s29], $0x4000  }
0xa2: {  	[sflag:s29] =	ssyncset.done $0x0  }
0xa3: {  	[sflag:s29] =	ssyncadd.s32 $0xFFFFC000  }
0xa4: {  	[spmem:s2] =	stream.indirect.scatter.add.f32 [tilespmem:s25], [sflag:$0x7], $0x80, s30, s23, $0xb8;
	[tilespmem:$0x1C000] =	vst v63  }
0xa5: {  	_ =	swait.ge [sflag:s17], $0x4000  }
0xa6: {  	[sflag:s17] =	ssyncset.done $0x0  }
0xa7: {  	[sflag:s17] =	ssyncadd.s32 $0xFFFFC000  }
0xa8: {  	_ =	swait.ge [sflag:s31], $0x100  }
0xa9: {  	[sflag:s31] =	ssyncset.done $0x0  }
0xaa: {  	[sflag:s31] =	ssyncadd.s32 $0xFFFFFF00  }
0xab: {  	[tilespmem:s25], [sflag:$0x2] =	stream.indirect.gather [hbm4b:s4+s23], $0x80, s20, s23, $0xb8;
	[tilespmem:$0x1C000] =	vst v63  }
0xac: {  	_ =	swait.ge [sflag:s26], $0x4000  }
0xad: {  	[sflag:s26] =	ssyncset.done $0x0  }
0xae: {  	[sflag:s26] =	ssyncadd.s32 $0xFFFFC000  }
0xaf: {  	[spmem:s2] =	stream.indirect.scatter.add.f32 [tilespmem:s24], [sflag:$0x7], $0x80, s0, s23, $0xb8;
	[tilespmem:$0x1C000] =	vst v63  }
0xb0: {  	_ =	swait.ge [sflag:s17], $0x4000  }
0xb1: {  	[sflag:s17] =	ssyncset.done $0x0  }
0xb2: {  	[sflag:s17] =	ssyncadd.s32 $0xFFFFC000  }
0xb3: {  	_ =	swait.ge [sflag:s29], $0x4000  }
0xb4: {  	[sflag:s29] =	ssyncset.done $0x0  }
0xb5: {  	[sflag:s29] =	ssyncadd.s32 $0xFFFFC000  }
0xb6: {  	[spmem:s2] =	stream.indirect.scatter.add.f32 [tilespmem:s25], [sflag:$0x7], $0x80, s1, s23, $0xb8;
	[tilespmem:$0x1C000] =	vst v63  }
0xb7: {  	_ =	swait.ge [sflag:s17], $0x4000  }
0xb8: {  	[sflag:s17] =	ssyncset.done $0x0  }
0xb9: {  	s5 =	sadd.s32 $0x1, s5;
	[sflag:s17] =	ssyncadd.s32 $0xFFFFC000  }
0xba: {  	p0 =	sne.s32 s5, s13;
	[bflag:$0x0] =	sbarrier.arrive $0xFFFF  }
.Ltmp1:
0xbb: {  	s8 =	rddreg [dreg:$0x7];
	(pc) =	sbr.rel @p0 .LBB2_1-.Ltmp1, $4  }
0xbc: {  	[hbm:s8], [sflag:s6] =	dma.local [spmem:s16], $0x2780  }
0xbd: {  	_ =	swait.ge [sflag:s17], $0x2780  }
0xbe: {  	[sflag:s17] =	ssyncset.done $0x0  }
0xbf: {  	[sflag:s17] =	ssyncadd.s32 $0xFFFFD880  }
0xc0: {  	_ =	sfence.sel $0x180000  }
0xc1: {  	[bflag:$0x0] =	sbarrier.arrive $0xFFFF  }
0xc2: {  	_ =	strace $0x9000004D  }
0xc3: {  	s0 =	stileid.u32;
	[bflag:$0x2] =	sbarrier.arrive $0xFFFF  }
0xc4: {  	p0 =	sne.s32 s0, $0x0;
	s0 =	rddreg [dreg:$0x2]  }
0xc5: {  	s0 =	sadd.s32 @!p0 $0x100000, s0  }
0xc6: {  	[sflag:s0] =	ssyncadd.tile.s32 @!p0 $0x1;
	_ =	shalt  }
.Lfunc_end2:
_tile_overlayer_lowered:
.L_overlay_start_2:
0xc7: {  	(tag) =	ssettag $0x2  }
0xc8: {  	s0 =	rddreg [dreg:$0x0];
	s2 =	stileid.u32  }
0xc9: {  	s1 =	rddreg [dreg:$0x1];
	p0 =	sne.s32 s2, $0x0  }
0xca: {  	s3 =	rddreg [dreg:$0x2];
	[bflag:$0x3] =	sbarrier.arrive $0xFFFF;
	s2 =	simm.s32 @!p0 $0x1C07  }
0xcb: {  	[timem:s3], [sflag:s2] =	dma.local @!p0 [hbm:s0], s1  }
0xcc: {  	s0 =	simm.s32 @!p0 $0x7  }
0xcd: {  	_ =	swait.ge @!p0 [sflag:s0], s1  }
0xce: {  	s1 =	ssub.s32 @!p0 $0x0, s1;
	[sflag:s0] =	ssyncset.done @!p0 $0x0  }
0xcf: {  	[sflag:s0] =	ssyncadd.s32 @!p0 s1  }
0xd0: {  	[bflag:$0x3] =	sbarrier.arrive $0xFFFF  }
0xd1: {  	_ =	shalt  }

</sc_bundles>
